<compile_context>
chip_gen: v7x
topology: tpu7x:2x2x1
jax: 0.10.2.dev20260603
libtpu: 0.0.44.dev20260713+nightly
codegen_flags: <defaults>
</compile_context>

<pallas_src>
import functools

import jax
import jax.numpy as jnp
from jax import lax
from jax.experimental import pallas as pl
from jax.experimental.pallas import tpu as pltpu
from jax.experimental.pallas import tpu_sc as plsc

N = 10000
E = 320000
D = 128
T = 2
S = 512
K = 64

NC = 2
NS = 16
L = 16

EC = 352
EPT_CH = 29
EPT = EPT_CH * EC
E_PAD = EPT * NS * NC
SGT = S // NS
NPT = N // NS
ZREM = NPT - EC


def _sc_body(xbar_hbm, ed_hbm, w_hbm, subg_hbm, out_hbm,
             agg_sp, gbuf, sdw_v, w_v, sgidx_v, sem):
    cid = lax.axis_index("c")
    sid = lax.axis_index("s")

    def _zero_row(i, _):
        for u in range(D // L):
            gbuf[i, u * L:(u + 1) * L] = jnp.zeros((L,), jnp.float32)
        return 0

    lax.fori_loop(0, EC, _zero_row, 0)
    r0 = sid * NPT
    pltpu.sync_copy(gbuf, agg_sp.at[pl.ds(r0, EC), :])
    pltpu.sync_copy(gbuf.at[pl.ds(0, ZREM), :],
                    agg_sp.at[pl.ds(r0 + EC, ZREM), :])

    plsc.subcore_barrier()

    cbase = (cid * NS + sid) * EPT_CH

    def _chunk(g, _):
        pltpu.sync_copy(ed_hbm.at[pl.ds((cbase + g) * (2 * EC), 2 * EC)],
                        sdw_v)
        pltpu.sync_copy(w_hbm.at[pl.ds((cbase + g) * EC, EC)], w_v)
        pltpu.async_copy(xbar_hbm.at[sdw_v.at[pl.ds(0, EC)]], gbuf,
                         sem).wait()

        def _scale(grp, _):
            wvec = w_v[pl.ds(grp * L, L)]
            for el in range(L):
                e = grp * L + el
                ws = wvec[el]
                for u in range(D // L):
                    s = pl.ds(u * L, L)
                    gbuf[e, s] = gbuf[e, s] * ws
            return 0

        lax.fori_loop(0, EC // L, _scale, 0)
        pltpu.sync_copy(gbuf, agg_sp.at[sdw_v.at[pl.ds(EC, EC)]], add=True)
        return 0

    lax.fori_loop(0, EPT_CH, _chunk, 0)

    plsc.subcore_barrier()

    sgbase = sid * SGT
    pltpu.sync_copy(subg_hbm.at[pl.ds(sgbase * K, SGT * K)], sgidx_v)

    def _pool(i, _):
        pltpu.async_copy(agg_sp.at[sgidx_v.at[pl.ds(i * (4 * K), 4 * K)]],
                         gbuf.at[pl.ds(0, 4 * K), :], sem).wait()
        for q2 in range(4):
            def _acc(r, carry):
                return tuple(
                    carry[u] + gbuf[q2 * K + r, u * L:(u + 1) * L]
                    for u in range(D // L))

            acc = lax.fori_loop(
                0, K, _acc, tuple(jnp.zeros((L,), jnp.float32)
                                  for _ in range(D // L)))
            for u in range(D // L):
                gbuf[4 * K + i * 4 + q2, u * L:(u + 1) * L] = acc[u]
        return 0

    lax.fori_loop(0, SGT // 4, _pool, 0)
    pltpu.sync_copy(gbuf.at[pl.ds(4 * K, SGT), :],
                    out_hbm.at[cid, pl.ds(sid * SGT, SGT), :])


_sc_call = functools.partial(
    pl.kernel,
    out_type=jax.ShapeDtypeStruct((NC, S, D), jnp.float32),
    mesh=plsc.VectorSubcoreMesh(core_axis_name="c", subcore_axis_name="s"),
    scratch_types=[
        pltpu.VMEM_SHARED((N, D), jnp.float32),
        pltpu.VMEM((EC, D), jnp.float32),
        pltpu.VMEM((2 * EC,), jnp.int32),
        pltpu.VMEM((EC,), jnp.float32),
        pltpu.VMEM((SGT * K,), jnp.int32),
        pltpu.SemaphoreType.DMA,
    ],
)(_sc_body)


MBLK = 1000


def _mean_body(x_ref, o_ref):
    o_ref[...] = (x_ref[:, 0, :] + x_ref[:, 1, :]) * 0.5


_mean_call = pl.pallas_call(
    _mean_body,
    grid=(N // MBLK,),
    in_specs=[pl.BlockSpec((MBLK, T, D), lambda i: (i, 0, 0))],
    out_specs=pl.BlockSpec((MBLK, D), lambda i: (i, 0)),
    out_shape=jax.ShapeDtypeStruct((N, D), jnp.float32),
)


def _mm_body(pre_ref, w_ref, b_ref, o_ref):
    o_ref[...] = (jnp.dot(pre_ref[0] + pre_ref[1], w_ref[...],
                          preferred_element_type=jnp.float32)
                  + jnp.float32(K) * b_ref[...])


_mm_call = pl.pallas_call(
    _mm_body,
    out_shape=jax.ShapeDtypeStruct((S, D), jnp.float32),
)


def kernel(x, edge_index, edge_weight, subG_node, W, b):
    xbar = _mean_call(x)
    src = edge_index[0].astype(jnp.int32)
    dst = edge_index[1].astype(jnp.int32)
    w = edge_weight.astype(jnp.float32)
    pad = E_PAD - E
    src = jnp.concatenate([src, jnp.zeros((pad,), jnp.int32)])
    dst = jnp.concatenate([dst, jnp.zeros((pad,), jnp.int32)])
    w = jnp.concatenate([w, jnp.zeros((pad,), jnp.float32)])
    ed = jnp.stack([src.reshape(-1, EC), dst.reshape(-1, EC)],
                   axis=1).reshape(-1)
    subg = subG_node.astype(jnp.int32).reshape(S * K)
    pre = _sc_call(xbar, ed, w, subg)
    return _mm_call(pre, W, b.reshape(1, D))

# --- scband reference (transcript-rebuilt; emitter-appended) ---
"""Pipeline reference for scband-gnn-68032281968990 (READ-ONLY COPY).

The authoritative reference and input builder live on the scoring server;
editing this copy changes nothing except your own understanding.
"""

import jax, jax.numpy as jnp
import numpy as np

N = 10000
E = 320000
D = 128
T = 2
S = 512
K = 64


def setup_inputs(seed: int = 0) -> dict:
    key = jax.random.key(seed)
    k1, k2, k3, k4, k5, k6 = jax.random.split(key, 6)
    x = jax.random.normal(k1, (N, T, D), dtype=jnp.float32)
    edge_index = jax.random.randint(k2, (2, E), 0, N).astype(jnp.int64)
    edge_weight = jax.random.uniform(k3, (E,), dtype=jnp.float32)
    subG_node = jax.random.randint(k4, (S, K), 0, N).astype(jnp.int64)
    # learned parameters of the inner conv (GCN-style weighted message passing + linear)
    W = jax.random.normal(k5, (D, D), dtype=jnp.float32) * 0.05
    b = jnp.zeros((D,), dtype=jnp.float32)
    return {"x": x, "edge_index": edge_index, "edge_weight": edge_weight,
            "subG_node": subG_node, "W": W, "b": b}


def _conv(x2d, edge_index, edge_weight, W, b):
    # GCNConv-style: linear transform, then edge-weighted scatter-add aggregation by dst
    h = x2d @ W
    src = edge_index[0]
    dst = edge_index[1]
    msg = h[src] * edge_weight[:, None]
    agg = jnp.zeros_like(h).at[dst].add(msg)
    return agg + b


def reference(x, edge_index, edge_weight, subG_node, W, b):
    # loop over the channel dimension x[:, t, :], applying the shared conv
    embs = []
    for t in range(x.shape[1]):
        e = _conv(x[:, t, :].reshape(x.shape[0], x.shape[-1]), edge_index, edge_weight, W, b)
        embs.append(e.reshape(e.shape[0], 1, e.shape[-1]))
    emb = jnp.concatenate(embs, axis=1)
    emb = jnp.mean(emb, axis=1)
    # pos2sp(subG_node, N) builds a sparse [S, N] indicator matrix (entries with pos >= 0),
    # then sp @ emb == per-subgraph sum of the member-node embeddings.
    mask = (subG_node >= 0).astype(emb.dtype)
    idx = jnp.clip(subG_node, 0, None)
    gathered = emb[idx] * mask[..., None]
    out = jnp.sum(gathered, axis=1)
    return out

if __name__ == "__main__":
    import jax
    _d = setup_inputs()
    print(jax.jit(kernel)(*tuple(_d.values())))

</pallas_src>

<mosaic_0001>
#map = affine_map<(d0, d1) -> (0, 0)>
#map1 = affine_map<(d0, d1) -> (0)>
#map2 = affine_map<(d0, d1) -> (0, 0, 0)>
module attributes {stable_mosaic.version = 14 : i64} {
  func.func @_sc_body(%arg0: i32, %arg1: i32, %arg2: memref<10000x128xf32, #tpu.memory_space<hbm>>, %arg3: memref<653312xi32, #tpu.memory_space<hbm>>, %arg4: memref<326656xf32, #tpu.memory_space<hbm>>, %arg5: memref<32768xi32, #tpu.memory_space<hbm>>, %arg6: memref<2x512x128xf32, #tpu.memory_space<hbm>>, %arg7: memref<10000x128xf32, #tpu.memory_space<vmem_shared>>, %arg8: memref<352x128xf32, #tpu.memory_space<vmem>>, %arg9: memref<704xi32, #tpu.memory_space<vmem>>, %arg10: memref<352xf32, #tpu.memory_space<vmem>>, %arg11: memref<2048xi32, #tpu.memory_space<vmem>>, %arg12: memref<!tpu.dma_semaphore, #tpu.memory_space<semaphore_mem>>) attributes {dimension_semantics = [#tpu.dimension_semantics<core_parallel>, #tpu.dimension_semantics<subcore_parallel>], iteration_bounds = array<i64: 2, 16>, scalar_prefetch = 0 : i64, scratch_operands = 6 : i64, tpu.core_type = #tpu.core_type<sc_vector_subcore>, window_params = [{transform_indices = #map}, {transform_indices = #map1}, {transform_indices = #map1}, {transform_indices = #map1}, {transform_indices = #map2}]} {
    %scan3A = arith.constant 0 : i32
    %scan3A_0 = arith.constant 0 : i32
    %scan3A_1 = arith.constant 352 : i32
    %scan3A_2 = arith.addi %scan3A_0, %scan3A_1 : i32
    %scan3A_3 = arith.constant 1 : i32
    %scan3A_4 = scf.for %scan3A_34 = %scan3A_0 to %scan3A_2 step %scan3A_3 iter_args(%scan3A_35 = %scan3A) -> (i32)  : i32 {
      %broadcast_in_dim3A = arith.constant 0.000000e+00 : f32
      %broadcast_in_dim3A_36 = vector.broadcast %broadcast_in_dim3A : f32 to vector<16xf32>
      %swap3A = arith.index_cast %scan3A_34 : i32 to index
      %swap3A_37 = arith.constant 0 : index
      %swap3A_38 = tpu.vector_load %arg8[%swap3A, %swap3A_37] {strides = array<i32>} : memref<352x128xf32, #tpu.memory_space<vmem>>, vector<1x16xf32>,
      %swap3A_39 = vector.shape_cast %swap3A_38 : vector<1x16xf32> to vector<16xf32>
      %swap3A_40 = vector.shape_cast %broadcast_in_dim3A_36 : vector<16xf32> to vector<1x16xf32>
      tpu.vector_store %arg8[%swap3A, %swap3A_37], %swap3A_40 {strides = array<i32>} : memref<352x128xf32, #tpu.memory_space<vmem>>, vector<1x16xf32>,
      %broadcast_in_dim3A_41 = arith.constant 0.000000e+00 : f32
      %broadcast_in_dim3A_42 = vector.broadcast %broadcast_in_dim3A_41 : f32 to vector<16xf32>
      %swap3A_43 = arith.index_cast %scan3A_34 : i32 to index
      %swap3A_44 = arith.constant 16 : index
      %swap3A_45 = tpu.vector_load %arg8[%swap3A_43, %swap3A_44] {strides = array<i32>} : memref<352x128xf32, #tpu.memory_space<vmem>>, vector<1x16xf32>,
      %swap3A_46 = vector.shape_cast %swap3A_45 : vector<1x16xf32> to vector<16xf32>
      %swap3A_47 = vector.shape_cast %broadcast_in_dim3A_42 : vector<16xf32> to vector<1x16xf32>
      tpu.vector_store %arg8[%swap3A_43, %swap3A_44], %swap3A_47 {strides = array<i32>} : memref<352x128xf32, #tpu.memory_space<vmem>>, vector<1x16xf32>,
      %broadcast_in_dim3A_48 = arith.constant 0.000000e+00 : f32
      %broadcast_in_dim3A_49 = vector.broadcast %broadcast_in_dim3A_48 : f32 to vector<16xf32>
      %swap3A_50 = arith.index_cast %scan3A_34 : i32 to index
      %swap3A_51 = arith.constant 32 : index
      %swap3A_52 = tpu.vector_load %arg8[%swap3A_50, %swap3A_51] {strides = array<i32>} : memref<352x128xf32, #tpu.memory_space<vmem>>, vector<1x16xf32>,
      %swap3A_53 = vector.shape_cast %swap3A_52 : vector<1x16xf32> to vector<16xf32>
      %swap3A_54 = vector.shape_cast %broadcast_in_dim3A_49 : vector<16xf32> to vector<1x16xf32>
      tpu.vector_store %arg8[%swap3A_50, %swap3A_51], %swap3A_54 {strides = array<i32>} : memref<352x128xf32, #tpu.memory_space<vmem>>, vector<1x16xf32>,
      %broadcast_in_dim3A_55 = arith.constant 0.000000e+00 : f32
      %broadcast_in_dim3A_56 = vector.broadcast %broadcast_in_dim3A_55 : f32 to vector<16xf32>
      %swap3A_57 = arith.index_cast %scan3A_34 : i32 to index
      %swap3A_58 = arith.constant 48 : index
      %swap3A_59 = tpu.vector_load %arg8[%swap3A_57, %swap3A_58] {strides = array<i32>} : memref<352x128xf32, #tpu.memory_space<vmem>>, vector<1x16xf32>,
      %swap3A_60 = vector.shape_cast %swap3A_59 : vector<1x16xf32> to vector<16xf32>
      %swap3A_61 = vector.shape_cast %broadcast_in_dim3A_56 : vector<16xf32> to vector<1x16xf32>
      tpu.vector_store %arg8[%swap3A_57, %swap3A_58], %swap3A_61 {strides = array<i32>} : memref<352x128xf32, #tpu.memory_space<vmem>>, vector<1x16xf32>,
      %broadcast_in_dim3A_62 = arith.constant 0.000000e+00 : f32
      %broadcast_in_dim3A_63 = vector.broadcast %broadcast_in_dim3A_62 : f32 to vector<16xf32>
      %swap3A_64 = arith.index_cast %scan3A_34 : i32 to index
      %swap3A_65 = arith.constant 64 : index
      %swap3A_66 = tpu.vector_load %arg8[%swap3A_64, %swap3A_65] {strides = array<i32>} : memref<352x128xf32, #tpu.memory_space<vmem>>, vector<1x16xf32>,
      %swap3A_67 = vector.shape_cast %swap3A_66 : vector<1x16xf32> to vector<16xf32>
      %swap3A_68 = vector.shape_cast %broadcast_in_dim3A_63 : vector<16xf32> to vector<1x16xf32>
      tpu.vector_store %arg8[%swap3A_64, %swap3A_65], %swap3A_68 {strides = array<i32>} : memref<352x128xf32, #tpu.memory_space<vmem>>, vector<1x16xf32>,
      %broadcast_in_dim3A_69 = arith.constant 0.000000e+00 : f32
      %broadcast_in_dim3A_70 = vector.broadcast %broadcast_in_dim3A_69 : f32 to vector<16xf32>
      %swap3A_71 = arith.index_cast %scan3A_34 : i32 to index
      %swap3A_72 = arith.constant 80 : index
      %swap3A_73 = tpu.vector_load %arg8[%swap3A_71, %swap3A_72] {strides = array<i32>} : memref<352x128xf32, #tpu.memory_space<vmem>>, vector<1x16xf32>,
      %swap3A_74 = vector.shape_cast %swap3A_73 : vector<1x16xf32> to vector<16xf32>
      %swap3A_75 = vector.shape_cast %broadcast_in_dim3A_70 : vector<16xf32> to vector<1x16xf32>
      tpu.vector_store %arg8[%swap3A_71, %swap3A_72], %swap3A_75 {strides = array<i32>} : memref<352x128xf32, #tpu.memory_space<vmem>>, vector<1x16xf32>,
      %broadcast_in_dim3A_76 = arith.constant 0.000000e+00 : f32
      %broadcast_in_dim3A_77 = vector.broadcast %broadcast_in_dim3A_76 : f32 to vector<16xf32>
      %swap3A_78 = arith.index_cast %scan3A_34 : i32 to index
      %swap3A_79 = arith.constant 96 : index
      %swap3A_80 = tpu.vector_load %arg8[%swap3A_78, %swap3A_79] {strides = array<i32>} : memref<352x128xf32, #tpu.memory_space<vmem>>, vector<1x16xf32>,
      %swap3A_81 = vector.shape_cast %swap3A_80 : vector<1x16xf32> to vector<16xf32>
      %swap3A_82 = vector.shape_cast %broadcast_in_dim3A_77 : vector<16xf32> to vector<1x16xf32>
      tpu.vector_store %arg8[%swap3A_78, %swap3A_79], %swap3A_82 {strides = array<i32>} : memref<352x128xf32, #tpu.memory_space<vmem>>, vector<1x16xf32>,
      %broadcast_in_dim3A_83 = arith.constant 0.000000e+00 : f32
      %broadcast_in_dim3A_84 = vector.broadcast %broadcast_in_dim3A_83 : f32 to vector<16xf32>
      %swap3A_85 = arith.index_cast %scan3A_34 : i32 to index
      %swap3A_86 = arith.constant 112 : index
      %swap3A_87 = tpu.vector_load %arg8[%swap3A_85, %swap3A_86] {strides = array<i32>} : memref<352x128xf32, #tpu.memory_space<vmem>>, vector<1x16xf32>,
      %swap3A_88 = vector.shape_cast %swap3A_87 : vector<1x16xf32> to vector<16xf32>
      %swap3A_89 = vector.shape_cast %broadcast_in_dim3A_84 : vector<16xf32> to vector<1x16xf32>
      tpu.vector_store %arg8[%swap3A_85, %swap3A_86], %swap3A_89 {strides = array<i32>} : memref<352x128xf32, #tpu.memory_space<vmem>>, vector<1x16xf32>,
      %scan3A_90 = arith.constant 0 : i32
      scf.yield %scan3A_90 : i32
    }
    %scan3A_5 = arith.constant 352 : i32
    %mul3A = arith.constant 625 : i32
    %mul3A_6 = arith.muli %arg1, %mul3A : i32
    "tpu.region"() ({
      %run_scoped3A = tpu.sem_alloc : memref<!tpu.dma_semaphore, #tpu.memory_space<semaphore_mem>>
      %dma_start3A = arith.constant 0 : i32
      %dma_start3A_34 = tpu.memref_slice %arg7[%mul3A_6, %dma_start3A] : memref<10000x128xf32, #tpu.memory_space<vmem_shared>> -> memref<352x128xf32, #tpu.memory_space<vmem_shared>>
      %dma_start3A_35 = arith.constant 0 : i32
      %dma_start3A_36 = tpu.memref_slice %arg7[%mul3A_6, %dma_start3A_35] : memref<10000x128xf32, #tpu.memory_space<vmem_shared>> -> memref<352x128xf32, #tpu.memory_space<vmem_shared>>
      tpu.enqueue_dma source(%arg8 : memref<352x128xf32, #tpu.memory_space<vmem>>) target(%dma_start3A_36 : memref<352x128xf32, #tpu.memory_space<vmem_shared>>) target_semaphore(%run_scoped3A : memref<!tpu.dma_semaphore, #tpu.memory_space<semaphore_mem>>)
      %dma_wait3A = arith.constant 0 : i32
      %dma_wait3A_37 = tpu.memref_slice %arg7[%mul3A_6, %dma_wait3A] : memref<10000x128xf32, #tpu.memory_space<vmem_shared>> -> memref<352x128xf32, #tpu.memory_space<vmem_shared>>
      %dma_wait3A_38 = arith.constant 0 : i32
      %dma_wait3A_39 = tpu.memref_slice %arg7[%mul3A_6, %dma_wait3A_38] : memref<10000x128xf32, #tpu.memory_space<vmem_shared>> -> memref<352x128xf32, #tpu.memory_space<vmem_shared>>
      tpu.wait_dma2 semaphore(%run_scoped3A : memref<!tpu.dma_semaphore, #tpu.memory_space<semaphore_mem>>) src(%arg8 : memref<352x128xf32, #tpu.memory_space<vmem>>) dst(%dma_wait3A_39 : memref<352x128xf32, #tpu.memory_space<vmem_shared>>)
      tpu.yield
    }) : () -> ()
    %add3A = arith.constant 352 : i32
    %add3A_7 = arith.addi %mul3A_6, %add3A : i32
    "tpu.region"() ({
      %run_scoped3A = tpu.sem_alloc : memref<!tpu.dma_semaphore, #tpu.memory_space<semaphore_mem>>
      %dma_start3A = arith.constant 0 : i32
      %dma_start3A_34 = arith.constant 0 : i32
      %dma_start3A_35 = tpu.memref_slice %arg8[%dma_start3A, %dma_start3A_34] : memref<352x128xf32, #tpu.memory_space<vmem>> -> memref<273x128xf32, #tpu.memory_space<vmem>>
      %dma_start3A_36 = arith.constant 0 : i32
      %dma_start3A_37 = tpu.memref_slice %arg7[%add3A_7, %dma_start3A_36] : memref<10000x128xf32, #tpu.memory_space<vmem_shared>> -> memref<273x128xf32, #tpu.memory_space<vmem_shared>>
      %dma_start3A_38 = arith.constant 0 : i32
      %dma_start3A_39 = tpu.memref_slice %arg7[%add3A_7, %dma_start3A_38] : memref<10000x128xf32, #tpu.memory_space<vmem_shared>> -> memref<273x128xf32, #tpu.memory_space<vmem_shared>>
      %dma_start3A_40 = arith.constant 0 : i32
      %dma_start3A_41 = arith.constant 0 : i32
      %dma_start3A_42 = tpu.memref_slice %arg8[%dma_start3A_40, %dma_start3A_41] : memref<352x128xf32, #tpu.memory_space<vmem>> -> memref<273x128xf32, #tpu.memory_space<vmem>>
      tpu.enqueue_dma source(%dma_start3A_42 : memref<273x128xf32, #tpu.memory_space<vmem>>) target(%dma_start3A_39 : memref<273x128xf32, #tpu.memory_space<vmem_shared>>) target_semaphore(%run_scoped3A : memref<!tpu.dma_semaphore, #tpu.memory_space<semaphore_mem>>)
      %dma_wait3A = arith.constant 0 : i32
      %dma_wait3A_43 = arith.constant 0 : i32
      %dma_wait3A_44 = tpu.memref_slice %arg8[%dma_wait3A, %dma_wait3A_43] : memref<352x128xf32, #tpu.memory_space<vmem>> -> memref<273x128xf32, #tpu.memory_space<vmem>>
      %dma_wait3A_45 = arith.constant 0 : i32
      %dma_wait3A_46 = tpu.memref_slice %arg7[%add3A_7, %dma_wait3A_45] : memref<10000x128xf32, #tpu.memory_space<vmem_shared>> -> memref<273x128xf32, #tpu.memory_space<vmem_shared>>
      %dma_wait3A_47 = arith.constant 0 : i32
      %dma_wait3A_48 = tpu.memref_slice %arg7[%add3A_7, %dma_wait3A_47] : memref<10000x128xf32, #tpu.memory_space<vmem_shared>> -> memref<273x128xf32, #tpu.memory_space<vmem_shared>>
      %dma_wait3A_49 = arith.constant 0 : i32
      %dma_wait3A_50 = arith.constant 0 : i32
      %dma_wait3A_51 = tpu.memref_slice %arg8[%dma_wait3A_49, %dma_wait3A_50] : memref<352x128xf32, #tpu.memory_space<vmem>> -> memref<273x128xf32, #tpu.memory_space<vmem>>
      tpu.wait_dma2 semaphore(%run_scoped3A : memref<!tpu.dma_semaphore, #tpu.memory_space<semaphore_mem>>) src(%dma_wait3A_51 : memref<273x128xf32, #tpu.memory_space<vmem>>) dst(%dma_wait3A_48 : memref<273x128xf32, #tpu.memory_space<vmem_shared>>)
      tpu.yield
    }) : () -> ()
    %barrier3A = arith.constant 0 : index
    tpu.barrier barrier_id(%barrier3A)
    %mul3A_8 = arith.constant 16 : i32
    %mul3A_9 = arith.muli %arg0, %mul3A_8 : i32
    %add3A_10 = arith.addi %mul3A_9, %arg1 : i32
    %mul3A_11 = arith.constant 29 : i32
    %mul3A_12 = arith.muli %add3A_10, %mul3A_11 : i32
    %scan3A_13 = arith.constant 0 : i32
    %scan3A_14 = arith.constant 0 : i32
    %scan3A_15 = arith.constant 29 : i32
    %scan3A_16 = arith.addi %scan3A_14, %scan3A_15 : i32
    %scan3A_17 = arith.constant 1 : i32
    %scan3A_18 = scf.for %scan3A_34 = %scan3A_14 to %scan3A_16 step %scan3A_17 iter_args(%scan3A_35 = %scan3A_13) -> (i32)  : i32 {
      %add3A_36 = arith.addi %mul3A_12, %scan3A_34 : i32
      %mul3A_37 = arith.constant 704 : i32
      %mul3A_38 = arith.muli %add3A_36, %mul3A_37 : i32
      "tpu.region"() ({
        %run_scoped3A = tpu.sem_alloc : memref<!tpu.dma_semaphore, #tpu.memory_space<semaphore_mem>>
        %dma_start3A_58 = tpu.memref_slice %arg3[%mul3A_38] : memref<653312xi32, #tpu.memory_space<hbm>> -> memref<704xi32, #tpu.memory_space<hbm>>
        %dma_start3A_59 = tpu.memref_slice %arg3[%mul3A_38] : memref<653312xi32, #tpu.memory_space<hbm>> -> memref<704xi32, #tpu.memory_space<hbm>>
        tpu.enqueue_dma source(%dma_start3A_59 : memref<704xi32, #tpu.memory_space<hbm>>) target(%arg9 : memref<704xi32, #tpu.memory_space<vmem>>) target_semaphore(%run_scoped3A : memref<!tpu.dma_semaphore, #tpu.memory_space<semaphore_mem>>)
        %dma_wait3A_60 = tpu.memref_slice %arg3[%mul3A_38] : memref<653312xi32, #tpu.memory_space<hbm>> -> memref<704xi32, #tpu.memory_space<hbm>>
        %dma_wait3A_61 = tpu.memref_slice %arg3[%mul3A_38] : memref<653312xi32, #tpu.memory_space<hbm>> -> memref<704xi32, #tpu.memory_space<hbm>>
        tpu.wait_dma2 semaphore(%run_scoped3A : memref<!tpu.dma_semaphore, #tpu.memory_space<semaphore_mem>>) src(%dma_wait3A_61 : memref<704xi32, #tpu.memory_space<hbm>>) dst(%arg9 : memref<704xi32, #tpu.memory_space<vmem>>)
        tpu.yield
      }) : () -> ()
      %add3A_39 = arith.addi %mul3A_12, %scan3A_34 : i32
      %mul3A_40 = arith.constant 352 : i32
      %mul3A_41 = arith.muli %add3A_39, %mul3A_40 : i32
      "tpu.region"() ({
        %run_scoped3A = tpu.sem_alloc : memref<!tpu.dma_semaphore, #tpu.memory_space<semaphore_mem>>
        %dma_start3A_58 = tpu.memref_slice %arg4[%mul3A_41] : memref<326656xf32, #tpu.memory_space<hbm>> -> memref<352xf32, #tpu.memory_space<hbm>>
        %dma_start3A_59 = tpu.memref_slice %arg4[%mul3A_41] : memref<326656xf32, #tpu.memory_space<hbm>> -> memref<352xf32, #tpu.memory_space<hbm>>
        tpu.enqueue_dma source(%dma_start3A_59 : memref<352xf32, #tpu.memory_space<hbm>>) target(%arg10 : memref<352xf32, #tpu.memory_space<vmem>>) target_semaphore(%run_scoped3A : memref<!tpu.dma_semaphore, #tpu.memory_space<semaphore_mem>>)
        %dma_wait3A_60 = tpu.memref_slice %arg4[%mul3A_41] : memref<326656xf32, #tpu.memory_space<hbm>> -> memref<352xf32, #tpu.memory_space<hbm>>
        %dma_wait3A_61 = tpu.memref_slice %arg4[%mul3A_41] : memref<326656xf32, #tpu.memory_space<hbm>> -> memref<352xf32, #tpu.memory_space<hbm>>
        tpu.wait_dma2 semaphore(%run_scoped3A : memref<!tpu.dma_semaphore, #tpu.memory_space<semaphore_mem>>) src(%dma_wait3A_61 : memref<352xf32, #tpu.memory_space<hbm>>) dst(%arg10 : memref<352xf32, #tpu.memory_space<vmem>>)
        tpu.yield
      }) : () -> ()
      %dma_start3A = arith.constant 0 : i32
      %dma_start3A_42 = tpu.memref_slice %arg9[%dma_start3A] : memref<704xi32, #tpu.memory_space<vmem>> -> memref<352xi32, #tpu.memory_space<vmem>>
      %dma_start3A_43 = arith.constant 0 : i32
      %dma_start3A_44 = arith.constant 0 : i32
      %dma_start3A_45 = tpu.memref_slice %arg2[%dma_start3A_43, %dma_start3A_44] : memref<10000x128xf32, #tpu.memory_space<hbm>> -> memref<10000x128xf32, #tpu.memory_space<hbm>>
      tpu.enqueue_indirect_dma source(%dma_start3A_45 : memref<10000x128xf32, #tpu.memory_space<hbm>>) target(%arg8 : memref<352x128xf32, #tpu.memory_space<vmem>>) offsets(%dma_start3A_42 : memref<352xi32, #tpu.memory_space<vmem>>) semaphore(%arg12 : memref<!tpu.dma_semaphore, #tpu.memory_space<semaphore_mem>>)
      %dma_wait3A = arith.constant 0 : i32
      %dma_wait3A_46 = tpu.memref_slice %arg9[%dma_wait3A] : memref<704xi32, #tpu.memory_space<vmem>> -> memref<352xi32, #tpu.memory_space<vmem>>
      %dma_wait3A_47 = arith.constant 0 : i32
      %dma_wait3A_48 = arith.constant 0 : i32
      %dma_wait3A_49 = tpu.memref_slice %arg2[%dma_wait3A_47, %dma_wait3A_48] : memref<10000x128xf32, #tpu.memory_space<hbm>> -> memref<10000x128xf32, #tpu.memory_space<hbm>>
      tpu.wait_indirect_dma semaphore(%arg12 : memref<!tpu.dma_semaphore, #tpu.memory_space<semaphore_mem>>) src(%dma_wait3A_49 : memref<10000x128xf32, #tpu.memory_space<hbm>>) dst(%arg8 : memref<352x128xf32, #tpu.memory_space<vmem>>)
      %scan3A_50 = arith.constant 0 : i32
      %scan3A_51 = arith.constant 0 : i32
      %scan3A_52 = arith.constant 22 : i32
      %scan3A_53 = arith.addi %scan3A_51, %scan3A_52 : i32
      %scan3A_54 = arith.constant 1 : i32
      %scan3A_55 = scf.for %scan3A_58 = %scan3A_51 to %scan3A_53 step %scan3A_54 iter_args(%scan3A_59 = %scan3A_50) -> (i32)  : i32 {
        %mul3A_60 = arith.constant 16 : i32
        %mul3A_61 = arith.muli %scan3A_58, %mul3A_60 : i32
        %get3A = arith.index_cast %mul3A_61 : i32 to index
        %get3A_62 = tpu.vector_load %arg10[%get3A] {strides = array<i32>} : memref<352xf32, #tpu.memory_space<vmem>>, vector<16xf32>,
        %get3A_63 = vector.shape_cast %get3A_62 : vector<16xf32> to vector<16xf32>
        %mul3A_64 = arith.constant 16 : i32
        %mul3A_65 = arith.muli %scan3A_58, %mul3A_64 : i32
        %add3A_66 = arith.constant 0 : i32
        %add3A_67 = arith.addi %mul3A_65, %add3A_66 : i32
        %slice3A = vector.extract_strided_slice %get3A_63 {offsets = [0], sizes = [1], strides = [1]} : vector<16xf32> to vector<1xf32>
        %squeeze3A = vector.extract %slice3A[0] : f32 from vector<1xf32>
        %get3A_68 = arith.index_cast %add3A_67 : i32 to index
        %get3A_69 = arith.constant 0 : index
        %get3A_70 = tpu.vector_load %arg8[%get3A_68, %get3A_69] {strides = array<i32>} : memref<352x128xf32, #tpu.memory_space<vmem>>, vector<1x16xf32>,
        %get3A_71 = vector.shape_cast %get3A_70 : vector<1x16xf32> to vector<16xf32>
        %mul3A_72 = vector.broadcast %squeeze3A : f32 to vector<16xf32>
        %mul3A_73 = arith.mulf %get3A_71, %mul3A_72 : vector<16xf32>
        %swap3A = arith.index_cast %add3A_67 : i32 to index
        %swap3A_74 = arith.constant 0 : index
        %swap3A_75 = tpu.vector_load %arg8[%swap3A, %swap3A_74] {strides = array<i32>} : memref<352x128xf32, #tpu.memory_space<vmem>>, vector<1x16xf32>,
        %swap3A_76 = vector.shape_cast %swap3A_75 : vector<1x16xf32> to vector<16xf32>
        %swap3A_77 = vector.shape_cast %mul3A_73 : vector<16xf32> to vector<1x16xf32>
        tpu.vector_store %arg8[%swap3A, %swap3A_74], %swap3A_77 {strides = array<i32>} : memref<352x128xf32, #tpu.memory_space<vmem>>, vector<1x16xf32>,
        %get3A_78 = arith.index_cast %add3A_67 : i32 to index
        %get3A_79 = arith.constant 16 : index
        %get3A_80 = tpu.vector_load %arg8[%get3A_78, %get3A_79] {strides = array<i32>} : memref<352x128xf32, #tpu.memory_space<vmem>>, vector<1x16xf32>,
        %get3A_81 = vector.shape_cast %get3A_80 : vector<1x16xf32> to vector<16xf32>
        %mul3A_82 = vector.broadcast %squeeze3A : f32 to vector<16xf32>
        %mul3A_83 = arith.mulf %get3A_81, %mul3A_82 : vector<16xf32>
        %swap3A_84 = arith.index_cast %add3A_67 : i32 to index
        %swap3A_85 = arith.constant 16 : index
        %swap3A_86 = tpu.vector_load %arg8[%swap3A_84, %swap3A_85] {strides = array<i32>} : memref<352x128xf32, #tpu.memory_space<vmem>>, vector<1x16xf32>,
        %swap3A_87 = vector.shape_cast %swap3A_86 : vector<1x16xf32> to vector<16xf32>
        %swap3A_88 = vector.shape_cast %mul3A_83 : vector<16xf32> to vector<1x16xf32>
        tpu.vector_store %arg8[%swap3A_84, %swap3A_85], %swap3A_88 {strides = array<i32>} : memref<352x128xf32, #tpu.memory_space<vmem>>, vector<1x16xf32>,
        %get3A_89 = arith.index_cast %add3A_67 : i32 to index
        %get3A_90 = arith.constant 32 : index
        %get3A_91 = tpu.vector_load %arg8[%get3A_89, %get3A_90] {strides = array<i32>} : memref<352x128xf32, #tpu.memory_space<vmem>>, vector<1x16xf32>,
        %get3A_92 = vector.shape_cast %get3A_91 : vector<1x16xf32> to vector<16xf32>
        %mul3A_93 = vector.broadcast %squeeze3A : f32 to vector<16xf32>
        %mul3A_94 = arith.mulf %get3A_92, %mul3A_93 : vector<16xf32>
        %swap3A_95 = arith.index_cast %add3A_67 : i32 to index
        %swap3A_96 = arith.constant 32 : index
        %swap3A_97 = tpu.vector_load %arg8[%swap3A_95, %swap3A_96] {strides = array<i32>} : memref<352x128xf32, #tpu.memory_space<vmem>>, vector<1x16xf32>,
        %swap3A_98 = vector.shape_cast %swap3A_97 : vector<1x16xf32> to vector<16xf32>
        %swap3A_99 = vector.shape_cast %mul3A_94 : vector<16xf32> to vector<1x16xf32>
        tpu.vector_store %arg8[%swap3A_95, %swap3A_96], %swap3A_99 {strides = array<i32>} : memref<352x128xf32, #tpu.memory_space<vmem>>, vector<1x16xf32>,
        %get3A_100 = arith.index_cast %add3A_67 : i32 to index
        %get3A_101 = arith.constant 48 : index
        %get3A_102 = tpu.vector_load %arg8[%get3A_100, %get3A_101] {strides = array<i32>} : memref<352x128xf32, #tpu.memory_space<vmem>>, vector<1x16xf32>,
        %get3A_103 = vector.shape_cast %get3A_102 : vector<1x16xf32> to vector<16xf32>
        %mul3A_104 = vector.broadcast %squeeze3A : f32 to vector<16xf32>
        %mul3A_105 = arith.mulf %get3A_103, %mul3A_104 : vector<16xf32>
        %swap3A_106 = arith.index_cast %add3A_67 : i32 to index
        %swap3A_107 = arith.constant 48 : index
        %swap3A_108 = tpu.vector_load %arg8[%swap3A_106, %swap3A_107] {strides = array<i32>} : memref<352x128xf32, #tpu.memory_space<vmem>>, vector<1x16xf32>,
        %swap3A_109 = vector.shape_cast %swap3A_108 : vector<1x16xf32> to vector<16xf32>
        %swap3A_110 = vector.shape_cast %mul3A_105 : vector<16xf32> to vector<1x16xf32>
        tpu.vector_store %arg8[%swap3A_106, %swap3A_107], %swap3A_110 {strides = array<i32>} : memref<352x128xf32, #tpu.memory_space<vmem>>, vector<1x16xf32>,
        %get3A_111 = arith.index_cast %add3A_67 : i32 to index
        %get3A_112 = arith.constant 64 : index
        %get3A_113 = tpu.vector_load %arg8[%get3A_111, %get3A_112] {strides = array<i32>} : memref<352x128xf32, #tpu.memory_space<vmem>>, vector<1x16xf32>,
        %get3A_114 = vector.shape_cast %get3A_113 : vector<1x16xf32> to vector<16xf32>
        %mul3A_115 = vector.broadcast %squeeze3A : f32 to vector<16xf32>
        %mul3A_116 = arith.mulf %get3A_114, %mul3A_115 : vector<16xf32>
        %swap3A_117 = arith.index_cast %add3A_67 : i32 to index
        %swap3A_118 = arith.constant 64 : index
        %swap3A_119 = tpu.vector_load %arg8[%swap3A_117, %swap3A_118] {strides = array<i32>} : memref<352x128xf32, #tpu.memory_space<vmem>>, vector<1x16xf32>,
        %swap3A_120 = vector.shape_cast %swap3A_119 : vector<1x16xf32> to vector<16xf32>
        %swap3A_121 = vector.shape_cast %mul3A_116 : vector<16xf32> to vector<1x16xf32>
        tpu.vector_store %arg8[%swap3A_117, %swap3A_118], %swap3A_121 {strides = array<i32>} : memref<352x128xf32, #tpu.memory_space<vmem>>, vector<1x16xf32>,
        %get3A_122 = arith.index_cast %add3A_67 : i32 to index
        %get3A_123 = arith.constant 80 : index
        %get3A_124 = tpu.vector_load %arg8[%get3A_122, %get3A_123] {strides = array<i32>} : memref<352x128xf32, #tpu.memory_space<vmem>>, vector<1x16xf32>,
        %get3A_125 = vector.shape_cast %get3A_124 : vector<1x16xf32> to vector<16xf32>
        %mul3A_126 = vector.broadcast %squeeze3A : f32 to vector<16xf32>
        %mul3A_127 = arith.mulf %get3A_125, %mul3A_126 : vector<16xf32>
        %swap3A_128 = arith.index_cast %add3A_67 : i32 to index
        %swap3A_129 = arith.constant 80 : index
        %swap3A_130 = tpu.vector_load %arg8[%swap3A_128, %swap3A_129] {strides = array<i32>} : memref<352x128xf32, #tpu.memory_space<vmem>>, vector<1x16xf32>,
        %swap3A_131 = vector.shape_cast %swap3A_130 : vector<1x16xf32> to vector<16xf32>
        %swap3A_132 = vector.shape_cast %mul3A_127 : vector<16xf32> to vector<1x16xf32>
        tpu.vector_store %arg8[%swap3A_128, %swap3A_129], %swap3A_132 {strides = array<i32>} : memref<352x128xf32, #tpu.memory_space<vmem>>, vector<1x16xf32>,
        %get3A_133 = arith.index_cast %add3A_67 : i32 to index
        %get3A_134 = arith.constant 96 : index
        %get3A_135 = tpu.vector_load %arg8[%get3A_133, %get3A_134] {strides = array<i32>} : memref<352x128xf32, #tpu.memory_space<vmem>>, vector<1x16xf32>,
        %get3A_136 = vector.shape_cast %get3A_135 : vector<1x16xf32> to vector<16xf32>
        %mul3A_137 = vector.broadcast %squeeze3A : f32 to vector<16xf32>
        %mul3A_138 = arith.mulf %get3A_136, %mul3A_137 : vector<16xf32>
        %swap3A_139 = arith.index_cast %add3A_67 : i32 to index
        %swap3A_140 = arith.constant 96 : index
        %swap3A_141 = tpu.vector_load %arg8[%swap3A_139, %swap3A_140] {strides = array<i32>} : memref<352x128xf32, #tpu.memory_space<vmem>>, vector<1x16xf32>,
        %swap3A_142 = vector.shape_cast %swap3A_141 : vector<1x16xf32> to vector<16xf32>
        %swap3A_143 = vector.shape_cast %mul3A_138 : vector<16xf32> to vector<1x16xf32>
        tpu.vector_store %arg8[%swap3A_139, %swap3A_140], %swap3A_143 {strides = array<i32>} : memref<352x128xf32, #tpu.memory_space<vmem>>, vector<1x16xf32>,
        %get3A_144 = arith.index_cast %add3A_67 : i32 to index
        %get3A_145 = arith.constant 112 : index
        %get3A_146 = tpu.vector_load %arg8[%get3A_144, %get3A_145] {strides = array<i32>} : memref<352x128xf32, #tpu.memory_space<vmem>>, vector<1x16xf32>,
        %get3A_147 = vector.shape_cast %get3A_146 : vector<1x16xf32> to vector<16xf32>
        %mul3A_148 = vector.broadcast %squeeze3A : f32 to vector<16xf32>
        %mul3A_149 = arith.mulf %get3A_147, %mul3A_148 : vector<16xf32>
        %swap3A_150 = arith.index_cast %add3A_67 : i32 to index
        %swap3A_151 = arith.constant 112 : index
        %swap3A_152 = tpu.vector_load %arg8[%swap3A_150, %swap3A_151] {strides = array<i32>} : memref<352x128xf32, #tpu.memory_space<vmem>>, vector<1x16xf32>,
        %swap3A_153 = vector.shape_cast %swap3A_152 : vector<1x16xf32> to vector<16xf32>
        %swap3A_154 = vector.shape_cast %mul3A_149 : vector<16xf32> to vector<1x16xf32>
        tpu.vector_store %arg8[%swap3A_150, %swap3A_151], %swap3A_154 {strides = array<i32>} : memref<352x128xf32, #tpu.memory_space<vmem>>, vector<1x16xf32>,
        %mul3A_155 = arith.constant 16 : i32
        %mul3A_156 = arith.muli %scan3A_58, %mul3A_155 : i32
        %add3A_157 = arith.constant 1 : i32
        %add3A_158 = arith.addi %mul3A_156, %add3A_157 : i32
        %slice3A_159 = vector.extract_strided_slice %get3A_63 {offsets = [1], sizes = [1], strides = [1]} : vector<16xf32> to vector<1xf32>
        %squeeze3A_160 = vector.extract %slice3A_159[0] : f32 from vector<1xf32>
        %get3A_161 = arith.index_cast %add3A_158 : i32 to index
        %get3A_162 = arith.constant 0 : index
        %get3A_163 = tpu.vector_load %arg8[%get3A_161, %get3A_162] {strides = array<i32>} : memref<352x128xf32, #tpu.memory_space<vmem>>, vector<1x16xf32>,
        %get3A_164 = vector.shape_cast %get3A_163 : vector<1x16xf32> to vector<16xf32>
        %mul3A_165 = vector.broadcast %squeeze3A_160 : f32 to vector<16xf32>
        %mul3A_166 = arith.mulf %get3A_164, %mul3A_165 : vector<16xf32>
        %swap3A_167 = arith.index_cast %add3A_158 : i32 to index
        %swap3A_168 = arith.constant 0 : index
        %swap3A_169 = tpu.vector_load %arg8[%swap3A_167, %swap3A_168] {strides = array<i32>} : memref<352x128xf32, #tpu.memory_space<vmem>>, vector<1x16xf32>,
        %swap3A_170 = vector.shape_cast %swap3A_169 : vector<1x16xf32> to vector<16xf32>
        %swap3A_171 = vector.shape_cast %mul3A_166 : vector<16xf32> to vector<1x16xf32>
        tpu.vector_store %arg8[%swap3A_167, %swap3A_168], %swap3A_171 {strides = array<i32>} : memref<352x128xf32, #tpu.memory_space<vmem>>, vector<1x16xf32>,
        %get3A_172 = arith.index_cast %add3A_158 : i32 to index
        %get3A_173 = arith.constant 16 : index
        %get3A_174 = tpu.vector_load %arg8[%get3A_172, %get3A_173] {strides = array<i32>} : memref<352x128xf32, #tpu.memory_space<vmem>>, vector<1x16xf32>,
        %get3A_175 = vector.shape_cast %get3A_174 : vector<1x16xf32> to vector<16xf32>
        %mul3A_176 = vector.broadcast %squeeze3A_160 : f32 to vector<16xf32>
        %mul3A_177 = arith.mulf %get3A_175, %mul3A_176 : vector<16xf32>
        %swap3A_178 = arith.index_cast %add3A_158 : i32 to index
        %swap3A_179 = arith.constant 16 : index
        %swap3A_180 = tpu.vector_load %arg8[%swap3A_178, %swap3A_179] {strides = array<i32>} : memref<352x128xf32, #tpu.memory_space<vmem>>, vector<1x16xf32>,
        %swap3A_181 = vector.shape_cast %swap3A_180 : vector<1x16xf32> to vector<16xf32>
        %swap3A_182 = vector.shape_cast %mul3A_177 : vector<16xf32> to vector<1x16xf32>
        tpu.vector_store %arg8[%swap3A_178, %swap3A_179], %swap3A_182 {strides = array<i32>} : memref<352x128xf32, #tpu.memory_space<vmem>>, vector<1x16xf32>,
        %get3A_183 = arith.index_cast %add3A_158 : i32 to index
        %get3A_184 = arith.constant 32 : index
        %get3A_185 = tpu.vector_load %arg8[%get3A_183, %get3A_184] {strides = array<i32>} : memref<352x128xf32, #tpu.memory_space<vmem>>, vector<1x16xf32>,
        %get3A_186 = vector.shape_cast %get3A_185 : vector<1x16xf32> to vector<16xf32>
        %mul3A_187 = vector.broadcast %squeeze3A_160 : f32 to vector<16xf32>
        %mul3A_188 = arith.mulf %get3A_186, %mul3A_187 : vector<16xf32>
        %swap3A_189 = arith.index_cast %add3A_158 : i32 to index
        %swap3A_190 = arith.constant 32 : index
        %swap3A_191 = tpu.vector_load %arg8[%swap3A_189, %swap3A_190] {strides = array<i32>} : memref<352x128xf32, #tpu.memory_space<vmem>>, vector<1x16xf32>,
        %swap3A_192 = vector.shape_cast %swap3A_191 : vector<1x16xf32> to vector<16xf32>
        %swap3A_193 = vector.shape_cast %mul3A_188 : vector<16xf32> to vector<1x16xf32>
        tpu.vector_store %arg8[%swap3A_189, %swap3A_190], %swap3A_193 {strides = array<i32>} : memref<352x128xf32, #tpu.memory_space<vmem>>, vector<1x16xf32>,
        %get3A_194 = arith.index_cast %add3A_158 : i32 to index
        %get3A_195 = arith.constant 48 : index
        %get3A_196 = tpu.vector_load %arg8[%get3A_194, %get3A_195] {strides = array<i32>} : memref<352x128xf32, #tpu.memory_space<vmem>>, vector<1x16xf32>,
        %get3A_197 = vector.shape_cast %get3A_196 : vector<1x16xf32> to vector<16xf32>
        %mul3A_198 = vector.broadcast %squeeze3A_160 : f32 to vector<16xf32>
        %mul3A_199 = arith.mulf %get3A_197, %mul3A_198 : vector<16xf32>
        %swap3A_200 = arith.index_cast %add3A_158 : i32 to index
        %swap3A_201 = arith.constant 48 : index
        %swap3A_202 = tpu.vector_load %arg8[%swap3A_200, %swap3A_201] {strides = array<i32>} : memref<352x128xf32, #tpu.memory_space<vmem>>, vector<1x16xf32>,
        %swap3A_203 = vector.shape_cast %swap3A_202 : vector<1x16xf32> to vector<16xf32>
        %swap3A_204 = vector.shape_cast %mul3A_199 : vector<16xf32> to vector<1x16xf32>
        tpu.vector_store %arg8[%swap3A_200, %swap3A_201], %swap3A_204 {strides = array<i32>} : memref<352x128xf32, #tpu.memory_space<vmem>>, vector<1x16xf32>,
        %get3A_205 = arith.index_cast %add3A_158 : i32 to index
        %get3A_206 = arith.constant 64 : index
        %get3A_207 = tpu.vector_load %arg8[%get3A_205, %get3A_206] {strides = array<i32>} : memref<352x128xf32, #tpu.memory_space<vmem>>, vector<1x16xf32>,
        %get3A_208 = vector.shape_cast %get3A_207 : vector<1x16xf32> to vector<16xf32>
        %mul3A_209 = vector.broadcast %squeeze3A_160 : f32 to vector<16xf32>
        %mul3A_210 = arith.mulf %get3A_208, %mul3A_209 : vector<16xf32>
        %swap3A_211 = arith.index_cast %add3A_158 : i32 to index
        %swap3A_212 = arith.constant 64 : index
        %swap3A_213 = tpu.vector_load %arg8[%swap3A_211, %swap3A_212] {strides = array<i32>} : memref<352x128xf32, #tpu.memory_space<vmem>>, vector<1x16xf32>,
        %swap3A_214 = vector.shape_cast %swap3A_213 : vector<1x16xf32> to vector<16xf32>
        %swap3A_215 = vector.shape_cast %mul3A_210 : vector<16xf32> to vector<1x16xf32>
        tpu.vector_store %arg8[%swap3A_211, %swap3A_212], %swap3A_215 {strides = array<i32>} : memref<352x128xf32, #tpu.memory_space<vmem>>, vector<1x16xf32>,
        %get3A_216 = arith.index_cast %add3A_158 : i32 to index
        %get3A_217 = arith.constant 80 : index
        %get3A_218 = tpu.vector_load %arg8[%get3A_216, %get3A_217] {strides = array<i32>} : memref<352x128xf32, #tpu.memory_space<vmem>>, vector<1x16xf32>,
        %get3A_219 = vector.shape_cast %get3A_218 : vector<1x16xf32> to vector<16xf32>
        %mul3A_220 = vector.broadcast %squeeze3A_160 : f32 to vector<16xf32>
        %mul3A_221 = arith.mulf %get3A_219, %mul3A_220 : vector<16xf32>
        %swap3A_222 = arith.index_cast %add3A_158 : i32 to index
        %swap3A_223 = arith.constant 80 : index
        %swap3A_224 = tpu.vector_load %arg8[%swap3A_222, %swap3A_223] {strides = array<i32>} : memref<352x128xf32, #tpu.memory_space<vmem>>, vector<1x16xf32>,
        %swap3A_225 = vector.shape_cast %swap3A_224 : vector<1x16xf32> to vector<16xf32>
        %swap3A_226 = vector.shape_cast %mul3A_221 : vector<16xf32> to vector<1x16xf32>
        tpu.vector_store %arg8[%swap3A_222, %swap3A_223], %swap3A_226 {strides = array<i32>} : memref<352x128xf32, #tpu.memory_space<vmem>>, vector<1x16xf32>,
        %get3A_227 = arith.index_cast %add3A_158 : i32 to index
        %get3A_228 = arith.constant 96 : index
        %get3A_229 = tpu.vector_load %arg8[%get3A_227, %get3A_228] {strides = array<i32>} : memref<352x128xf32, #tpu.memory_space<vmem>>, vector<1x16xf32>,
        %get3A_230 = vector.shape_cast %get3A_229 : vector<1x16xf32> to vector<16xf32>
        %mul3A_231 = vector.broadcast %squeeze3A_160 : f32 to vector<16xf32>
        %mul3A_232 = arith.mulf %get3A_230, %mul3A_231 : vector<16xf32>
        %swap3A_233 = arith.index_cast %add3A_158 : i32 to index
        %swap3A_234 = arith.constant 96 : index
        %swap3A_235 = tpu.vector_load %arg8[%swap3A_233, %swap3A_234] {strides = array<i32>} : memref<352x128xf32, #tpu.memory_space<vmem>>, vector<1x16xf32>,
        %swap3A_236 = vector.shape_cast %swap3A_235 : vector<1x16xf32> to vector<16xf32>
        %swap3A_237 = vector.shape_cast %mul3A_232 : vector<16xf32> to vector<1x16xf32>
        tpu.vector_store %arg8[%swap3A_233, %swap3A_234], %swap3A_237 {strides = array<i32>} : memref<352x128xf32, #tpu.memory_space<vmem>>, vector<1x16xf32>,
        %get3A_238 = arith.index_cast %add3A_158 : i32 to index
        %get3A_239 = arith.constant 112 : index
        %get3A_240 = tpu.vector_load %arg8[%get3A_238, %get3A_239] {strides = array<i32>} : memref<352x128xf32, #tpu.memory_space<vmem>>, vector<1x16xf32>,
        %get3A_241 = vector.shape_cast %get3A_240 : vector<1x16xf32> to vector<16xf32>
        %mul3A_242 = vector.broadcast %squeeze3A_160 : f32 to vector<16xf32>
        %mul3A_243 = arith.mulf %get3A_241, %mul3A_242 : vector<16xf32>
        %swap3A_244 = arith.index_cast %add3A_158 : i32 to index
        %swap3A_245 = arith.constant 112 : index
        %swap3A_246 = tpu.vector_load %arg8[%swap3A_244, %swap3A_245] {strides = array<i32>} : memref<352x128xf32, #tpu.memory_space<vmem>>, vector<1x16xf32>,
        %swap3A_247 = vector.shape_cast %swap3A_246 : vector<1x16xf32> to vector<16xf32>
        %swap3A_248 = vector.shape_cast %mul3A_243 : vector<16xf32> to vector<1x16xf32>
        tpu.vector_store %arg8[%swap3A_244, %swap3A_245], %swap3A_248 {strides = array<i32>} : memref<352x128xf32, #tpu.memory_space<vmem>>, vector<1x16xf32>,
        %mul3A_249 = arith.constant 16 : i32
        %mul3A_250 = arith.muli %scan3A_58, %mul3A_249 : i32
        %add3A_251 = arith.constant 2 : i32
        %add3A_252 = arith.addi %mul3A_250, %add3A_251 : i32
        %slice3A_253 = vector.extract_strided_slice %get3A_63 {offsets = [2], sizes = [1], strides = [1]} : vector<16xf32> to vector<1xf32>
        %squeeze3A_254 = vector.extract %slice3A_253[0] : f32 from vector<1xf32>
        %get3A_255 = arith.index_cast %add3A_252 : i32 to index
        %get3A_256 = arith.constant 0 : index
        %get3A_257 = tpu.vector_load %arg8[%get3A_255, %get3A_256] {strides = array<i32>} : memref<352x128xf32, #tpu.memory_space<vmem>>, vector<1x16xf32>,
        %get3A_258 = vector.shape_cast %get3A_257 : vector<1x16xf32> to vector<16xf32>
        %mul3A_259 = vector.broadcast %squeeze3A_254 : f32 to vector<16xf32>
        %mul3A_260 = arith.mulf %get3A_258, %mul3A_259 : vector<16xf32>
        %swap3A_261 = arith.index_cast %add3A_252 : i32 to index
        %swap3A_262 = arith.constant 0 : index
        %swap3A_263 = tpu.vector_load %arg8[%swap3A_261, %swap3A_262] {strides = array<i32>} : memref<352x128xf32, #tpu.memory_space<vmem>>, vector<1x16xf32>,
        %swap3A_264 = vector.shape_cast %swap3A_263 : vector<1x16xf32> to vector<16xf32>
        %swap3A_265 = vector.shape_cast %mul3A_260 : vector<16xf32> to vector<1x16xf32>
        tpu.vector_store %arg8[%swap3A_261, %swap3A_262], %swap3A_265 {strides = array<i32>} : memref<352x128xf32, #tpu.memory_space<vmem>>, vector<1x16xf32>,
        %get3A_266 = arith.index_cast %add3A_252 : i32 to index
        %get3A_267 = arith.constant 16 : index
        %get3A_268 = tpu.vector_load %arg8[%get3A_266, %get3A_267] {strides = array<i32>} : memref<352x128xf32, #tpu.memory_space<vmem>>, vector<1x16xf32>,
        %get3A_269 = vector.shape_cast %get3A_268 : vector<1x16xf32> to vector<16xf32>
        %mul3A_270 = vector.broadcast %squeeze3A_254 : f32 to vector<16xf32>
        %mul3A_271 = arith.mulf %get3A_269, %mul3A_270 : vector<16xf32>
        %swap3A_272 = arith.index_cast %add3A_252 : i32 to index
        %swap3A_273 = arith.constant 16 : index
        %swap3A_274 = tpu.vector_load %arg8[%swap3A_272, %swap3A_273] {strides = array<i32>} : memref<352x128xf32, #tpu.memory_space<vmem>>, vector<1x16xf32>,
        %swap3A_275 = vector.shape_cast %swap3A_274 : vector<1x16xf32> to vector<16xf32>
        %swap3A_276 = vector.shape_cast %mul3A_271 : vector<16xf32> to vector<1x16xf32>
        tpu.vector_store %arg8[%swap3A_272, %swap3A_273], %swap3A_276 {strides = array<i32>} : memref<352x128xf32, #tpu.memory_space<vmem>>, vector<1x16xf32>,
        %get3A_277 = arith.index_cast %add3A_252 : i32 to index
        %get3A_278 = arith.constant 32 : index
        %get3A_279 = tpu.vector_load %arg8[%get3A_277, %get3A_278] {strides = array<i32>} : memref<352x128xf32, #tpu.memory_space<vmem>>, vector<1x16xf32>,
        %get3A_280 = vector.shape_cast %get3A_279 : vector<1x16xf32> to vector<16xf32>
        %mul3A_281 = vector.broadcast %squeeze3A_254 : f32 to vector<16xf32>
        %mul3A_282 = arith.mulf %get3A_280, %mul3A_281 : vector<16xf32>
        %swap3A_283 = arith.index_cast %add3A_252 : i32 to index
        %swap3A_284 = arith.constant 32 : index
        %swap3A_285 = tpu.vector_load %arg8[%swap3A_283, %swap3A_284] {strides = array<i32>} : memref<352x128xf32, #tpu.memory_space<vmem>>, vector<1x16xf32>,
        %swap3A_286 = vector.shape_cast %swap3A_285 : vector<1x16xf32> to vector<16xf32>
        %swap3A_287 = vector.shape_cast %mul3A_282 : vector<16xf32> to vector<1x16xf32>
        tpu.vector_store %arg8[%swap3A_283, %swap3A_284], %swap3A_287 {strides = array<i32>} : memref<352x128xf32, #tpu.memory_space<vmem>>, vector<1x16xf32>,
        %get3A_288 = arith.index_cast %add3A_252 : i32 to index
        %get3A_289 = arith.constant 48 : index
        %get3A_290 = tpu.vector_load %arg8[%get3A_288, %get3A_289] {strides = array<i32>} : memref<352x128xf32, #tpu.memory_space<vmem>>, vector<1x16xf32>,
        %get3A_291 = vector.shape_cast %get3A_290 : vector<1x16xf32> to vector<16xf32>
        %mul3A_292 = vector.broadcast %squeeze3A_254 : f32 to vector<16xf32>
        %mul3A_293 = arith.mulf %get3A_291, %mul3A_292 : vector<16xf32>
        %swap3A_294 = arith.index_cast %add3A_252 : i32 to index
        %swap3A_295 = arith.constant 48 : index
        %swap3A_296 = tpu.vector_load %arg8[%swap3A_294, %swap3A_295] {strides = array<i32>} : memref<352x128xf32, #tpu.memory_space<vmem>>, vector<1x16xf32>,
        %swap3A_297 = vector.shape_cast %swap3A_296 : vector<1x16xf32> to vector<16xf32>
        %swap3A_298 = vector.shape_cast %mul3A_293 : vector<16xf32> to vector<1x16xf32>
        tpu.vector_store %arg8[%swap3A_294, %swap3A_295], %swap3A_298 {strides = array<i32>} : memref<352x128xf32, #tpu.memory_space<vmem>>, vector<1x16xf32>,
        %get3A_299 = arith.index_cast %add3A_252 : i32 to index
        %get3A_300 = arith.constant 64 : index
        %get3A_301 = tpu.vector_load %arg8[%get3A_299, %get3A_300] {strides = array<i32>} : memref<352x128xf32, #tpu.memory_space<vmem>>, vector<1x16xf32>,
        %get3A_302 = vector.shape_cast %get3A_301 : vector<1x16xf32> to vector<16xf32>
        %mul3A_303 = vector.broadcast %squeeze3A_254 : f32 to vector<16xf32>
        %mul3A_304 = arith.mulf %get3A_302, %mul3A_303 : vector<16xf32>
        %swap3A_305 = arith.index_cast %add3A_252 : i32 to index
        %swap3A_306 = arith.constant 64 : index
        %swap3A_307 = tpu.vector_load %arg8[%swap3A_305, %swap3A_306] {strides = array<i32>} : memref<352x128xf32, #tpu.memory_space<vmem>>, vector<1x16xf32>,
        %swap3A_308 = vector.shape_cast %swap3A_307 : vector<1x16xf32> to vector<16xf32>
        %swap3A_309 = vector.shape_cast %mul3A_304 : vector<16xf32> to vector<1x16xf32>
        tpu.vector_store %arg8[%swap3A_305, %swap3A_306], %swap3A_309 {strides = array<i32>} : memref<352x128xf32, #tpu.memory_space<vmem>>, vector<1x16xf32>,
        %get3A_310 = arith.index_cast %add3A_252 : i32 to index
        %get3A_311 = arith.constant 80 : index
        %get3A_312 = tpu.vector_load %arg8[%get3A_310, %get3A_311] {strides = array<i32>} : memref<352x128xf32, #tpu.memory_space<vmem>>, vector<1x16xf32>,
        %get3A_313 = vector.shape_cast %get3A_312 : vector<1x16xf32> to vector<16xf32>
        %mul3A_314 = vector.broadcast %squeeze3A_254 : f32 to vector<16xf32>
        %mul3A_315 = arith.mulf %get3A_313, %mul3A_314 : vector<16xf32>
        %swap3A_316 = arith.index_cast %add3A_252 : i32 to index
        %swap3A_317 = arith.constant 80 : index
        %swap3A_318 = tpu.vector_load %arg8[%swap3A_316, %swap3A_317] {strides = array<i32>} : memref<352x128xf32, #tpu.memory_space<vmem>>, vector<1x16xf32>,
        %swap3A_319 = vector.shape_cast %swap3A_318 : vector<1x16xf32> to vector<16xf32>
        %swap3A_320 = vector.shape_cast %mul3A_315 : vector<16xf32> to vector<1x16xf32>
        tpu.vector_store %arg8[%swap3A_316, %swap3A_317], %swap3A_320 {strides = array<i32>} : memref<352x128xf32, #tpu.memory_space<vmem>>, vector<1x16xf32>,
        %get3A_321 = arith.index_cast %add3A_252 : i32 to index
        %get3A_322 = arith.constant 96 : index
        %get3A_323 = tpu.vector_load %arg8[%get3A_321, %get3A_322] {strides = array<i32>} : memref<352x128xf32, #tpu.memory_space<vmem>>, vector<1x16xf32>,
        %get3A_324 = vector.shape_cast %get3A_323 : vector<1x16xf32> to vector<16xf32>
        %mul3A_325 = vector.broadcast %squeeze3A_254 : f32 to vector<16xf32>
        %mul3A_326 = arith.mulf %get3A_324, %mul3A_325 : vector<16xf32>
        %swap3A_327 = arith.index_cast %add3A_252 : i32 to index
        %swap3A_328 = arith.constant 96 : index
        %swap3A_329 = tpu.vector_load %arg8[%swap3A_327, %swap3A_328] {strides = array<i32>} : memref<352x128xf32, #tpu.memory_space<vmem>>, vector<1x16xf32>,
        %swap3A_330 = vector.shape_cast %swap3A_329 : vector<1x16xf32> to vector<16xf32>
        %swap3A_331 = vector.shape_cast %mul3A_326 : vector<16xf32> to vector<1x16xf32>
        tpu.vector_store %arg8[%swap3A_327, %swap3A_328], %swap3A_331 {strides = array<i32>} : memref<352x128xf32, #tpu.memory_space<vmem>>, vector<1x16xf32>,
        %get3A_332 = arith.index_cast %add3A_252 : i32 to index
        %get3A_333 = arith.constant 112 : index
        %get3A_334 = tpu.vector_load %arg8[%get3A_332, %get3A_333] {strides = array<i32>} : memref<352x128xf32, #tpu.memory_space<vmem>>, vector<1x16xf32>,
        %get3A_335 = vector.shape_cast %get3A_334 : vector<1x16xf32> to vector<16xf32>
        %mul3A_336 = vector.broadcast %squeeze3A_254 : f32 to vector<16xf32>
        %mul3A_337 = arith.mulf %get3A_335, %mul3A_336 : vector<16xf32>
        %swap3A_338 = arith.index_cast %add3A_252 : i32 to index
        %swap3A_339 = arith.constant 112 : index
        %swap3A_340 = tpu.vector_load %arg8[%swap3A_338, %swap3A_339] {strides = array<i32>} : memref<352x128xf32, #tpu.memory_space<vmem>>, vector<1x16xf32>,
        %swap3A_341 = vector.shape_cast %swap3A_340 : vector<1x16xf32> to vector<16xf32>
        %swap3A_342 = vector.shape_cast %mul3A_337 : vector<16xf32> to vector<1x16xf32>
        tpu.vector_store %arg8[%swap3A_338, %swap3A_339], %swap3A_342 {strides = array<i32>} : memref<352x128xf32, #tpu.memory_space<vmem>>, vector<1x16xf32>,
        %mul3A_343 = arith.constant 16 : i32
        %mul3A_344 = arith.muli %scan3A_58, %mul3A_343 : i32
        %add3A_345 = arith.constant 3 : i32
        %add3A_346 = arith.addi %mul3A_344, %add3A_345 : i32
        %slice3A_347 = vector.extract_strided_slice %get3A_63 {offsets = [3], sizes = [1], strides = [1]} : vector<16xf32> to vector<1xf32>
        %squeeze3A_348 = vector.extract %slice3A_347[0] : f32 from vector<1xf32>
        %get3A_349 = arith.index_cast %add3A_346 : i32 to index
        %get3A_350 = arith.constant 0 : index
        %get3A_351 = tpu.vector_load %arg8[%get3A_349, %get3A_350] {strides = array<i32>} : memref<352x128xf32, #tpu.memory_space<vmem>>, vector<1x16xf32>,
        %get3A_352 = vector.shape_cast %get3A_351 : vector<1x16xf32> to vector<16xf32>
        %mul3A_353 = vector.broadcast %squeeze3A_348 : f32 to vector<16xf32>
        %mul3A_354 = arith.mulf %get3A_352, %mul3A_353 : vector<16xf32>
        %swap3A_355 = arith.index_cast %add3A_346 : i32 to index
        %swap3A_356 = arith.constant 0 : index
        %swap3A_357 = tpu.vector_load %arg8[%swap3A_355, %swap3A_356] {strides = array<i32>} : memref<352x128xf32, #tpu.memory_space<vmem>>, vector<1x16xf32>,
        %swap3A_358 = vector.shape_cast %swap3A_357 : vector<1x16xf32> to vector<16xf32>
        %swap3A_359 = vector.shape_cast %mul3A_354 : vector<16xf32> to vector<1x16xf32>
        tpu.vector_store %arg8[%swap3A_355, %swap3A_356], %swap3A_359 {strides = array<i32>} : memref<352x128xf32, #tpu.memory_space<vmem>>, vector<1x16xf32>,
        %get3A_360 = arith.index_cast %add3A_346 : i32 to index
        %get3A_361 = arith.constant 16 : index
        %get3A_362 = tpu.vector_load %arg8[%get3A_360, %get3A_361] {strides = array<i32>} : memref<352x128xf32, #tpu.memory_space<vmem>>, vector<1x16xf32>,
        %get3A_363 = vector.shape_cast %get3A_362 : vector<1x16xf32> to vector<16xf32>
        %mul3A_364 = vector.broadcast %squeeze3A_348 : f32 to vector<16xf32>
        %mul3A_365 = arith.mulf %get3A_363, %mul3A_364 : vector<16xf32>
        %swap3A_366 = arith.index_cast %add3A_346 : i32 to index
        %swap3A_367 = arith.constant 16 : index
        %swap3A_368 = tpu.vector_load %arg8[%swap3A_366, %swap3A_367] {strides = array<i32>} : memref<352x128xf32, #tpu.memory_space<vmem>>, vector<1x16xf32>,
        %swap3A_369 = vector.shape_cast %swap3A_368 : vector<1x16xf32> to vector<16xf32>
        %swap3A_370 = vector.shape_cast %mul3A_365 : vector<16xf32> to vector<1x16xf32>
        tpu.vector_store %arg8[%swap3A_366, %swap3A_367], %swap3A_370 {strides = array<i32>} : memref<352x128xf32, #tpu.memory_space<vmem>>, vector<1x16xf32>,
        %get3A_371 = arith.index_cast %add3A_346 : i32 to index
        %get3A_372 = arith.constant 32 : index
        %get3A_373 = tpu.vector_load %arg8[%get3A_371, %get3A_372] {strides = array<i32>} : memref<352x128xf32, #tpu.memory_space<vmem>>, vector<1x16xf32>,
        %get3A_374 = vector.shape_cast %get3A_373 : vector<1x16xf32> to vector<16xf32>
        %mul3A_375 = vector.broadcast %squeeze3A_348 : f32 to vector<16xf32>
        %mul3A_376 = arith.mulf %get3A_374, %mul3A_375 : vector<16xf32>
        %swap3A_377 = arith.index_cast %add3A_346 : i32 to index
        %swap3A_378 = arith.constant 32 : index
        %swap3A_379 = tpu.vector_load %arg8[%swap3A_377, %swap3A_378] {strides = array<i32>} : memref<352x128xf32, #tpu.memory_space<vmem>>, vector<1x16xf32>,
        %swap3A_380 = vector.shape_cast %swap3A_379 : vector<1x16xf32> to vector<16xf32>
        %swap3A_381 = vector.shape_cast %mul3A_376 : vector<16xf32> to vector<1x16xf32>
        tpu.vector_store %arg8[%swap3A_377, %swap3A_378], %swap3A_381 {strides = array<i32>} : memref<352x128xf32, #tpu.memory_space<vmem>>, vector<1x16xf32>,
        %get3A_382 = arith.index_cast %add3A_346 : i32 to index
        %get3A_383 = arith.constant 48 : index
        %get3A_384 = tpu.vector_load %arg8[%get3A_382, %get3A_383] {strides = array<i32>} : memref<352x128xf32, #tpu.memory_space<vmem>>, vector<1x16xf32>,
        %get3A_385 = vector.shape_cast %get3A_384 : vector<1x16xf32> to vector<16xf32>
        %mul3A_386 = vector.broadcast %squeeze3A_348 : f32 to vector<16xf32>
        %mul3A_387 = arith.mulf %get3A_385, %mul3A_386 : vector<16xf32>
        %swap3A_388 = arith.index_cast %add3A_346 : i32 to index
        %swap3A_389 = arith.constant 48 : index
        %swap3A_390 = tpu.vector_load %arg8[%swap3A_388, %swap3A_389] {strides = array<i32>} : memref<352x128xf32, #tpu.memory_space<vmem>>, vector<1x16xf32>,
        %swap3A_391 = vector.shape_cast %swap3A_390 : vector<1x16xf32> to vector<16xf32>
        %swap3A_392 = vector.shape_cast %mul3A_387 : vector<16xf32> to vector<1x16xf32>
        tpu.vector_store %arg8[%swap3A_388, %swap3A_389], %swap3A_392 {strides = array<i32>} : memref<352x128xf32, #tpu.memory_space<vmem>>, vector<1x16xf32>,
        %get3A_393 = arith.index_cast %add3A_346 : i32 to index
        %get3A_394 = arith.constant 64 : index
        %get3A_395 = tpu.vector_load %arg8[%get3A_393, %get3A_394] {strides = array<i32>} : memref<352x128xf32, #tpu.memory_space<vmem>>, vector<1x16xf32>,
        %get3A_396 = vector.shape_cast %get3A_395 : vector<1x16xf32> to vector<16xf32>
        %mul3A_397 = vector.broadcast %squeeze3A_348 : f32 to vector<16xf32>
        %mul3A_398 = arith.mulf %get3A_396, %mul3A_397 : vector<16xf32>
        %swap3A_399 = arith.index_cast %add3A_346 : i32 to index
        %swap3A_400 = arith.constant 64 : index
        %swap3A_401 = tpu.vector_load %arg8[%swap3A_399, %swap3A_400] {strides = array<i32>} : memref<352x128xf32, #tpu.memory_space<vmem>>, vector<1x16xf32>,
        %swap3A_402 = vector.shape_cast %swap3A_401 : vector<1x16xf32> to vector<16xf32>
        %swap3A_403 = vector.shape_cast %mul3A_398 : vector<16xf32> to vector<1x16xf32>
        tpu.vector_store %arg8[%swap3A_399, %swap3A_400], %swap3A_403 {strides = array<i32>} : memref<352x128xf32, #tpu.memory_space<vmem>>, vector<1x16xf32>,
        %get3A_404 = arith.index_cast %add3A_346 : i32 to index
        %get3A_405 = arith.constant 80 : index
        %get3A_406 = tpu.vector_load %arg8[%get3A_404, %get3A_405] {strides = array<i32>} : memref<352x128xf32, #tpu.memory_space<vmem>>, vector<1x16xf32>,
        %get3A_407 = vector.shape_cast %get3A_406 : vector<1x16xf32> to vector<16xf32>
        %mul3A_408 = vector.broadcast %squeeze3A_348 : f32 to vector<16xf32>
        %mul3A_409 = arith.mulf %get3A_407, %mul3A_408 : vector<16xf32>
        %swap3A_410 = arith.index_cast %add3A_346 : i32 to index
        %swap3A_411 = arith.constant 80 : index
        %swap3A_412 = tpu.vector_load %arg8[%swap3A_410, %swap3A_411] {strides = array<i32>} : memref<352x128xf32, #tpu.memory_space<vmem>>, vector<1x16xf32>,
        %swap3A_413 = vector.shape_cast %swap3A_412 : vector<1x16xf32> to vector<16xf32>
        %swap3A_414 = vector.shape_cast %mul3A_409 : vector<16xf32> to vector<1x16xf32>
        tpu.vector_store %arg8[%swap3A_410, %swap3A_411], %swap3A_414 {strides = array<i32>} : memref<352x128xf32, #tpu.memory_space<vmem>>, vector<1x16xf32>,
        %get3A_415 = arith.index_cast %add3A_346 : i32 to index
        %get3A_416 = arith.constant 96 : index
        %get3A_417 = tpu.vector_load %arg8[%get3A_415, %get3A_416] {strides = array<i32>} : memref<352x128xf32, #tpu.memory_space<vmem>>, vector<1x16xf32>,
        %get3A_418 = vector.shape_cast %get3A_417 : vector<1x16xf32> to vector<16xf32>
        %mul3A_419 = vector.broadcast %squeeze3A_348 : f32 to vector<16xf32>
        %mul3A_420 = arith.mulf %get3A_418, %mul3A_419 : vector<16xf32>
        %swap3A_421 = arith.index_cast %add3A_346 : i32 to index
        %swap3A_422 = arith.constant 96 : index
        %swap3A_423 = tpu.vector_load %arg8[%swap3A_421, %swap3A_422] {strides = array<i32>} : memref<352x128xf32, #tpu.memory_space<vmem>>, vector<1x16xf32>,
        %swap3A_424 = vector.shape_cast %swap3A_423 : vector<1x16xf32> to vector<16xf32>
        %swap3A_425 = vector.shape_cast %mul3A_420 : vector<16xf32> to vector<1x16xf32>
        tpu.vector_store %arg8[%swap3A_421, %swap3A_422], %swap3A_425 {strides = array<i32>} : memref<352x128xf32, #tpu.memory_space<vmem>>, vector<1x16xf32>,
        %get3A_426 = arith.index_cast %add3A_346 : i32 to index
        %get3A_427 = arith.constant 112 : index
        %get3A_428 = tpu.vector_load %arg8[%get3A_426, %get3A_427] {strides = array<i32>} : memref<352x128xf32, #tpu.memory_space<vmem>>, vector<1x16xf32>,
        %get3A_429 = vector.shape_cast %get3A_428 : vector<1x16xf32> to vector<16xf32>
        %mul3A_430 = vector.broadcast %squeeze3A_348 : f32 to vector<16xf32>
        %mul3A_431 = arith.mulf %get3A_429, %mul3A_430 : vector<16xf32>
        %swap3A_432 = arith.index_cast %add3A_346 : i32 to index
        %swap3A_433 = arith.constant 112 : index
        %swap3A_434 = tpu.vector_load %arg8[%swap3A_432, %swap3A_433] {strides = array<i32>} : memref<352x128xf32, #tpu.memory_space<vmem>>, vector<1x16xf32>,
        %swap3A_435 = vector.shape_cast %swap3A_434 : vector<1x16xf32> to vector<16xf32>
        %swap3A_436 = vector.shape_cast %mul3A_431 : vector<16xf32> to vector<1x16xf32>
        tpu.vector_store %arg8[%swap3A_432, %swap3A_433], %swap3A_436 {strides = array<i32>} : memref<352x128xf32, #tpu.memory_space<vmem>>, vector<1x16xf32>,
        %mul3A_437 = arith.constant 16 : i32
        %mul3A_438 = arith.muli %scan3A_58, %mul3A_437 : i32
        %add3A_439 = arith.constant 4 : i32
        %add3A_440 = arith.addi %mul3A_438, %add3A_439 : i32
        %slice3A_441 = vector.extract_strided_slice %get3A_63 {offsets = [4], sizes = [1], strides = [1]} : vector<16xf32> to vector<1xf32>
        %squeeze3A_442 = vector.extract %slice3A_441[0] : f32 from vector<1xf32>
        %get3A_443 = arith.index_cast %add3A_440 : i32 to index
        %get3A_444 = arith.constant 0 : index
        %get3A_445 = tpu.vector_load %arg8[%get3A_443, %get3A_444] {strides = array<i32>} : memref<352x128xf32, #tpu.memory_space<vmem>>, vector<1x16xf32>,
        %get3A_446 = vector.shape_cast %get3A_445 : vector<1x16xf32> to vector<16xf32>
        %mul3A_447 = vector.broadcast %squeeze3A_442 : f32 to vector<16xf32>
        %mul3A_448 = arith.mulf %get3A_446, %mul3A_447 : vector<16xf32>
        %swap3A_449 = arith.index_cast %add3A_440 : i32 to index
        %swap3A_450 = arith.constant 0 : index
        %swap3A_451 = tpu.vector_load %arg8[%swap3A_449, %swap3A_450] {strides = array<i32>} : memref<352x128xf32, #tpu.memory_space<vmem>>, vector<1x16xf32>,
        %swap3A_452 = vector.shape_cast %swap3A_451 : vector<1x16xf32> to vector<16xf32>
        %swap3A_453 = vector.shape_cast %mul3A_448 : vector<16xf32> to vector<1x16xf32>
        tpu.vector_store %arg8[%swap3A_449, %swap3A_450], %swap3A_453 {strides = array<i32>} : memref<352x128xf32, #tpu.memory_space<vmem>>, vector<1x16xf32>,
        %get3A_454 = arith.index_cast %add3A_440 : i32 to index
        %get3A_455 = arith.constant 16 : index
        %get3A_456 = tpu.vector_load %arg8[%get3A_454, %get3A_455] {strides = array<i32>} : memref<352x128xf32, #tpu.memory_space<vmem>>, vector<1x16xf32>,
        %get3A_457 = vector.shape_cast %get3A_456 : vector<1x16xf32> to vector<16xf32>
        %mul3A_458 = vector.broadcast %squeeze3A_442 : f32 to vector<16xf32>
        %mul3A_459 = arith.mulf %get3A_457, %mul3A_458 : vector<16xf32>
        %swap3A_460 = arith.index_cast %add3A_440 : i32 to index
        %swap3A_461 = arith.constant 16 : index
        %swap3A_462 = tpu.vector_load %arg8[%swap3A_460, %swap3A_461] {strides = array<i32>} : memref<352x128xf32, #tpu.memory_space<vmem>>, vector<1x16xf32>,
        %swap3A_463 = vector.shape_cast %swap3A_462 : vector<1x16xf32> to vector<16xf32>
        %swap3A_464 = vector.shape_cast %mul3A_459 : vector<16xf32> to vector<1x16xf32>
        tpu.vector_store %arg8[%swap3A_460, %swap3A_461], %swap3A_464 {strides = array<i32>} : memref<352x128xf32, #tpu.memory_space<vmem>>, vector<1x16xf32>,
        %get3A_465 = arith.index_cast %add3A_440 : i32 to index
        %get3A_466 = arith.constant 32 : index
        %get3A_467 = tpu.vector_load %arg8[%get3A_465, %get3A_466] {strides = array<i32>} : memref<352x128xf32, #tpu.memory_space<vmem>>, vector<1x16xf32>,
        %get3A_468 = vector.shape_cast %get3A_467 : vector<1x16xf32> to vector<16xf32>
        %mul3A_469 = vector.broadcast %squeeze3A_442 : f32 to vector<16xf32>
        %mul3A_470 = arith.mulf %get3A_468, %mul3A_469 : vector<16xf32>
        %swap3A_471 = arith.index_cast %add3A_440 : i32 to index
        %swap3A_472 = arith.constant 32 : index
        %swap3A_473 = tpu.vector_load %arg8[%swap3A_471, %swap3A_472] {strides = array<i32>} : memref<352x128xf32, #tpu.memory_space<vmem>>, vector<1x16xf32>,
        %swap3A_474 = vector.shape_cast %swap3A_473 : vector<1x16xf32> to vector<16xf32>
        %swap3A_475 = vector.shape_cast %mul3A_470 : vector<16xf32> to vector<1x16xf32>
        tpu.vector_store %arg8[%swap3A_471, %swap3A_472], %swap3A_475 {strides = array<i32>} : memref<352x128xf32, #tpu.memory_space<vmem>>, vector<1x16xf32>,
        %get3A_476 = arith.index_cast %add3A_440 : i32 to index
        %get3A_477 = arith.constant 48 : index
        %get3A_478 = tpu.vector_load %arg8[%get3A_476, %get3A_477] {strides = array<i32>} : memref<352x128xf32, #tpu.memory_space<vmem>>, vector<1x16xf32>,
        %get3A_479 = vector.shape_cast %get3A_478 : vector<1x16xf32> to vector<16xf32>
        %mul3A_480 = vector.broadcast %squeeze3A_442 : f32 to vector<16xf32>
        %mul3A_481 = arith.mulf %get3A_479, %mul3A_480 : vector<16xf32>
        %swap3A_482 = arith.index_cast %add3A_440 : i32 to index
        %swap3A_483 = arith.constant 48 : index
        %swap3A_484 = tpu.vector_load %arg8[%swap3A_482, %swap3A_483] {strides = array<i32>} : memref<352x128xf32, #tpu.memory_space<vmem>>, vector<1x16xf32>,
        %swap3A_485 = vector.shape_cast %swap3A_484 : vector<1x16xf32> to vector<16xf32>
        %swap3A_486 = vector.shape_cast %mul3A_481 : vector<16xf32> to vector<1x16xf32>
        tpu.vector_store %arg8[%swap3A_482, %swap3A_483], %swap3A_486 {strides = array<i32>} : memref<352x128xf32, #tpu.memory_space<vmem>>, vector<1x16xf32>,
        %get3A_487 = arith.index_cast %add3A_440 : i32 to index
        %get3A_488 = arith.constant 64 : index
        %get3A_489 = tpu.vector_load %arg8[%get3A_487, %get3A_488] {strides = array<i32>} : memref<352x128xf32, #tpu.memory_space<vmem>>, vector<1x16xf32>,
        %get3A_490 = vector.shape_cast %get3A_489 : vector<1x16xf32> to vector<16xf32>
        %mul3A_491 = vector.broadcast %squeeze3A_442 : f32 to vector<16xf32>
        %mul3A_492 = arith.mulf %get3A_490, %mul3A_491 : vector<16xf32>
        %swap3A_493 = arith.index_cast %add3A_440 : i32 to index
        %swap3A_494 = arith.constant 64 : index
        %swap3A_495 = tpu.vector_load %arg8[%swap3A_493, %swap3A_494] {strides = array<i32>} : memref<352x128xf32, #tpu.memory_space<vmem>>, vector<1x16xf32>,
        %swap3A_496 = vector.shape_cast %swap3A_495 : vector<1x16xf32> to vector<16xf32>
        %swap3A_497 = vector.shape_cast %mul3A_492 : vector<16xf32> to vector<1x16xf32>
        tpu.vector_store %arg8[%swap3A_493, %swap3A_494], %swap3A_497 {strides = array<i32>} : memref<352x128xf32, #tpu.memory_space<vmem>>, vector<1x16xf32>,
        %get3A_498 = arith.index_cast %add3A_440 : i32 to index
        %get3A_499 = arith.constant 80 : index
        %get3A_500 = tpu.vector_load %arg8[%get3A_498, %get3A_499] {strides = array<i32>} : memref<352x128xf32, #tpu.memory_space<vmem>>, vector<1x16xf32>,
        %get3A_501 = vector.shape_cast %get3A_500 : vector<1x16xf32> to vector<16xf32>
        %mul3A_502 = vector.broadcast %squeeze3A_442 : f32 to vector<16xf32>
        %mul3A_503 = arith.mulf %get3A_501, %mul3A_502 : vector<16xf32>
        %swap3A_504 = arith.index_cast %add3A_440 : i32 to index
        %swap3A_505 = arith.constant 80 : index
        %swap3A_506 = tpu.vector_load %arg8[%swap3A_504, %swap3A_505] {strides = array<i32>} : memref<352x128xf32, #tpu.memory_space<vmem>>, vector<1x16xf32>,
        %swap3A_507 = vector.shape_cast %swap3A_506 : vector<1x16xf32> to vector<16xf32>
        %swap3A_508 = vector.shape_cast %mul3A_503 : vector<16xf32> to vector<1x16xf32>
        tpu.vector_store %arg8[%swap3A_504, %swap3A_505], %swap3A_508 {strides = array<i32>} : memref<352x128xf32, #tpu.memory_space<vmem>>, vector<1x16xf32>,
        %get3A_509 = arith.index_cast %add3A_440 : i32 to index
        %get3A_510 = arith.constant 96 : index
        %get3A_511 = tpu.vector_load %arg8[%get3A_509, %get3A_510] {strides = array<i32>} : memref<352x128xf32, #tpu.memory_space<vmem>>, vector<1x16xf32>,
        %get3A_512 = vector.shape_cast %get3A_511 : vector<1x16xf32> to vector<16xf32>
        %mul3A_513 = vector.broadcast %squeeze3A_442 : f32 to vector<16xf32>
        %mul3A_514 = arith.mulf %get3A_512, %mul3A_513 : vector<16xf32>
        %swap3A_515 = arith.index_cast %add3A_440 : i32 to index
        %swap3A_516 = arith.constant 96 : index
        %swap3A_517 = tpu.vector_load %arg8[%swap3A_515, %swap3A_516] {strides = array<i32>} : memref<352x128xf32, #tpu.memory_space<vmem>>, vector<1x16xf32>,
        %swap3A_518 = vector.shape_cast %swap3A_517 : vector<1x16xf32> to vector<16xf32>
        %swap3A_519 = vector.shape_cast %mul3A_514 : vector<16xf32> to vector<1x16xf32>
        tpu.vector_store %arg8[%swap3A_515, %swap3A_516], %swap3A_519 {strides = array<i32>} : memref<352x128xf32, #tpu.memory_space<vmem>>, vector<1x16xf32>,
        %get3A_520 = arith.index_cast %add3A_440 : i32 to index
        %get3A_521 = arith.constant 112 : index
        %get3A_522 = tpu.vector_load %arg8[%get3A_520, %get3A_521] {strides = array<i32>} : memref<352x128xf32, #tpu.memory_space<vmem>>, vector<1x16xf32>,
        %get3A_523 = vector.shape_cast %get3A_522 : vector<1x16xf32> to vector<16xf32>
        %mul3A_524 = vector.broadcast %squeeze3A_442 : f32 to vector<16xf32>
        %mul3A_525 = arith.mulf %get3A_523, %mul3A_524 : vector<16xf32>
        %swap3A_526 = arith.index_cast %add3A_440 : i32 to index
        %swap3A_527 = arith.constant 112 : index
        %swap3A_528 = tpu.vector_load %arg8[%swap3A_526, %swap3A_527] {strides = array<i32>} : memref<352x128xf32, #tpu.memory_space<vmem>>, vector<1x16xf32>,
        %swap3A_529 = vector.shape_cast %swap3A_528 : vector<1x16xf32> to vector<16xf32>
        %swap3A_530 = vector.shape_cast %mul3A_525 : vector<16xf32> to vector<1x16xf32>
        tpu.vector_store %arg8[%swap3A_526, %swap3A_527], %swap3A_530 {strides = array<i32>} : memref<352x128xf32, #tpu.memory_space<vmem>>, vector<1x16xf32>,
        %mul3A_531 = arith.constant 16 : i32
        %mul3A_532 = arith.muli %scan3A_58, %mul3A_531 : i32
        %add3A_533 = arith.constant 5 : i32
        %add3A_534 = arith.addi %mul3A_532, %add3A_533 : i32
        %slice3A_535 = vector.extract_strided_slice %get3A_63 {offsets = [5], sizes = [1], strides = [1]} : vector<16xf32> to vector<1xf32>
        %squeeze3A_536 = vector.extract %slice3A_535[0] : f32 from vector<1xf32>
        %get3A_537 = arith.index_cast %add3A_534 : i32 to index
        %get3A_538 = arith.constant 0 : index
        %get3A_539 = tpu.vector_load %arg8[%get3A_537, %get3A_538] {strides = array<i32>} : memref<352x128xf32, #tpu.memory_space<vmem>>, vector<1x16xf32>,
        %get3A_540 = vector.shape_cast %get3A_539 : vector<1x16xf32> to vector<16xf32>
        %mul3A_541 = vector.broadcast %squeeze3A_536 : f32 to vector<16xf32>
        %mul3A_542 = arith.mulf %get3A_540, %mul3A_541 : vector<16xf32>
        %swap3A_543 = arith.index_cast %add3A_534 : i32 to index
        %swap3A_544 = arith.constant 0 : index
        %swap3A_545 = tpu.vector_load %arg8[%swap3A_543, %swap3A_544] {strides = array<i32>} : memref<352x128xf32, #tpu.memory_space<vmem>>, vector<1x16xf32>,
        %swap3A_546 = vector.shape_cast %swap3A_545 : vector<1x16xf32> to vector<16xf32>
        %swap3A_547 = vector.shape_cast %mul3A_542 : vector<16xf32> to vector<1x16xf32>
        tpu.vector_store %arg8[%swap3A_543, %swap3A_544], %swap3A_547 {strides = array<i32>} : memref<352x128xf32, #tpu.memory_space<vmem>>, vector<1x16xf32>,
        %get3A_548 = arith.index_cast %add3A_534 : i32 to index
        %get3A_549 = arith.constant 16 : index
        %get3A_550 = tpu.vector_load %arg8[%get3A_548, %get3A_549] {strides = array<i32>} : memref<352x128xf32, #tpu.memory_space<vmem>>, vector<1x16xf32>,
        %get3A_551 = vector.shape_cast %get3A_550 : vector<1x16xf32> to vector<16xf32>
        %mul3A_552 = vector.broadcast %squeeze3A_536 : f32 to vector<16xf32>
        %mul3A_553 = arith.mulf %get3A_551, %mul3A_552 : vector<16xf32>
        %swap3A_554 = arith.index_cast %add3A_534 : i32 to index
        %swap3A_555 = arith.constant 16 : index
        %swap3A_556 = tpu.vector_load %arg8[%swap3A_554, %swap3A_555] {strides = array<i32>} : memref<352x128xf32, #tpu.memory_space<vmem>>, vector<1x16xf32>,
        %swap3A_557 = vector.shape_cast %swap3A_556 : vector<1x16xf32> to vector<16xf32>
        %swap3A_558 = vector.shape_cast %mul3A_553 : vector<16xf32> to vector<1x16xf32>
        tpu.vector_store %arg8[%swap3A_554, %swap3A_555], %swap3A_558 {strides = array<i32>} : memref<352x128xf32, #tpu.memory_space<vmem>>, vector<1x16xf32>,
        %get3A_559 = arith.index_cast %add3A_534 : i32 to index
        %get3A_560 = arith.constant 32 : index
        %get3A_561 = tpu.vector_load %arg8[%get3A_559, %get3A_560] {strides = array<i32>} : memref<352x128xf32, #tpu.memory_space<vmem>>, vector<1x16xf32>,
        %get3A_562 = vector.shape_cast %get3A_561 : vector<1x16xf32> to vector<16xf32>
        %mul3A_563 = vector.broadcast %squeeze3A_536 : f32 to vector<16xf32>
        %mul3A_564 = arith.mulf %get3A_562, %mul3A_563 : vector<16xf32>
        %swap3A_565 = arith.index_cast %add3A_534 : i32 to index
        %swap3A_566 = arith.constant 32 : index
        %swap3A_567 = tpu.vector_load %arg8[%swap3A_565, %swap3A_566] {strides = array<i32>} : memref<352x128xf32, #tpu.memory_space<vmem>>, vector<1x16xf32>,
        %swap3A_568 = vector.shape_cast %swap3A_567 : vector<1x16xf32> to vector<16xf32>
        %swap3A_569 = vector.shape_cast %mul3A_564 : vector<16xf32> to vector<1x16xf32>
        tpu.vector_store %arg8[%swap3A_565, %swap3A_566], %swap3A_569 {strides = array<i32>} : memref<352x128xf32, #tpu.memory_space<vmem>>, vector<1x16xf32>,
        %get3A_570 = arith.index_cast %add3A_534 : i32 to index
        %get3A_571 = arith.constant 48 : index
        %get3A_572 = tpu.vector_load %arg8[%get3A_570, %get3A_571] {strides = array<i32>} : memref<352x128xf32, #tpu.memory_space<vmem>>, vector<1x16xf32>,
        %get3A_573 = vector.shape_cast %get3A_572 : vector<1x16xf32> to vector<16xf32>
        %mul3A_574 = vector.broadcast %squeeze3A_536 : f32 to vector<16xf32>
        %mul3A_575 = arith.mulf %get3A_573, %mul3A_574 : vector<16xf32>
        %swap3A_576 = arith.index_cast %add3A_534 : i32 to index
        %swap3A_577 = arith.constant 48 : index
        %swap3A_578 = tpu.vector_load %arg8[%swap3A_576, %swap3A_577] {strides = array<i32>} : memref<352x128xf32, #tpu.memory_space<vmem>>, vector<1x16xf32>,
        %swap3A_579 = vector.shape_cast %swap3A_578 : vector<1x16xf32> to vector<16xf32>
        %swap3A_580 = vector.shape_cast %mul3A_575 : vector<16xf32> to vector<1x16xf32>
        tpu.vector_store %arg8[%swap3A_576, %swap3A_577], %swap3A_580 {strides = array<i32>} : memref<352x128xf32, #tpu.memory_space<vmem>>, vector<1x16xf32>,
        %get3A_581 = arith.index_cast %add3A_534 : i32 to index
        %get3A_582 = arith.constant 64 : index
        %get3A_583 = tpu.vector_load %arg8[%get3A_581, %get3A_582] {strides = array<i32>} : memref<352x128xf32, #tpu.memory_space<vmem>>, vector<1x16xf32>,
        %get3A_584 = vector.shape_cast %get3A_583 : vector<1x16xf32> to vector<16xf32>
        %mul3A_585 = vector.broadcast %squeeze3A_536 : f32 to vector<16xf32>
        %mul3A_586 = arith.mulf %get3A_584, %mul3A_585 : vector<16xf32>
        %swap3A_587 = arith.index_cast %add3A_534 : i32 to index
        %swap3A_588 = arith.constant 64 : index
        %swap3A_589 = tpu.vector_load %arg8[%swap3A_587, %swap3A_588] {strides = array<i32>} : memref<352x128xf32, #tpu.memory_space<vmem>>, vector<1x16xf32>,
        %swap3A_590 = vector.shape_cast %swap3A_589 : vector<1x16xf32> to vector<16xf32>
        %swap3A_591 = vector.shape_cast %mul3A_586 : vector<16xf32> to vector<1x16xf32>
        tpu.vector_store %arg8[%swap3A_587, %swap3A_588], %swap3A_591 {strides = array<i32>} : memref<352x128xf32, #tpu.memory_space<vmem>>, vector<1x16xf32>,
        %get3A_592 = arith.index_cast %add3A_534 : i32 to index
        %get3A_593 = arith.constant 80 : index
        %get3A_594 = tpu.vector_load %arg8[%get3A_592, %get3A_593] {strides = array<i32>} : memref<352x128xf32, #tpu.memory_space<vmem>>, vector<1x16xf32>,
        %get3A_595 = vector.shape_cast %get3A_594 : vector<1x16xf32> to vector<16xf32>
        %mul3A_596 = vector.broadcast %squeeze3A_536 : f32 to vector<16xf32>
        %mul3A_597 = arith.mulf %get3A_595, %mul3A_596 : vector<16xf32>
        %swap3A_598 = arith.index_cast %add3A_534 : i32 to index
        %swap3A_599 = arith.constant 80 : index
        %swap3A_600 = tpu.vector_load %arg8[%swap3A_598, %swap3A_599] {strides = array<i32>} : memref<352x128xf32, #tpu.memory_space<vmem>>, vector<1x16xf32>,
        %swap3A_601 = vector.shape_cast %swap3A_600 : vector<1x16xf32> to vector<16xf32>
        %swap3A_602 = vector.shape_cast %mul3A_597 : vector<16xf32> to vector<1x16xf32>
        tpu.vector_store %arg8[%swap3A_598, %swap3A_599], %swap3A_602 {strides = array<i32>} : memref<352x128xf32, #tpu.memory_space<vmem>>, vector<1x16xf32>,
        %get3A_603 = arith.index_cast %add3A_534 : i32 to index
        %get3A_604 = arith.constant 96 : index
        %get3A_605 = tpu.vector_load %arg8[%get3A_603, %get3A_604] {strides = array<i32>} : memref<352x128xf32, #tpu.memory_space<vmem>>, vector<1x16xf32>,
        %get3A_606 = vector.shape_cast %get3A_605 : vector<1x16xf32> to vector<16xf32>
        %mul3A_607 = vector.broadcast %squeeze3A_536 : f32 to vector<16xf32>
        %mul3A_608 = arith.mulf %get3A_606, %mul3A_607 : vector<16xf32>
        %swap3A_609 = arith.index_cast %add3A_534 : i32 to index
        %swap3A_610 = arith.constant 96 : index
        %swap3A_611 = tpu.vector_load %arg8[%swap3A_609, %swap3A_610] {strides = array<i32>} : memref<352x128xf32, #tpu.memory_space<vmem>>, vector<1x16xf32>,
        %swap3A_612 = vector.shape_cast %swap3A_611 : vector<1x16xf32> to vector<16xf32>
        %swap3A_613 = vector.shape_cast %mul3A_608 : vector<16xf32> to vector<1x16xf32>
        tpu.vector_store %arg8[%swap3A_609, %swap3A_610], %swap3A_613 {strides = array<i32>} : memref<352x128xf32, #tpu.memory_space<vmem>>, vector<1x16xf32>,
        %get3A_614 = arith.index_cast %add3A_534 : i32 to index
        %get3A_615 = arith.constant 112 : index
        %get3A_616 = tpu.vector_load %arg8[%get3A_614, %get3A_615] {strides = array<i32>} : memref<352x128xf32, #tpu.memory_space<vmem>>, vector<1x16xf32>,
        %get3A_617 = vector.shape_cast %get3A_616 : vector<1x16xf32> to vector<16xf32>
        %mul3A_618 = vector.broadcast %squeeze3A_536 : f32 to vector<16xf32>
        %mul3A_619 = arith.mulf %get3A_617, %mul3A_618 : vector<16xf32>
        %swap3A_620 = arith.index_cast %add3A_534 : i32 to index
        %swap3A_621 = arith.constant 112 : index
        %swap3A_622 = tpu.vector_load %arg8[%swap3A_620, %swap3A_621] {strides = array<i32>} : memref<352x128xf32, #tpu.memory_space<vmem>>, vector<1x16xf32>,
        %swap3A_623 = vector.shape_cast %swap3A_622 : vector<1x16xf32> to vector<16xf32>
        %swap3A_624 = vector.shape_cast %mul3A_619 : vector<16xf32> to vector<1x16xf32>
        tpu.vector_store %arg8[%swap3A_620, %swap3A_621], %swap3A_624 {strides = array<i32>} : memref<352x128xf32, #tpu.memory_space<vmem>>, vector<1x16xf32>,
        %mul3A_625 = arith.constant 16 : i32
        %mul3A_626 = arith.muli %scan3A_58, %mul3A_625 : i32
        %add3A_627 = arith.constant 6 : i32
        %add3A_628 = arith.addi %mul3A_626, %add3A_627 : i32
        %slice3A_629 = vector.extract_strided_slice %get3A_63 {offsets = [6], sizes = [1], strides = [1]} : vector<16xf32> to vector<1xf32>
        %squeeze3A_630 = vector.extract %slice3A_629[0] : f32 from vector<1xf32>
        %get3A_631 = arith.index_cast %add3A_628 : i32 to index
        %get3A_632 = arith.constant 0 : index
        %get3A_633 = tpu.vector_load %arg8[%get3A_631, %get3A_632] {strides = array<i32>} : memref<352x128xf32, #tpu.memory_space<vmem>>, vector<1x16xf32>,
        %get3A_634 = vector.shape_cast %get3A_633 : vector<1x16xf32> to vector<16xf32>
        %mul3A_635 = vector.broadcast %squeeze3A_630 : f32 to vector<16xf32>
        %mul3A_636 = arith.mulf %get3A_634, %mul3A_635 : vector<16xf32>
        %swap3A_637 = arith.index_cast %add3A_628 : i32 to index
        %swap3A_638 = arith.constant 0 : index
        %swap3A_639 = tpu.vector_load %arg8[%swap3A_637, %swap3A_638] {strides = array<i32>} : memref<352x128xf32, #tpu.memory_space<vmem>>, vector<1x16xf32>,
        %swap3A_640 = vector.shape_cast %swap3A_639 : vector<1x16xf32> to vector<16xf32>
        %swap3A_641 = vector.shape_cast %mul3A_636 : vector<16xf32> to vector<1x16xf32>
        tpu.vector_store %arg8[%swap3A_637, %swap3A_638], %swap3A_641 {strides = array<i32>} : memref<352x128xf32, #tpu.memory_space<vmem>>, vector<1x16xf32>,
        %get3A_642 = arith.index_cast %add3A_628 : i32 to index
        %get3A_643 = arith.constant 16 : index
        %get3A_644 = tpu.vector_load %arg8[%get3A_642, %get3A_643] {strides = array<i32>} : memref<352x128xf32, #tpu.memory_space<vmem>>, vector<1x16xf32>,
        %get3A_645 = vector.shape_cast %get3A_644 : vector<1x16xf32> to vector<16xf32>
        %mul3A_646 = vector.broadcast %squeeze3A_630 : f32 to vector<16xf32>
        %mul3A_647 = arith.mulf %get3A_645, %mul3A_646 : vector<16xf32>
        %swap3A_648 = arith.index_cast %add3A_628 : i32 to index
        %swap3A_649 = arith.constant 16 : index
        %swap3A_650 = tpu.vector_load %arg8[%swap3A_648, %swap3A_649] {strides = array<i32>} : memref<352x128xf32, #tpu.memory_space<vmem>>, vector<1x16xf32>,
        %swap3A_651 = vector.shape_cast %swap3A_650 : vector<1x16xf32> to vector<16xf32>
        %swap3A_652 = vector.shape_cast %mul3A_647 : vector<16xf32> to vector<1x16xf32>
        tpu.vector_store %arg8[%swap3A_648, %swap3A_649], %swap3A_652 {strides = array<i32>} : memref<352x128xf32, #tpu.memory_space<vmem>>, vector<1x16xf32>,
        %get3A_653 = arith.index_cast %add3A_628 : i32 to index
        %get3A_654 = arith.constant 32 : index
        %get3A_655 = tpu.vector_load %arg8[%get3A_653, %get3A_654] {strides = array<i32>} : memref<352x128xf32, #tpu.memory_space<vmem>>, vector<1x16xf32>,
        %get3A_656 = vector.shape_cast %get3A_655 : vector<1x16xf32> to vector<16xf32>
        %mul3A_657 = vector.broadcast %squeeze3A_630 : f32 to vector<16xf32>
        %mul3A_658 = arith.mulf %get3A_656, %mul3A_657 : vector<16xf32>
        %swap3A_659 = arith.index_cast %add3A_628 : i32 to index
        %swap3A_660 = arith.constant 32 : index
        %swap3A_661 = tpu.vector_load %arg8[%swap3A_659, %swap3A_660] {strides = array<i32>} : memref<352x128xf32, #tpu.memory_space<vmem>>, vector<1x16xf32>,
        %swap3A_662 = vector.shape_cast %swap3A_661 : vector<1x16xf32> to vector<16xf32>
        %swap3A_663 = vector.shape_cast %mul3A_658 : vector<16xf32> to vector<1x16xf32>
        tpu.vector_store %arg8[%swap3A_659, %swap3A_660], %swap3A_663 {strides = array<i32>} : memref<352x128xf32, #tpu.memory_space<vmem>>, vector<1x16xf32>,
        %get3A_664 = arith.index_cast %add3A_628 : i32 to index
        %get3A_665 = arith.constant 48 : index
        %get3A_666 = tpu.vector_load %arg8[%get3A_664, %get3A_665] {strides = array<i32>} : memref<352x128xf32, #tpu.memory_space<vmem>>, vector<1x16xf32>,
        %get3A_667 = vector.shape_cast %get3A_666 : vector<1x16xf32> to vector<16xf32>
        %mul3A_668 = vector.broadcast %squeeze3A_630 : f32 to vector<16xf32>
        %mul3A_669 = arith.mulf %get3A_667, %mul3A_668 : vector<16xf32>
        %swap3A_670 = arith.index_cast %add3A_628 : i32 to index
        %swap3A_671 = arith.constant 48 : index
        %swap3A_672 = tpu.vector_load %arg8[%swap3A_670, %swap3A_671] {strides = array<i32>} : memref<352x128xf32, #tpu.memory_space<vmem>>, vector<1x16xf32>,
        %swap3A_673 = vector.shape_cast %swap3A_672 : vector<1x16xf32> to vector<16xf32>
        %swap3A_674 = vector.shape_cast %mul3A_669 : vector<16xf32> to vector<1x16xf32>
        tpu.vector_store %arg8[%swap3A_670, %swap3A_671], %swap3A_674 {strides = array<i32>} : memref<352x128xf32, #tpu.memory_space<vmem>>, vector<1x16xf32>,
        %get3A_675 = arith.index_cast %add3A_628 : i32 to index
        %get3A_676 = arith.constant 64 : index
        %get3A_677 = tpu.vector_load %arg8[%get3A_675, %get3A_676] {strides = array<i32>} : memref<352x128xf32, #tpu.memory_space<vmem>>, vector<1x16xf32>,
        %get3A_678 = vector.shape_cast %get3A_677 : vector<1x16xf32> to vector<16xf32>
        %mul3A_679 = vector.broadcast %squeeze3A_630 : f32 to vector<16xf32>
        %mul3A_680 = arith.mulf %get3A_678, %mul3A_679 : vector<16xf32>
        %swap3A_681 = arith.index_cast %add3A_628 : i32 to index
        %swap3A_682 = arith.constant 64 : index
        %swap3A_683 = tpu.vector_load %arg8[%swap3A_681, %swap3A_682] {strides = array<i32>} : memref<352x128xf32, #tpu.memory_space<vmem>>, vector<1x16xf32>,
        %swap3A_684 = vector.shape_cast %swap3A_683 : vector<1x16xf32> to vector<16xf32>
        %swap3A_685 = vector.shape_cast %mul3A_680 : vector<16xf32> to vector<1x16xf32>
        tpu.vector_store %arg8[%swap3A_681, %swap3A_682], %swap3A_685 {strides = array<i32>} : memref<352x128xf32, #tpu.memory_space<vmem>>, vector<1x16xf32>,
        %get3A_686 = arith.index_cast %add3A_628 : i32 to index
        %get3A_687 = arith.constant 80 : index
        %get3A_688 = tpu.vector_load %arg8[%get3A_686, %get3A_687] {strides = array<i32>} : memref<352x128xf32, #tpu.memory_space<vmem>>, vector<1x16xf32>,
        %get3A_689 = vector.shape_cast %get3A_688 : vector<1x16xf32> to vector<16xf32>
        %mul3A_690 = vector.broadcast %squeeze3A_630 : f32 to vector<16xf32>
        %mul3A_691 = arith.mulf %get3A_689, %mul3A_690 : vector<16xf32>
        %swap3A_692 = arith.index_cast %add3A_628 : i32 to index
        %swap3A_693 = arith.constant 80 : index
        %swap3A_694 = tpu.vector_load %arg8[%swap3A_692, %swap3A_693] {strides = array<i32>} : memref<352x128xf32, #tpu.memory_space<vmem>>, vector<1x16xf32>,
        %swap3A_695 = vector.shape_cast %swap3A_694 : vector<1x16xf32> to vector<16xf32>
        %swap3A_696 = vector.shape_cast %mul3A_691 : vector<16xf32> to vector<1x16xf32>
        tpu.vector_store %arg8[%swap3A_692, %swap3A_693], %swap3A_696 {strides = array<i32>} : memref<352x128xf32, #tpu.memory_space<vmem>>, vector<1x16xf32>,
        %get3A_697 = arith.index_cast %add3A_628 : i32 to index
        %get3A_698 = arith.constant 96 : index
        %get3A_699 = tpu.vector_load %arg8[%get3A_697, %get3A_698] {strides = array<i32>} : memref<352x128xf32, #tpu.memory_space<vmem>>, vector<1x16xf32>,
        %get3A_700 = vector.shape_cast %get3A_699 : vector<1x16xf32> to vector<16xf32>
        %mul3A_701 = vector.broadcast %squeeze3A_630 : f32 to vector<16xf32>
        %mul3A_702 = arith.mulf %get3A_700, %mul3A_701 : vector<16xf32>
        %swap3A_703 = arith.index_cast %add3A_628 : i32 to index
        %swap3A_704 = arith.constant 96 : index
        %swap3A_705 = tpu.vector_load %arg8[%swap3A_703, %swap3A_704] {strides = array<i32>} : memref<352x128xf32, #tpu.memory_space<vmem>>, vector<1x16xf32>,
        %swap3A_706 = vector.shape_cast %swap3A_705 : vector<1x16xf32> to vector<16xf32>
        %swap3A_707 = vector.shape_cast %mul3A_702 : vector<16xf32> to vector<1x16xf32>
        tpu.vector_store %arg8[%swap3A_703, %swap3A_704], %swap3A_707 {strides = array<i32>} : memref<352x128xf32, #tpu.memory_space<vmem>>, vector<1x16xf32>,
        %get3A_708 = arith.index_cast %add3A_628 : i32 to index
        %get3A_709 = arith.constant 112 : index
        %get3A_710 = tpu.vector_load %arg8[%get3A_708, %get3A_709] {strides = array<i32>} : memref<352x128xf32, #tpu.memory_space<vmem>>, vector<1x16xf32>,
        %get3A_711 = vector.shape_cast %get3A_710 : vector<1x16xf32> to vector<16xf32>
        %mul3A_712 = vector.broadcast %squeeze3A_630 : f32 to vector<16xf32>
        %mul3A_713 = arith.mulf %get3A_711, %mul3A_712 : vector<16xf32>
        %swap3A_714 = arith.index_cast %add3A_628 : i32 to index
        %swap3A_715 = arith.constant 112 : index
        %swap3A_716 = tpu.vector_load %arg8[%swap3A_714, %swap3A_715] {strides = array<i32>} : memref<352x128xf32, #tpu.memory_space<vmem>>, vector<1x16xf32>,
        %swap3A_717 = vector.shape_cast %swap3A_716 : vector<1x16xf32> to vector<16xf32>
        %swap3A_718 = vector.shape_cast %mul3A_713 : vector<16xf32> to vector<1x16xf32>
        tpu.vector_store %arg8[%swap3A_714, %swap3A_715], %swap3A_718 {strides = array<i32>} : memref<352x128xf32, #tpu.memory_space<vmem>>, vector<1x16xf32>,
        %mul3A_719 = arith.constant 16 : i32
        %mul3A_720 = arith.muli %scan3A_58, %mul3A_719 : i32
        %add3A_721 = arith.constant 7 : i32
        %add3A_722 = arith.addi %mul3A_720, %add3A_721 : i32
        %slice3A_723 = vector.extract_strided_slice %get3A_63 {offsets = [7], sizes = [1], strides = [1]} : vector<16xf32> to vector<1xf32>
        %squeeze3A_724 = vector.extract %slice3A_723[0] : f32 from vector<1xf32>
        %get3A_725 = arith.index_cast %add3A_722 : i32 to index
        %get3A_726 = arith.constant 0 : index
        %get3A_727 = tpu.vector_load %arg8[%get3A_725, %get3A_726] {strides = array<i32>} : memref<352x128xf32, #tpu.memory_space<vmem>>, vector<1x16xf32>,
        %get3A_728 = vector.shape_cast %get3A_727 : vector<1x16xf32> to vector<16xf32>
        %mul3A_729 = vector.broadcast %squeeze3A_724 : f32 to vector<16xf32>
        %mul3A_730 = arith.mulf %get3A_728, %mul3A_729 : vector<16xf32>
        %swap3A_731 = arith.index_cast %add3A_722 : i32 to index
        %swap3A_732 = arith.constant 0 : index
        %swap3A_733 = tpu.vector_load %arg8[%swap3A_731, %swap3A_732] {strides = array<i32>} : memref<352x128xf32, #tpu.memory_space<vmem>>, vector<1x16xf32>,
        %swap3A_734 = vector.shape_cast %swap3A_733 : vector<1x16xf32> to vector<16xf32>
        %swap3A_735 = vector.shape_cast %mul3A_730 : vector<16xf32> to vector<1x16xf32>
        tpu.vector_store %arg8[%swap3A_731, %swap3A_732], %swap3A_735 {strides = array<i32>} : memref<352x128xf32, #tpu.memory_space<vmem>>, vector<1x16xf32>,
        %get3A_736 = arith.index_cast %add3A_722 : i32 to index
        %get3A_737 = arith.constant 16 : index
        %get3A_738 = tpu.vector_load %arg8[%get3A_736, %get3A_737] {strides = array<i32>} : memref<352x128xf32, #tpu.memory_space<vmem>>, vector<1x16xf32>,
        %get3A_739 = vector.shape_cast %get3A_738 : vector<1x16xf32> to vector<16xf32>
        %mul3A_740 = vector.broadcast %squeeze3A_724 : f32 to vector<16xf32>
        %mul3A_741 = arith.mulf %get3A_739, %mul3A_740 : vector<16xf32>
        %swap3A_742 = arith.index_cast %add3A_722 : i32 to index
        %swap3A_743 = arith.constant 16 : index
        %swap3A_744 = tpu.vector_load %arg8[%swap3A_742, %swap3A_743] {strides = array<i32>} : memref<352x128xf32, #tpu.memory_space<vmem>>, vector<1x16xf32>,
        %swap3A_745 = vector.shape_cast %swap3A_744 : vector<1x16xf32> to vector<16xf32>
        %swap3A_746 = vector.shape_cast %mul3A_741 : vector<16xf32> to vector<1x16xf32>
        tpu.vector_store %arg8[%swap3A_742, %swap3A_743], %swap3A_746 {strides = array<i32>} : memref<352x128xf32, #tpu.memory_space<vmem>>, vector<1x16xf32>,
        %get3A_747 = arith.index_cast %add3A_722 : i32 to index
        %get3A_748 = arith.constant 32 : index
        %get3A_749 = tpu.vector_load %arg8[%get3A_747, %get3A_748] {strides = array<i32>} : memref<352x128xf32, #tpu.memory_space<vmem>>, vector<1x16xf32>,
        %get3A_750 = vector.shape_cast %get3A_749 : vector<1x16xf32> to vector<16xf32>
        %mul3A_751 = vector.broadcast %squeeze3A_724 : f32 to vector<16xf32>
        %mul3A_752 = arith.mulf %get3A_750, %mul3A_751 : vector<16xf32>
        %swap3A_753 = arith.index_cast %add3A_722 : i32 to index
        %swap3A_754 = arith.constant 32 : index
        %swap3A_755 = tpu.vector_load %arg8[%swap3A_753, %swap3A_754] {strides = array<i32>} : memref<352x128xf32, #tpu.memory_space<vmem>>, vector<1x16xf32>,
        %swap3A_756 = vector.shape_cast %swap3A_755 : vector<1x16xf32> to vector<16xf32>
        %swap3A_757 = vector.shape_cast %mul3A_752 : vector<16xf32> to vector<1x16xf32>
        tpu.vector_store %arg8[%swap3A_753, %swap3A_754], %swap3A_757 {strides = array<i32>} : memref<352x128xf32, #tpu.memory_space<vmem>>, vector<1x16xf32>,
        %get3A_758 = arith.index_cast %add3A_722 : i32 to index
        %get3A_759 = arith.constant 48 : index
        %get3A_760 = tpu.vector_load %arg8[%get3A_758, %get3A_759] {strides = array<i32>} : memref<352x128xf32, #tpu.memory_space<vmem>>, vector<1x16xf32>,
        %get3A_761 = vector.shape_cast %get3A_760 : vector<1x16xf32> to vector<16xf32>
        %mul3A_762 = vector.broadcast %squeeze3A_724 : f32 to vector<16xf32>
        %mul3A_763 = arith.mulf %get3A_761, %mul3A_762 : vector<16xf32>
        %swap3A_764 = arith.index_cast %add3A_722 : i32 to index
        %swap3A_765 = arith.constant 48 : index
        %swap3A_766 = tpu.vector_load %arg8[%swap3A_764, %swap3A_765] {strides = array<i32>} : memref<352x128xf32, #tpu.memory_space<vmem>>, vector<1x16xf32>,
        %swap3A_767 = vector.shape_cast %swap3A_766 : vector<1x16xf32> to vector<16xf32>
        %swap3A_768 = vector.shape_cast %mul3A_763 : vector<16xf32> to vector<1x16xf32>
        tpu.vector_store %arg8[%swap3A_764, %swap3A_765], %swap3A_768 {strides = array<i32>} : memref<352x128xf32, #tpu.memory_space<vmem>>, vector<1x16xf32>,
        %get3A_769 = arith.index_cast %add3A_722 : i32 to index
        %get3A_770 = arith.constant 64 : index
        %get3A_771 = tpu.vector_load %arg8[%get3A_769, %get3A_770] {strides = array<i32>} : memref<352x128xf32, #tpu.memory_space<vmem>>, vector<1x16xf32>,
        %get3A_772 = vector.shape_cast %get3A_771 : vector<1x16xf32> to vector<16xf32>
        %mul3A_773 = vector.broadcast %squeeze3A_724 : f32 to vector<16xf32>
        %mul3A_774 = arith.mulf %get3A_772, %mul3A_773 : vector<16xf32>
        %swap3A_775 = arith.index_cast %add3A_722 : i32 to index
        %swap3A_776 = arith.constant 64 : index
        %swap3A_777 = tpu.vector_load %arg8[%swap3A_775, %swap3A_776] {strides = array<i32>} : memref<352x128xf32, #tpu.memory_space<vmem>>, vector<1x16xf32>,
        %swap3A_778 = vector.shape_cast %swap3A_777 : vector<1x16xf32> to vector<16xf32>
        %swap3A_779 = vector.shape_cast %mul3A_774 : vector<16xf32> to vector<1x16xf32>
        tpu.vector_store %arg8[%swap3A_775, %swap3A_776], %swap3A_779 {strides = array<i32>} : memref<352x128xf32, #tpu.memory_space<vmem>>, vector<1x16xf32>,
        %get3A_780 = arith.index_cast %add3A_722 : i32 to index
        %get3A_781 = arith.constant 80 : index
        %get3A_782 = tpu.vector_load %arg8[%get3A_780, %get3A_781] {strides = array<i32>} : memref<352x128xf32, #tpu.memory_space<vmem>>, vector<1x16xf32>,
        %get3A_783 = vector.shape_cast %get3A_782 : vector<1x16xf32> to vector<16xf32>
        %mul3A_784 = vector.broadcast %squeeze3A_724 : f32 to vector<16xf32>
        %mul3A_785 = arith.mulf %get3A_783, %mul3A_784 : vector<16xf32>
        %swap3A_786 = arith.index_cast %add3A_722 : i32 to index
        %swap3A_787 = arith.constant 80 : index
        %swap3A_788 = tpu.vector_load %arg8[%swap3A_786, %swap3A_787] {strides = array<i32>} : memref<352x128xf32, #tpu.memory_space<vmem>>, vector<1x16xf32>,
        %swap3A_789 = vector.shape_cast %swap3A_788 : vector<1x16xf32> to vector<16xf32>
        %swap3A_790 = vector.shape_cast %mul3A_785 : vector<16xf32> to vector<1x16xf32>
        tpu.vector_store %arg8[%swap3A_786, %swap3A_787], %swap3A_790 {strides = array<i32>} : memref<352x128xf32, #tpu.memory_space<vmem>>, vector<1x16xf32>,
        %get3A_791 = arith.index_cast %add3A_722 : i32 to index
        %get3A_792 = arith.constant 96 : index
        %get3A_793 = tpu.vector_load %arg8[%get3A_791, %get3A_792] {strides = array<i32>} : memref<352x128xf32, #tpu.memory_space<vmem>>, vector<1x16xf32>,
        %get3A_794 = vector.shape_cast %get3A_793 : vector<1x16xf32> to vector<16xf32>
        %mul3A_795 = vector.broadcast %squeeze3A_724 : f32 to vector<16xf32>
        %mul3A_796 = arith.mulf %get3A_794, %mul3A_795 : vector<16xf32>
        %swap3A_797 = arith.index_cast %add3A_722 : i32 to index
        %swap3A_798 = arith.constant 96 : index
        %swap3A_799 = tpu.vector_load %arg8[%swap3A_797, %swap3A_798] {strides = array<i32>} : memref<352x128xf32, #tpu.memory_space<vmem>>, vector<1x16xf32>,
        %swap3A_800 = vector.shape_cast %swap3A_799 : vector<1x16xf32> to vector<16xf32>
        %swap3A_801 = vector.shape_cast %mul3A_796 : vector<16xf32> to vector<1x16xf32>
        tpu.vector_store %arg8[%swap3A_797, %swap3A_798], %swap3A_801 {strides = array<i32>} : memref<352x128xf32, #tpu.memory_space<vmem>>, vector<1x16xf32>,
        %get3A_802 = arith.index_cast %add3A_722 : i32 to index
        %get3A_803 = arith.constant 112 : index
        %get3A_804 = tpu.vector_load %arg8[%get3A_802, %get3A_803] {strides = array<i32>} : memref<352x128xf32, #tpu.memory_space<vmem>>, vector<1x16xf32>,
        %get3A_805 = vector.shape_cast %get3A_804 : vector<1x16xf32> to vector<16xf32>
        %mul3A_806 = vector.broadcast %squeeze3A_724 : f32 to vector<16xf32>
        %mul3A_807 = arith.mulf %get3A_805, %mul3A_806 : vector<16xf32>
        %swap3A_808 = arith.index_cast %add3A_722 : i32 to index
        %swap3A_809 = arith.constant 112 : index
        %swap3A_810 = tpu.vector_load %arg8[%swap3A_808, %swap3A_809] {strides = array<i32>} : memref<352x128xf32, #tpu.memory_space<vmem>>, vector<1x16xf32>,
        %swap3A_811 = vector.shape_cast %swap3A_810 : vector<1x16xf32> to vector<16xf32>
        %swap3A_812 = vector.shape_cast %mul3A_807 : vector<16xf32> to vector<1x16xf32>
        tpu.vector_store %arg8[%swap3A_808, %swap3A_809], %swap3A_812 {strides = array<i32>} : memref<352x128xf32, #tpu.memory_space<vmem>>, vector<1x16xf32>,
        %mul3A_813 = arith.constant 16 : i32
        %mul3A_814 = arith.muli %scan3A_58, %mul3A_813 : i32
        %add3A_815 = arith.constant 8 : i32
        %add3A_816 = arith.addi %mul3A_814, %add3A_815 : i32
        %slice3A_817 = vector.extract_strided_slice %get3A_63 {offsets = [8], sizes = [1], strides = [1]} : vector<16xf32> to vector<1xf32>
        %squeeze3A_818 = vector.extract %slice3A_817[0] : f32 from vector<1xf32>
        %get3A_819 = arith.index_cast %add3A_816 : i32 to index
        %get3A_820 = arith.constant 0 : index
        %get3A_821 = tpu.vector_load %arg8[%get3A_819, %get3A_820] {strides = array<i32>} : memref<352x128xf32, #tpu.memory_space<vmem>>, vector<1x16xf32>,
        %get3A_822 = vector.shape_cast %get3A_821 : vector<1x16xf32> to vector<16xf32>
        %mul3A_823 = vector.broadcast %squeeze3A_818 : f32 to vector<16xf32>
        %mul3A_824 = arith.mulf %get3A_822, %mul3A_823 : vector<16xf32>
        %swap3A_825 = arith.index_cast %add3A_816 : i32 to index
        %swap3A_826 = arith.constant 0 : index
        %swap3A_827 = tpu.vector_load %arg8[%swap3A_825, %swap3A_826] {strides = array<i32>} : memref<352x128xf32, #tpu.memory_space<vmem>>, vector<1x16xf32>,
        %swap3A_828 = vector.shape_cast %swap3A_827 : vector<1x16xf32> to vector<16xf32>
        %swap3A_829 = vector.shape_cast %mul3A_824 : vector<16xf32> to vector<1x16xf32>
        tpu.vector_store %arg8[%swap3A_825, %swap3A_826], %swap3A_829 {strides = array<i32>} : memref<352x128xf32, #tpu.memory_space<vmem>>, vector<1x16xf32>,
        %get3A_830 = arith.index_cast %add3A_816 : i32 to index
        %get3A_831 = arith.constant 16 : index
        %get3A_832 = tpu.vector_load %arg8[%get3A_830, %get3A_831] {strides = array<i32>} : memref<352x128xf32, #tpu.memory_space<vmem>>, vector<1x16xf32>,
        %get3A_833 = vector.shape_cast %get3A_832 : vector<1x16xf32> to vector<16xf32>
        %mul3A_834 = vector.broadcast %squeeze3A_818 : f32 to vector<16xf32>
        %mul3A_835 = arith.mulf %get3A_833, %mul3A_834 : vector<16xf32>
        %swap3A_836 = arith.index_cast %add3A_816 : i32 to index
        %swap3A_837 = arith.constant 16 : index
        %swap3A_838 = tpu.vector_load %arg8[%swap3A_836, %swap3A_837] {strides = array<i32>} : memref<352x128xf32, #tpu.memory_space<vmem>>, vector<1x16xf32>,
        %swap3A_839 = vector.shape_cast %swap3A_838 : vector<1x16xf32> to vector<16xf32>
        %swap3A_840 = vector.shape_cast %mul3A_835 : vector<16xf32> to vector<1x16xf32>
        tpu.vector_store %arg8[%swap3A_836, %swap3A_837], %swap3A_840 {strides = array<i32>} : memref<352x128xf32, #tpu.memory_space<vmem>>, vector<1x16xf32>,
        %get3A_841 = arith.index_cast %add3A_816 : i32 to index
        %get3A_842 = arith.constant 32 : index
        %get3A_843 = tpu.vector_load %arg8[%get3A_841, %get3A_842] {strides = array<i32>} : memref<352x128xf32, #tpu.memory_space<vmem>>, vector<1x16xf32>,
        %get3A_844 = vector.shape_cast %get3A_843 : vector<1x16xf32> to vector<16xf32>
        %mul3A_845 = vector.broadcast %squeeze3A_818 : f32 to vector<16xf32>
        %mul3A_846 = arith.mulf %get3A_844, %mul3A_845 : vector<16xf32>
        %swap3A_847 = arith.index_cast %add3A_816 : i32 to index
        %swap3A_848 = arith.constant 32 : index
        %swap3A_849 = tpu.vector_load %arg8[%swap3A_847, %swap3A_848] {strides = array<i32>} : memref<352x128xf32, #tpu.memory_space<vmem>>, vector<1x16xf32>,
        %swap3A_850 = vector.shape_cast %swap3A_849 : vector<1x16xf32> to vector<16xf32>
        %swap3A_851 = vector.shape_cast %mul3A_846 : vector<16xf32> to vector<1x16xf32>
        tpu.vector_store %arg8[%swap3A_847, %swap3A_848], %swap3A_851 {strides = array<i32>} : memref<352x128xf32, #tpu.memory_space<vmem>>, vector<1x16xf32>,
        %get3A_852 = arith.index_cast %add3A_816 : i32 to index
        %get3A_853 = arith.constant 48 : index
        %get3A_854 = tpu.vector_load %arg8[%get3A_852, %get3A_853] {strides = array<i32>} : memref<352x128xf32, #tpu.memory_space<vmem>>, vector<1x16xf32>,
        %get3A_855 = vector.shape_cast %get3A_854 : vector<1x16xf32> to vector<16xf32>
        %mul3A_856 = vector.broadcast %squeeze3A_818 : f32 to vector<16xf32>
        %mul3A_857 = arith.mulf %get3A_855, %mul3A_856 : vector<16xf32>
        %swap3A_858 = arith.index_cast %add3A_816 : i32 to index
        %swap3A_859 = arith.constant 48 : index
        %swap3A_860 = tpu.vector_load %arg8[%swap3A_858, %swap3A_859] {strides = array<i32>} : memref<352x128xf32, #tpu.memory_space<vmem>>, vector<1x16xf32>,
        %swap3A_861 = vector.shape_cast %swap3A_860 : vector<1x16xf32> to vector<16xf32>
        %swap3A_862 = vector.shape_cast %mul3A_857 : vector<16xf32> to vector<1x16xf32>
        tpu.vector_store %arg8[%swap3A_858, %swap3A_859], %swap3A_862 {strides = array<i32>} : memref<352x128xf32, #tpu.memory_space<vmem>>, vector<1x16xf32>,
        %get3A_863 = arith.index_cast %add3A_816 : i32 to index
        %get3A_864 = arith.constant 64 : index
        %get3A_865 = tpu.vector_load %arg8[%get3A_863, %get3A_864] {strides = array<i32>} : memref<352x128xf32, #tpu.memory_space<vmem>>, vector<1x16xf32>,
        %get3A_866 = vector.shape_cast %get3A_865 : vector<1x16xf32> to vector<16xf32>
        %mul3A_867 = vector.broadcast %squeeze3A_818 : f32 to vector<16xf32>
        %mul3A_868 = arith.mulf %get3A_866, %mul3A_867 : vector<16xf32>
        %swap3A_869 = arith.index_cast %add3A_816 : i32 to index
        %swap3A_870 = arith.constant 64 : index
        %swap3A_871 = tpu.vector_load %arg8[%swap3A_869, %swap3A_870] {strides = array<i32>} : memref<352x128xf32, #tpu.memory_space<vmem>>, vector<1x16xf32>,
        %swap3A_872 = vector.shape_cast %swap3A_871 : vector<1x16xf32> to vector<16xf32>
        %swap3A_873 = vector.shape_cast %mul3A_868 : vector<16xf32> to vector<1x16xf32>
        tpu.vector_store %arg8[%swap3A_869, %swap3A_870], %swap3A_873 {strides = array<i32>} : memref<352x128xf32, #tpu.memory_space<vmem>>, vector<1x16xf32>,
        %get3A_874 = arith.index_cast %add3A_816 : i32 to index
        %get3A_875 = arith.constant 80 : index
        %get3A_876 = tpu.vector_load %arg8[%get3A_874, %get3A_875] {strides = array<i32>} : memref<352x128xf32, #tpu.memory_space<vmem>>, vector<1x16xf32>,
        %get3A_877 = vector.shape_cast %get3A_876 : vector<1x16xf32> to vector<16xf32>
        %mul3A_878 = vector.broadcast %squeeze3A_818 : f32 to vector<16xf32>
        %mul3A_879 = arith.mulf %get3A_877, %mul3A_878 : vector<16xf32>
        %swap3A_880 = arith.index_cast %add3A_816 : i32 to index
        %swap3A_881 = arith.constant 80 : index
        %swap3A_882 = tpu.vector_load %arg8[%swap3A_880, %swap3A_881] {strides = array<i32>} : memref<352x128xf32, #tpu.memory_space<vmem>>, vector<1x16xf32>,
        %swap3A_883 = vector.shape_cast %swap3A_882 : vector<1x16xf32> to vector<16xf32>
        %swap3A_884 = vector.shape_cast %mul3A_879 : vector<16xf32> to vector<1x16xf32>
        tpu.vector_store %arg8[%swap3A_880, %swap3A_881], %swap3A_884 {strides = array<i32>} : memref<352x128xf32, #tpu.memory_space<vmem>>, vector<1x16xf32>,
        %get3A_885 = arith.index_cast %add3A_816 : i32 to index
        %get3A_886 = arith.constant 96 : index
        %get3A_887 = tpu.vector_load %arg8[%get3A_885, %get3A_886] {strides = array<i32>} : memref<352x128xf32, #tpu.memory_space<vmem>>, vector<1x16xf32>,
        %get3A_888 = vector.shape_cast %get3A_887 : vector<1x16xf32> to vector<16xf32>
        %mul3A_889 = vector.broadcast %squeeze3A_818 : f32 to vector<16xf32>
        %mul3A_890 = arith.mulf %get3A_888, %mul3A_889 : vector<16xf32>
        %swap3A_891 = arith.index_cast %add3A_816 : i32 to index
        %swap3A_892 = arith.constant 96 : index
        %swap3A_893 = tpu.vector_load %arg8[%swap3A_891, %swap3A_892] {strides = array<i32>} : memref<352x128xf32, #tpu.memory_space<vmem>>, vector<1x16xf32>,
        %swap3A_894 = vector.shape_cast %swap3A_893 : vector<1x16xf32> to vector<16xf32>
        %swap3A_895 = vector.shape_cast %mul3A_890 : vector<16xf32> to vector<1x16xf32>
        tpu.vector_store %arg8[%swap3A_891, %swap3A_892], %swap3A_895 {strides = array<i32>} : memref<352x128xf32, #tpu.memory_space<vmem>>, vector<1x16xf32>,
        %get3A_896 = arith.index_cast %add3A_816 : i32 to index
        %get3A_897 = arith.constant 112 : index
        %get3A_898 = tpu.vector_load %arg8[%get3A_896, %get3A_897] {strides = array<i32>} : memref<352x128xf32, #tpu.memory_space<vmem>>, vector<1x16xf32>,
        %get3A_899 = vector.shape_cast %get3A_898 : vector<1x16xf32> to vector<16xf32>
        %mul3A_900 = vector.broadcast %squeeze3A_818 : f32 to vector<16xf32>
        %mul3A_901 = arith.mulf %get3A_899, %mul3A_900 : vector<16xf32>
        %swap3A_902 = arith.index_cast %add3A_816 : i32 to index
        %swap3A_903 = arith.constant 112 : index
        %swap3A_904 = tpu.vector_load %arg8[%swap3A_902, %swap3A_903] {strides = array<i32>} : memref<352x128xf32, #tpu.memory_space<vmem>>, vector<1x16xf32>,
        %swap3A_905 = vector.shape_cast %swap3A_904 : vector<1x16xf32> to vector<16xf32>
        %swap3A_906 = vector.shape_cast %mul3A_901 : vector<16xf32> to vector<1x16xf32>
        tpu.vector_store %arg8[%swap3A_902, %swap3A_903], %swap3A_906 {strides = array<i32>} : memref<352x128xf32, #tpu.memory_space<vmem>>, vector<1x16xf32>,
        %mul3A_907 = arith.constant 16 : i32
        %mul3A_908 = arith.muli %scan3A_58, %mul3A_907 : i32
        %add3A_909 = arith.constant 9 : i32
        %add3A_910 = arith.addi %mul3A_908, %add3A_909 : i32
        %slice3A_911 = vector.extract_strided_slice %get3A_63 {offsets = [9], sizes = [1], strides = [1]} : vector<16xf32> to vector<1xf32>
        %squeeze3A_912 = vector.extract %slice3A_911[0] : f32 from vector<1xf32>
        %get3A_913 = arith.index_cast %add3A_910 : i32 to index
        %get3A_914 = arith.constant 0 : index
        %get3A_915 = tpu.vector_load %arg8[%get3A_913, %get3A_914] {strides = array<i32>} : memref<352x128xf32, #tpu.memory_space<vmem>>, vector<1x16xf32>,
        %get3A_916 = vector.shape_cast %get3A_915 : vector<1x16xf32> to vector<16xf32>
        %mul3A_917 = vector.broadcast %squeeze3A_912 : f32 to vector<16xf32>
        %mul3A_918 = arith.mulf %get3A_916, %mul3A_917 : vector<16xf32>
        %swap3A_919 = arith.index_cast %add3A_910 : i32 to index
        %swap3A_920 = arith.constant 0 : index
        %swap3A_921 = tpu.vector_load %arg8[%swap3A_919, %swap3A_920] {strides = array<i32>} : memref<352x128xf32, #tpu.memory_space<vmem>>, vector<1x16xf32>,
        %swap3A_922 = vector.shape_cast %swap3A_921 : vector<1x16xf32> to vector<16xf32>
        %swap3A_923 = vector.shape_cast %mul3A_918 : vector<16xf32> to vector<1x16xf32>
        tpu.vector_store %arg8[%swap3A_919, %swap3A_920], %swap3A_923 {strides = array<i32>} : memref<352x128xf32, #tpu.memory_space<vmem>>, vector<1x16xf32>,
        %get3A_924 = arith.index_cast %add3A_910 : i32 to index
        %get3A_925 = arith.constant 16 : index
        %get3A_926 = tpu.vector_load %arg8[%get3A_924, %get3A_925] {strides = array<i32>} : memref<352x128xf32, #tpu.memory_space<vmem>>, vector<1x16xf32>,
        %get3A_927 = vector.shape_cast %get3A_926 : vector<1x16xf32> to vector<16xf32>
        %mul3A_928 = vector.broadcast %squeeze3A_912 : f32 to vector<16xf32>
        %mul3A_929 = arith.mulf %get3A_927, %mul3A_928 : vector<16xf32>
        %swap3A_930 = arith.index_cast %add3A_910 : i32 to index
        %swap3A_931 = arith.constant 16 : index
        %swap3A_932 = tpu.vector_load %arg8[%swap3A_930, %swap3A_931] {strides = array<i32>} : memref<352x128xf32, #tpu.memory_space<vmem>>, vector<1x16xf32>,
        %swap3A_933 = vector.shape_cast %swap3A_932 : vector<1x16xf32> to vector<16xf32>
        %swap3A_934 = vector.shape_cast %mul3A_929 : vector<16xf32> to vector<1x16xf32>
        tpu.vector_store %arg8[%swap3A_930, %swap3A_931], %swap3A_934 {strides = array<i32>} : memref<352x128xf32, #tpu.memory_space<vmem>>, vector<1x16xf32>,
        %get3A_935 = arith.index_cast %add3A_910 : i32 to index
        %get3A_936 = arith.constant 32 : index
        %get3A_937 = tpu.vector_load %arg8[%get3A_935, %get3A_936] {strides = array<i32>} : memref<352x128xf32, #tpu.memory_space<vmem>>, vector<1x16xf32>,
        %get3A_938 = vector.shape_cast %get3A_937 : vector<1x16xf32> to vector<16xf32>
        %mul3A_939 = vector.broadcast %squeeze3A_912 : f32 to vector<16xf32>
        %mul3A_940 = arith.mulf %get3A_938, %mul3A_939 : vector<16xf32>
        %swap3A_941 = arith.index_cast %add3A_910 : i32 to index
        %swap3A_942 = arith.constant 32 : index
        %swap3A_943 = tpu.vector_load %arg8[%swap3A_941, %swap3A_942] {strides = array<i32>} : memref<352x128xf32, #tpu.memory_space<vmem>>, vector<1x16xf32>,
        %swap3A_944 = vector.shape_cast %swap3A_943 : vector<1x16xf32> to vector<16xf32>
        %swap3A_945 = vector.shape_cast %mul3A_940 : vector<16xf32> to vector<1x16xf32>
        tpu.vector_store %arg8[%swap3A_941, %swap3A_942], %swap3A_945 {strides = array<i32>} : memref<352x128xf32, #tpu.memory_space<vmem>>, vector<1x16xf32>,
        %get3A_946 = arith.index_cast %add3A_910 : i32 to index
        %get3A_947 = arith.constant 48 : index
        %get3A_948 = tpu.vector_load %arg8[%get3A_946, %get3A_947] {strides = array<i32>} : memref<352x128xf32, #tpu.memory_space<vmem>>, vector<1x16xf32>,
        %get3A_949 = vector.shape_cast %get3A_948 : vector<1x16xf32> to vector<16xf32>
        %mul3A_950 = vector.broadcast %squeeze3A_912 : f32 to vector<16xf32>
        %mul3A_951 = arith.mulf %get3A_949, %mul3A_950 : vector<16xf32>
        %swap3A_952 = arith.index_cast %add3A_910 : i32 to index
        %swap3A_953 = arith.constant 48 : index
        %swap3A_954 = tpu.vector_load %arg8[%swap3A_952, %swap3A_953] {strides = array<i32>} : memref<352x128xf32, #tpu.memory_space<vmem>>, vector<1x16xf32>,
        %swap3A_955 = vector.shape_cast %swap3A_954 : vector<1x16xf32> to vector<16xf32>
        %swap3A_956 = vector.shape_cast %mul3A_951 : vector<16xf32> to vector<1x16xf32>
        tpu.vector_store %arg8[%swap3A_952, %swap3A_953], %swap3A_956 {strides = array<i32>} : memref<352x128xf32, #tpu.memory_space<vmem>>, vector<1x16xf32>,
        %get3A_957 = arith.index_cast %add3A_910 : i32 to index
        %get3A_958 = arith.constant 64 : index
        %get3A_959 = tpu.vector_load %arg8[%get3A_957, %get3A_958] {strides = array<i32>} : memref<352x128xf32, #tpu.memory_space<vmem>>, vector<1x16xf32>,
        %get3A_960 = vector.shape_cast %get3A_959 : vector<1x16xf32> to vector<16xf32>
        %mul3A_961 = vector.broadcast %squeeze3A_912 : f32 to vector<16xf32>
        %mul3A_962 = arith.mulf %get3A_960, %mul3A_961 : vector<16xf32>
        %swap3A_963 = arith.index_cast %add3A_910 : i32 to index
        %swap3A_964 = arith.constant 64 : index
        %swap3A_965 = tpu.vector_load %arg8[%swap3A_963, %swap3A_964] {strides = array<i32>} : memref<352x128xf32, #tpu.memory_space<vmem>>, vector<1x16xf32>,
        %swap3A_966 = vector.shape_cast %swap3A_965 : vector<1x16xf32> to vector<16xf32>
        %swap3A_967 = vector.shape_cast %mul3A_962 : vector<16xf32> to vector<1x16xf32>
        tpu.vector_store %arg8[%swap3A_963, %swap3A_964], %swap3A_967 {strides = array<i32>} : memref<352x128xf32, #tpu.memory_space<vmem>>, vector<1x16xf32>,
        %get3A_968 = arith.index_cast %add3A_910 : i32 to index
        %get3A_969 = arith.constant 80 : index
        %get3A_970 = tpu.vector_load %arg8[%get3A_968, %get3A_969] {strides = array<i32>} : memref<352x128xf32, #tpu.memory_space<vmem>>, vector<1x16xf32>,
        %get3A_971 = vector.shape_cast %get3A_970 : vector<1x16xf32> to vector<16xf32>
        %mul3A_972 = vector.broadcast %squeeze3A_912 : f32 to vector<16xf32>
        %mul3A_973 = arith.mulf %get3A_971, %mul3A_972 : vector<16xf32>
        %swap3A_974 = arith.index_cast %add3A_910 : i32 to index
        %swap3A_975 = arith.constant 80 : index
        %swap3A_976 = tpu.vector_load %arg8[%swap3A_974, %swap3A_975] {strides = array<i32>} : memref<352x128xf32, #tpu.memory_space<vmem>>, vector<1x16xf32>,
        %swap3A_977 = vector.shape_cast %swap3A_976 : vector<1x16xf32> to vector<16xf32>
        %swap3A_978 = vector.shape_cast %mul3A_973 : vector<16xf32> to vector<1x16xf32>
        tpu.vector_store %arg8[%swap3A_974, %swap3A_975], %swap3A_978 {strides = array<i32>} : memref<352x128xf32, #tpu.memory_space<vmem>>, vector<1x16xf32>,
        %get3A_979 = arith.index_cast %add3A_910 : i32 to index
        %get3A_980 = arith.constant 96 : index
        %get3A_981 = tpu.vector_load %arg8[%get3A_979, %get3A_980] {strides = array<i32>} : memref<352x128xf32, #tpu.memory_space<vmem>>, vector<1x16xf32>,
        %get3A_982 = vector.shape_cast %get3A_981 : vector<1x16xf32> to vector<16xf32>
        %mul3A_983 = vector.broadcast %squeeze3A_912 : f32 to vector<16xf32>
        %mul3A_984 = arith.mulf %get3A_982, %mul3A_983 : vector<16xf32>
        %swap3A_985 = arith.index_cast %add3A_910 : i32 to index
        %swap3A_986 = arith.constant 96 : index
        %swap3A_987 = tpu.vector_load %arg8[%swap3A_985, %swap3A_986] {strides = array<i32>} : memref<352x128xf32, #tpu.memory_space<vmem>>, vector<1x16xf32>,
        %swap3A_988 = vector.shape_cast %swap3A_987 : vector<1x16xf32> to vector<16xf32>
        %swap3A_989 = vector.shape_cast %mul3A_984 : vector<16xf32> to vector<1x16xf32>
        tpu.vector_store %arg8[%swap3A_985, %swap3A_986], %swap3A_989 {strides = array<i32>} : memref<352x128xf32, #tpu.memory_space<vmem>>, vector<1x16xf32>,
        %get3A_990 = arith.index_cast %add3A_910 : i32 to index
        %get3A_991 = arith.constant 112 : index
        %get3A_992 = tpu.vector_load %arg8[%get3A_990, %get3A_991] {strides = array<i32>} : memref<352x128xf32, #tpu.memory_space<vmem>>, vector<1x16xf32>,
        %get3A_993 = vector.shape_cast %get3A_992 : vector<1x16xf32> to vector<16xf32>
        %mul3A_994 = vector.broadcast %squeeze3A_912 : f32 to vector<16xf32>
        %mul3A_995 = arith.mulf %get3A_993, %mul3A_994 : vector<16xf32>
        %swap3A_996 = arith.index_cast %add3A_910 : i32 to index
        %swap3A_997 = arith.constant 112 : index
        %swap3A_998 = tpu.vector_load %arg8[%swap3A_996, %swap3A_997] {strides = array<i32>} : memref<352x128xf32, #tpu.memory_space<vmem>>, vector<1x16xf32>,
        %swap3A_999 = vector.shape_cast %swap3A_998 : vector<1x16xf32> to vector<16xf32>
        %swap3A_1000 = vector.shape_cast %mul3A_995 : vector<16xf32> to vector<1x16xf32>
        tpu.vector_store %arg8[%swap3A_996, %swap3A_997], %swap3A_1000 {strides = array<i32>} : memref<352x128xf32, #tpu.memory_space<vmem>>, vector<1x16xf32>,
        %mul3A_1001 = arith.constant 16 : i32
        %mul3A_1002 = arith.muli %scan3A_58, %mul3A_1001 : i32
        %add3A_1003 = arith.constant 10 : i32
        %add3A_1004 = arith.addi %mul3A_1002, %add3A_1003 : i32
        %slice3A_1005 = vector.extract_strided_slice %get3A_63 {offsets = [10], sizes = [1], strides = [1]} : vector<16xf32> to vector<1xf32>
        %squeeze3A_1006 = vector.extract %slice3A_1005[0] : f32 from vector<1xf32>
        %get3A_1007 = arith.index_cast %add3A_1004 : i32 to index
        %get3A_1008 = arith.constant 0 : index
        %get3A_1009 = tpu.vector_load %arg8[%get3A_1007, %get3A_1008] {strides = array<i32>} : memref<352x128xf32, #tpu.memory_space<vmem>>, vector<1x16xf32>,
        %get3A_1010 = vector.shape_cast %get3A_1009 : vector<1x16xf32> to vector<16xf32>
        %mul3A_1011 = vector.broadcast %squeeze3A_1006 : f32 to vector<16xf32>
        %mul3A_1012 = arith.mulf %get3A_1010, %mul3A_1011 : vector<16xf32>
        %swap3A_1013 = arith.index_cast %add3A_1004 : i32 to index
        %swap3A_1014 = arith.constant 0 : index
        %swap3A_1015 = tpu.vector_load %arg8[%swap3A_1013, %swap3A_1014] {strides = array<i32>} : memref<352x128xf32, #tpu.memory_space<vmem>>, vector<1x16xf32>,
        %swap3A_1016 = vector.shape_cast %swap3A_1015 : vector<1x16xf32> to vector<16xf32>
        %swap3A_1017 = vector.shape_cast %mul3A_1012 : vector<16xf32> to vector<1x16xf32>
        tpu.vector_store %arg8[%swap3A_1013, %swap3A_1014], %swap3A_1017 {strides = array<i32>} : memref<352x128xf32, #tpu.memory_space<vmem>>, vector<1x16xf32>,
        %get3A_1018 = arith.index_cast %add3A_1004 : i32 to index
        %get3A_1019 = arith.constant 16 : index
        %get3A_1020 = tpu.vector_load %arg8[%get3A_1018, %get3A_1019] {strides = array<i32>} : memref<352x128xf32, #tpu.memory_space<vmem>>, vector<1x16xf32>,
        %get3A_1021 = vector.shape_cast %get3A_1020 : vector<1x16xf32> to vector<16xf32>
        %mul3A_1022 = vector.broadcast %squeeze3A_1006 : f32 to vector<16xf32>
        %mul3A_1023 = arith.mulf %get3A_1021, %mul3A_1022 : vector<16xf32>
        %swap3A_1024 = arith.index_cast %add3A_1004 : i32 to index
        %swap3A_1025 = arith.constant 16 : index
        %swap3A_1026 = tpu.vector_load %arg8[%swap3A_1024, %swap3A_1025] {strides = array<i32>} : memref<352x128xf32, #tpu.memory_space<vmem>>, vector<1x16xf32>,
        %swap3A_1027 = vector.shape_cast %swap3A_1026 : vector<1x16xf32> to vector<16xf32>
        %swap3A_1028 = vector.shape_cast %mul3A_1023 : vector<16xf32> to vector<1x16xf32>
        tpu.vector_store %arg8[%swap3A_1024, %swap3A_1025], %swap3A_1028 {strides = array<i32>} : memref<352x128xf32, #tpu.memory_space<vmem>>, vector<1x16xf32>,
        %get3A_1029 = arith.index_cast %add3A_1004 : i32 to index
        %get3A_1030 = arith.constant 32 : index
        %get3A_1031 = tpu.vector_load %arg8[%get3A_1029, %get3A_1030] {strides = array<i32>} : memref<352x128xf32, #tpu.memory_space<vmem>>, vector<1x16xf32>,
        %get3A_1032 = vector.shape_cast %get3A_1031 : vector<1x16xf32> to vector<16xf32>
        %mul3A_1033 = vector.broadcast %squeeze3A_1006 : f32 to vector<16xf32>
        %mul3A_1034 = arith.mulf %get3A_1032, %mul3A_1033 : vector<16xf32>
        %swap3A_1035 = arith.index_cast %add3A_1004 : i32 to index
        %swap3A_1036 = arith.constant 32 : index
        %swap3A_1037 = tpu.vector_load %arg8[%swap3A_1035, %swap3A_1036] {strides = array<i32>} : memref<352x128xf32, #tpu.memory_space<vmem>>, vector<1x16xf32>,
        %swap3A_1038 = vector.shape_cast %swap3A_1037 : vector<1x16xf32> to vector<16xf32>
        %swap3A_1039 = vector.shape_cast %mul3A_1034 : vector<16xf32> to vector<1x16xf32>
        tpu.vector_store %arg8[%swap3A_1035, %swap3A_1036], %swap3A_1039 {strides = array<i32>} : memref<352x128xf32, #tpu.memory_space<vmem>>, vector<1x16xf32>,
        %get3A_1040 = arith.index_cast %add3A_1004 : i32 to index
        %get3A_1041 = arith.constant 48 : index
        %get3A_1042 = tpu.vector_load %arg8[%get3A_1040, %get3A_1041] {strides = array<i32>} : memref<352x128xf32, #tpu.memory_space<vmem>>, vector<1x16xf32>,
        %get3A_1043 = vector.shape_cast %get3A_1042 : vector<1x16xf32> to vector<16xf32>
        %mul3A_1044 = vector.broadcast %squeeze3A_1006 : f32 to vector<16xf32>
        %mul3A_1045 = arith.mulf %get3A_1043, %mul3A_1044 : vector<16xf32>
        %swap3A_1046 = arith.index_cast %add3A_1004 : i32 to index
        %swap3A_1047 = arith.constant 48 : index
        %swap3A_1048 = tpu.vector_load %arg8[%swap3A_1046, %swap3A_1047] {strides = array<i32>} : memref<352x128xf32, #tpu.memory_space<vmem>>, vector<1x16xf32>,
        %swap3A_1049 = vector.shape_cast %swap3A_1048 : vector<1x16xf32> to vector<16xf32>
        %swap3A_1050 = vector.shape_cast %mul3A_1045 : vector<16xf32> to vector<1x16xf32>
        tpu.vector_store %arg8[%swap3A_1046, %swap3A_1047], %swap3A_1050 {strides = array<i32>} : memref<352x128xf32, #tpu.memory_space<vmem>>, vector<1x16xf32>,
        %get3A_1051 = arith.index_cast %add3A_1004 : i32 to index
        %get3A_1052 = arith.constant 64 : index
        %get3A_1053 = tpu.vector_load %arg8[%get3A_1051, %get3A_1052] {strides = array<i32>} : memref<352x128xf32, #tpu.memory_space<vmem>>, vector<1x16xf32>,
        %get3A_1054 = vector.shape_cast %get3A_1053 : vector<1x16xf32> to vector<16xf32>
        %mul3A_1055 = vector.broadcast %squeeze3A_1006 : f32 to vector<16xf32>
        %mul3A_1056 = arith.mulf %get3A_1054, %mul3A_1055 : vector<16xf32>
        %swap3A_1057 = arith.index_cast %add3A_1004 : i32 to index
        %swap3A_1058 = arith.constant 64 : index
        %swap3A_1059 = tpu.vector_load %arg8[%swap3A_1057, %swap3A_1058] {strides = array<i32>} : memref<352x128xf32, #tpu.memory_space<vmem>>, vector<1x16xf32>,
        %swap3A_1060 = vector.shape_cast %swap3A_1059 : vector<1x16xf32> to vector<16xf32>
        %swap3A_1061 = vector.shape_cast %mul3A_1056 : vector<16xf32> to vector<1x16xf32>
        tpu.vector_store %arg8[%swap3A_1057, %swap3A_1058], %swap3A_1061 {strides = array<i32>} : memref<352x128xf32, #tpu.memory_space<vmem>>, vector<1x16xf32>,
        %get3A_1062 = arith.index_cast %add3A_1004 : i32 to index
        %get3A_1063 = arith.constant 80 : index
        %get3A_1064 = tpu.vector_load %arg8[%get3A_1062, %get3A_1063] {strides = array<i32>} : memref<352x128xf32, #tpu.memory_space<vmem>>, vector<1x16xf32>,
        %get3A_1065 = vector.shape_cast %get3A_1064 : vector<1x16xf32> to vector<16xf32>
        %mul3A_1066 = vector.broadcast %squeeze3A_1006 : f32 to vector<16xf32>
        %mul3A_1067 = arith.mulf %get3A_1065, %mul3A_1066 : vector<16xf32>
        %swap3A_1068 = arith.index_cast %add3A_1004 : i32 to index
        %swap3A_1069 = arith.constant 80 : index
        %swap3A_1070 = tpu.vector_load %arg8[%swap3A_1068, %swap3A_1069] {strides = array<i32>} : memref<352x128xf32, #tpu.memory_space<vmem>>, vector<1x16xf32>,
        %swap3A_1071 = vector.shape_cast %swap3A_1070 : vector<1x16xf32> to vector<16xf32>
        %swap3A_1072 = vector.shape_cast %mul3A_1067 : vector<16xf32> to vector<1x16xf32>
        tpu.vector_store %arg8[%swap3A_1068, %swap3A_1069], %swap3A_1072 {strides = array<i32>} : memref<352x128xf32, #tpu.memory_space<vmem>>, vector<1x16xf32>,
        %get3A_1073 = arith.index_cast %add3A_1004 : i32 to index
        %get3A_1074 = arith.constant 96 : index
        %get3A_1075 = tpu.vector_load %arg8[%get3A_1073, %get3A_1074] {strides = array<i32>} : memref<352x128xf32, #tpu.memory_space<vmem>>, vector<1x16xf32>,
        %get3A_1076 = vector.shape_cast %get3A_1075 : vector<1x16xf32> to vector<16xf32>
        %mul3A_1077 = vector.broadcast %squeeze3A_1006 : f32 to vector<16xf32>
        %mul3A_1078 = arith.mulf %get3A_1076, %mul3A_1077 : vector<16xf32>
        %swap3A_1079 = arith.index_cast %add3A_1004 : i32 to index
        %swap3A_1080 = arith.constant 96 : index
        %swap3A_1081 = tpu.vector_load %arg8[%swap3A_1079, %swap3A_1080] {strides = array<i32>} : memref<352x128xf32, #tpu.memory_space<vmem>>, vector<1x16xf32>,
        %swap3A_1082 = vector.shape_cast %swap3A_1081 : vector<1x16xf32> to vector<16xf32>
        %swap3A_1083 = vector.shape_cast %mul3A_1078 : vector<16xf32> to vector<1x16xf32>
        tpu.vector_store %arg8[%swap3A_1079, %swap3A_1080], %swap3A_1083 {strides = array<i32>} : memref<352x128xf32, #tpu.memory_space<vmem>>, vector<1x16xf32>,
        %get3A_1084 = arith.index_cast %add3A_1004 : i32 to index
        %get3A_1085 = arith.constant 112 : index
        %get3A_1086 = tpu.vector_load %arg8[%get3A_1084, %get3A_1085] {strides = array<i32>} : memref<352x128xf32, #tpu.memory_space<vmem>>, vector<1x16xf32>,
        %get3A_1087 = vector.shape_cast %get3A_1086 : vector<1x16xf32> to vector<16xf32>
        %mul3A_1088 = vector.broadcast %squeeze3A_1006 : f32 to vector<16xf32>
        %mul3A_1089 = arith.mulf %get3A_1087, %mul3A_1088 : vector<16xf32>
        %swap3A_1090 = arith.index_cast %add3A_1004 : i32 to index
        %swap3A_1091 = arith.constant 112 : index
        %swap3A_1092 = tpu.vector_load %arg8[%swap3A_1090, %swap3A_1091] {strides = array<i32>} : memref<352x128xf32, #tpu.memory_space<vmem>>, vector<1x16xf32>,
        %swap3A_1093 = vector.shape_cast %swap3A_1092 : vector<1x16xf32> to vector<16xf32>
        %swap3A_1094 = vector.shape_cast %mul3A_1089 : vector<16xf32> to vector<1x16xf32>
        tpu.vector_store %arg8[%swap3A_1090, %swap3A_1091], %swap3A_1094 {strides = array<i32>} : memref<352x128xf32, #tpu.memory_space<vmem>>, vector<1x16xf32>,
        %mul3A_1095 = arith.constant 16 : i32
        %mul3A_1096 = arith.muli %scan3A_58, %mul3A_1095 : i32
        %add3A_1097 = arith.constant 11 : i32
        %add3A_1098 = arith.addi %mul3A_1096, %add3A_1097 : i32
        %slice3A_1099 = vector.extract_strided_slice %get3A_63 {offsets = [11], sizes = [1], strides = [1]} : vector<16xf32> to vector<1xf32>
        %squeeze3A_1100 = vector.extract %slice3A_1099[0] : f32 from vector<1xf32>
        %get3A_1101 = arith.index_cast %add3A_1098 : i32 to index
        %get3A_1102 = arith.constant 0 : index
        %get3A_1103 = tpu.vector_load %arg8[%get3A_1101, %get3A_1102] {strides = array<i32>} : memref<352x128xf32, #tpu.memory_space<vmem>>, vector<1x16xf32>,
        %get3A_1104 = vector.shape_cast %get3A_1103 : vector<1x16xf32> to vector<16xf32>
        %mul3A_1105 = vector.broadcast %squeeze3A_1100 : f32 to vector<16xf32>
        %mul3A_1106 = arith.mulf %get3A_1104, %mul3A_1105 : vector<16xf32>
        %swap3A_1107 = arith.index_cast %add3A_1098 : i32 to index
        %swap3A_1108 = arith.constant 0 : index
        %swap3A_1109 = tpu.vector_load %arg8[%swap3A_1107, %swap3A_1108] {strides = array<i32>} : memref<352x128xf32, #tpu.memory_space<vmem>>, vector<1x16xf32>,
        %swap3A_1110 = vector.shape_cast %swap3A_1109 : vector<1x16xf32> to vector<16xf32>
        %swap3A_1111 = vector.shape_cast %mul3A_1106 : vector<16xf32> to vector<1x16xf32>
        tpu.vector_store %arg8[%swap3A_1107, %swap3A_1108], %swap3A_1111 {strides = array<i32>} : memref<352x128xf32, #tpu.memory_space<vmem>>, vector<1x16xf32>,
        %get3A_1112 = arith.index_cast %add3A_1098 : i32 to index
        %get3A_1113 = arith.constant 16 : index
        %get3A_1114 = tpu.vector_load %arg8[%get3A_1112, %get3A_1113] {strides = array<i32>} : memref<352x128xf32, #tpu.memory_space<vmem>>, vector<1x16xf32>,
        %get3A_1115 = vector.shape_cast %get3A_1114 : vector<1x16xf32> to vector<16xf32>
        %mul3A_1116 = vector.broadcast %squeeze3A_1100 : f32 to vector<16xf32>
        %mul3A_1117 = arith.mulf %get3A_1115, %mul3A_1116 : vector<16xf32>
        %swap3A_1118 = arith.index_cast %add3A_1098 : i32 to index
        %swap3A_1119 = arith.constant 16 : index
        %swap3A_1120 = tpu.vector_load %arg8[%swap3A_1118, %swap3A_1119] {strides = array<i32>} : memref<352x128xf32, #tpu.memory_space<vmem>>, vector<1x16xf32>,
        %swap3A_1121 = vector.shape_cast %swap3A_1120 : vector<1x16xf32> to vector<16xf32>
        %swap3A_1122 = vector.shape_cast %mul3A_1117 : vector<16xf32> to vector<1x16xf32>
        tpu.vector_store %arg8[%swap3A_1118, %swap3A_1119], %swap3A_1122 {strides = array<i32>} : memref<352x128xf32, #tpu.memory_space<vmem>>, vector<1x16xf32>,
        %get3A_1123 = arith.index_cast %add3A_1098 : i32 to index
        %get3A_1124 = arith.constant 32 : index
        %get3A_1125 = tpu.vector_load %arg8[%get3A_1123, %get3A_1124] {strides = array<i32>} : memref<352x128xf32, #tpu.memory_space<vmem>>, vector<1x16xf32>,
        %get3A_1126 = vector.shape_cast %get3A_1125 : vector<1x16xf32> to vector<16xf32>
        %mul3A_1127 = vector.broadcast %squeeze3A_1100 : f32 to vector<16xf32>
        %mul3A_1128 = arith.mulf %get3A_1126, %mul3A_1127 : vector<16xf32>
        %swap3A_1129 = arith.index_cast %add3A_1098 : i32 to index
        %swap3A_1130 = arith.constant 32 : index
        %swap3A_1131 = tpu.vector_load %arg8[%swap3A_1129, %swap3A_1130] {strides = array<i32>} : memref<352x128xf32, #tpu.memory_space<vmem>>, vector<1x16xf32>,
        %swap3A_1132 = vector.shape_cast %swap3A_1131 : vector<1x16xf32> to vector<16xf32>
        %swap3A_1133 = vector.shape_cast %mul3A_1128 : vector<16xf32> to vector<1x16xf32>
        tpu.vector_store %arg8[%swap3A_1129, %swap3A_1130], %swap3A_1133 {strides = array<i32>} : memref<352x128xf32, #tpu.memory_space<vmem>>, vector<1x16xf32>,
        %get3A_1134 = arith.index_cast %add3A_1098 : i32 to index
        %get3A_1135 = arith.constant 48 : index
        %get3A_1136 = tpu.vector_load %arg8[%get3A_1134, %get3A_1135] {strides = array<i32>} : memref<352x128xf32, #tpu.memory_space<vmem>>, vector<1x16xf32>,
        %get3A_1137 = vector.shape_cast %get3A_1136 : vector<1x16xf32> to vector<16xf32>
        %mul3A_1138 = vector.broadcast %squeeze3A_1100 : f32 to vector<16xf32>
        %mul3A_1139 = arith.mulf %get3A_1137, %mul3A_1138 : vector<16xf32>
        %swap3A_1140 = arith.index_cast %add3A_1098 : i32 to index
        %swap3A_1141 = arith.constant 48 : index
        %swap3A_1142 = tpu.vector_load %arg8[%swap3A_1140, %swap3A_1141] {strides = array<i32>} : memref<352x128xf32, #tpu.memory_space<vmem>>, vector<1x16xf32>,
        %swap3A_1143 = vector.shape_cast %swap3A_1142 : vector<1x16xf32> to vector<16xf32>
        %swap3A_1144 = vector.shape_cast %mul3A_1139 : vector<16xf32> to vector<1x16xf32>
        tpu.vector_store %arg8[%swap3A_1140, %swap3A_1141], %swap3A_1144 {strides = array<i32>} : memref<352x128xf32, #tpu.memory_space<vmem>>, vector<1x16xf32>,
        %get3A_1145 = arith.index_cast %add3A_1098 : i32 to index
        %get3A_1146 = arith.constant 64 : index
        %get3A_1147 = tpu.vector_load %arg8[%get3A_1145, %get3A_1146] {strides = array<i32>} : memref<352x128xf32, #tpu.memory_space<vmem>>, vector<1x16xf32>,
        %get3A_1148 = vector.shape_cast %get3A_1147 : vector<1x16xf32> to vector<16xf32>
        %mul3A_1149 = vector.broadcast %squeeze3A_1100 : f32 to vector<16xf32>
        %mul3A_1150 = arith.mulf %get3A_1148, %mul3A_1149 : vector<16xf32>
        %swap3A_1151 = arith.index_cast %add3A_1098 : i32 to index
        %swap3A_1152 = arith.constant 64 : index
        %swap3A_1153 = tpu.vector_load %arg8[%swap3A_1151, %swap3A_1152] {strides = array<i32>} : memref<352x128xf32, #tpu.memory_space<vmem>>, vector<1x16xf32>,
        %swap3A_1154 = vector.shape_cast %swap3A_1153 : vector<1x16xf32> to vector<16xf32>
        %swap3A_1155 = vector.shape_cast %mul3A_1150 : vector<16xf32> to vector<1x16xf32>
        tpu.vector_store %arg8[%swap3A_1151, %swap3A_1152], %swap3A_1155 {strides = array<i32>} : memref<352x128xf32, #tpu.memory_space<vmem>>, vector<1x16xf32>,
        %get3A_1156 = arith.index_cast %add3A_1098 : i32 to index
        %get3A_1157 = arith.constant 80 : index
        %get3A_1158 = tpu.vector_load %arg8[%get3A_1156, %get3A_1157] {strides = array<i32>} : memref<352x128xf32, #tpu.memory_space<vmem>>, vector<1x16xf32>,
        %get3A_1159 = vector.shape_cast %get3A_1158 : vector<1x16xf32> to vector<16xf32>
        %mul3A_1160 = vector.broadcast %squeeze3A_1100 : f32 to vector<16xf32>
        %mul3A_1161 = arith.mulf %get3A_1159, %mul3A_1160 : vector<16xf32>
        %swap3A_1162 = arith.index_cast %add3A_1098 : i32 to index
        %swap3A_1163 = arith.constant 80 : index
        %swap3A_1164 = tpu.vector_load %arg8[%swap3A_1162, %swap3A_1163] {strides = array<i32>} : memref<352x128xf32, #tpu.memory_space<vmem>>, vector<1x16xf32>,
        %swap3A_1165 = vector.shape_cast %swap3A_1164 : vector<1x16xf32> to vector<16xf32>
        %swap3A_1166 = vector.shape_cast %mul3A_1161 : vector<16xf32> to vector<1x16xf32>
        tpu.vector_store %arg8[%swap3A_1162, %swap3A_1163], %swap3A_1166 {strides = array<i32>} : memref<352x128xf32, #tpu.memory_space<vmem>>, vector<1x16xf32>,
        %get3A_1167 = arith.index_cast %add3A_1098 : i32 to index
        %get3A_1168 = arith.constant 96 : index
        %get3A_1169 = tpu.vector_load %arg8[%get3A_1167, %get3A_1168] {strides = array<i32>} : memref<352x128xf32, #tpu.memory_space<vmem>>, vector<1x16xf32>,
        %get3A_1170 = vector.shape_cast %get3A_1169 : vector<1x16xf32> to vector<16xf32>
        %mul3A_1171 = vector.broadcast %squeeze3A_1100 : f32 to vector<16xf32>
        %mul3A_1172 = arith.mulf %get3A_1170, %mul3A_1171 : vector<16xf32>
        %swap3A_1173 = arith.index_cast %add3A_1098 : i32 to index
        %swap3A_1174 = arith.constant 96 : index
        %swap3A_1175 = tpu.vector_load %arg8[%swap3A_1173, %swap3A_1174] {strides = array<i32>} : memref<352x128xf32, #tpu.memory_space<vmem>>, vector<1x16xf32>,
        %swap3A_1176 = vector.shape_cast %swap3A_1175 : vector<1x16xf32> to vector<16xf32>
        %swap3A_1177 = vector.shape_cast %mul3A_1172 : vector<16xf32> to vector<1x16xf32>
        tpu.vector_store %arg8[%swap3A_1173, %swap3A_1174], %swap3A_1177 {strides = array<i32>} : memref<352x128xf32, #tpu.memory_space<vmem>>, vector<1x16xf32>,
        %get3A_1178 = arith.index_cast %add3A_1098 : i32 to index
        %get3A_1179 = arith.constant 112 : index
        %get3A_1180 = tpu.vector_load %arg8[%get3A_1178, %get3A_1179] {strides = array<i32>} : memref<352x128xf32, #tpu.memory_space<vmem>>, vector<1x16xf32>,
        %get3A_1181 = vector.shape_cast %get3A_1180 : vector<1x16xf32> to vector<16xf32>
        %mul3A_1182 = vector.broadcast %squeeze3A_1100 : f32 to vector<16xf32>
        %mul3A_1183 = arith.mulf %get3A_1181, %mul3A_1182 : vector<16xf32>
        %swap3A_1184 = arith.index_cast %add3A_1098 : i32 to index
        %swap3A_1185 = arith.constant 112 : index
        %swap3A_1186 = tpu.vector_load %arg8[%swap3A_1184, %swap3A_1185] {strides = array<i32>} : memref<352x128xf32, #tpu.memory_space<vmem>>, vector<1x16xf32>,
        %swap3A_1187 = vector.shape_cast %swap3A_1186 : vector<1x16xf32> to vector<16xf32>
        %swap3A_1188 = vector.shape_cast %mul3A_1183 : vector<16xf32> to vector<1x16xf32>
        tpu.vector_store %arg8[%swap3A_1184, %swap3A_1185], %swap3A_1188 {strides = array<i32>} : memref<352x128xf32, #tpu.memory_space<vmem>>, vector<1x16xf32>,
        %mul3A_1189 = arith.constant 16 : i32
        %mul3A_1190 = arith.muli %scan3A_58, %mul3A_1189 : i32
        %add3A_1191 = arith.constant 12 : i32
        %add3A_1192 = arith.addi %mul3A_1190, %add3A_1191 : i32
        %slice3A_1193 = vector.extract_strided_slice %get3A_63 {offsets = [12], sizes = [1], strides = [1]} : vector<16xf32> to vector<1xf32>
        %squeeze3A_1194 = vector.extract %slice3A_1193[0] : f32 from vector<1xf32>
        %get3A_1195 = arith.index_cast %add3A_1192 : i32 to index
        %get3A_1196 = arith.constant 0 : index
        %get3A_1197 = tpu.vector_load %arg8[%get3A_1195, %get3A_1196] {strides = array<i32>} : memref<352x128xf32, #tpu.memory_space<vmem>>, vector<1x16xf32>,
        %get3A_1198 = vector.shape_cast %get3A_1197 : vector<1x16xf32> to vector<16xf32>
        %mul3A_1199 = vector.broadcast %squeeze3A_1194 : f32 to vector<16xf32>
        %mul3A_1200 = arith.mulf %get3A_1198, %mul3A_1199 : vector<16xf32>
        %swap3A_1201 = arith.index_cast %add3A_1192 : i32 to index
        %swap3A_1202 = arith.constant 0 : index
        %swap3A_1203 = tpu.vector_load %arg8[%swap3A_1201, %swap3A_1202] {strides = array<i32>} : memref<352x128xf32, #tpu.memory_space<vmem>>, vector<1x16xf32>,
        %swap3A_1204 = vector.shape_cast %swap3A_1203 : vector<1x16xf32> to vector<16xf32>
        %swap3A_1205 = vector.shape_cast %mul3A_1200 : vector<16xf32> to vector<1x16xf32>
        tpu.vector_store %arg8[%swap3A_1201, %swap3A_1202], %swap3A_1205 {strides = array<i32>} : memref<352x128xf32, #tpu.memory_space<vmem>>, vector<1x16xf32>,
        %get3A_1206 = arith.index_cast %add3A_1192 : i32 to index
        %get3A_1207 = arith.constant 16 : index
        %get3A_1208 = tpu.vector_load %arg8[%get3A_1206, %get3A_1207] {strides = array<i32>} : memref<352x128xf32, #tpu.memory_space<vmem>>, vector<1x16xf32>,
        %get3A_1209 = vector.shape_cast %get3A_1208 : vector<1x16xf32> to vector<16xf32>
        %mul3A_1210 = vector.broadcast %squeeze3A_1194 : f32 to vector<16xf32>
        %mul3A_1211 = arith.mulf %get3A_1209, %mul3A_1210 : vector<16xf32>
        %swap3A_1212 = arith.index_cast %add3A_1192 : i32 to index
        %swap3A_1213 = arith.constant 16 : index
        %swap3A_1214 = tpu.vector_load %arg8[%swap3A_1212, %swap3A_1213] {strides = array<i32>} : memref<352x128xf32, #tpu.memory_space<vmem>>, vector<1x16xf32>,
        %swap3A_1215 = vector.shape_cast %swap3A_1214 : vector<1x16xf32> to vector<16xf32>
        %swap3A_1216 = vector.shape_cast %mul3A_1211 : vector<16xf32> to vector<1x16xf32>
        tpu.vector_store %arg8[%swap3A_1212, %swap3A_1213], %swap3A_1216 {strides = array<i32>} : memref<352x128xf32, #tpu.memory_space<vmem>>, vector<1x16xf32>,
        %get3A_1217 = arith.index_cast %add3A_1192 : i32 to index
        %get3A_1218 = arith.constant 32 : index
        %get3A_1219 = tpu.vector_load %arg8[%get3A_1217, %get3A_1218] {strides = array<i32>} : memref<352x128xf32, #tpu.memory_space<vmem>>, vector<1x16xf32>,
        %get3A_1220 = vector.shape_cast %get3A_1219 : vector<1x16xf32> to vector<16xf32>
        %mul3A_1221 = vector.broadcast %squeeze3A_1194 : f32 to vector<16xf32>
        %mul3A_1222 = arith.mulf %get3A_1220, %mul3A_1221 : vector<16xf32>
        %swap3A_1223 = arith.index_cast %add3A_1192 : i32 to index
        %swap3A_1224 = arith.constant 32 : index
        %swap3A_1225 = tpu.vector_load %arg8[%swap3A_1223, %swap3A_1224] {strides = array<i32>} : memref<352x128xf32, #tpu.memory_space<vmem>>, vector<1x16xf32>,
        %swap3A_1226 = vector.shape_cast %swap3A_1225 : vector<1x16xf32> to vector<16xf32>
        %swap3A_1227 = vector.shape_cast %mul3A_1222 : vector<16xf32> to vector<1x16xf32>
        tpu.vector_store %arg8[%swap3A_1223, %swap3A_1224], %swap3A_1227 {strides = array<i32>} : memref<352x128xf32, #tpu.memory_space<vmem>>, vector<1x16xf32>,
        %get3A_1228 = arith.index_cast %add3A_1192 : i32 to index
        %get3A_1229 = arith.constant 48 : index
        %get3A_1230 = tpu.vector_load %arg8[%get3A_1228, %get3A_1229] {strides = array<i32>} : memref<352x128xf32, #tpu.memory_space<vmem>>, vector<1x16xf32>,
        %get3A_1231 = vector.shape_cast %get3A_1230 : vector<1x16xf32> to vector<16xf32>
        %mul3A_1232 = vector.broadcast %squeeze3A_1194 : f32 to vector<16xf32>
        %mul3A_1233 = arith.mulf %get3A_1231, %mul3A_1232 : vector<16xf32>
        %swap3A_1234 = arith.index_cast %add3A_1192 : i32 to index
        %swap3A_1235 = arith.constant 48 : index
        %swap3A_1236 = tpu.vector_load %arg8[%swap3A_1234, %swap3A_1235] {strides = array<i32>} : memref<352x128xf32, #tpu.memory_space<vmem>>, vector<1x16xf32>,
        %swap3A_1237 = vector.shape_cast %swap3A_1236 : vector<1x16xf32> to vector<16xf32>
        %swap3A_1238 = vector.shape_cast %mul3A_1233 : vector<16xf32> to vector<1x16xf32>
        tpu.vector_store %arg8[%swap3A_1234, %swap3A_1235], %swap3A_1238 {strides = array<i32>} : memref<352x128xf32, #tpu.memory_space<vmem>>, vector<1x16xf32>,
        %get3A_1239 = arith.index_cast %add3A_1192 : i32 to index
        %get3A_1240 = arith.constant 64 : index
        %get3A_1241 = tpu.vector_load %arg8[%get3A_1239, %get3A_1240] {strides = array<i32>} : memref<352x128xf32, #tpu.memory_space<vmem>>, vector<1x16xf32>,
        %get3A_1242 = vector.shape_cast %get3A_1241 : vector<1x16xf32> to vector<16xf32>
        %mul3A_1243 = vector.broadcast %squeeze3A_1194 : f32 to vector<16xf32>
        %mul3A_1244 = arith.mulf %get3A_1242, %mul3A_1243 : vector<16xf32>
        %swap3A_1245 = arith.index_cast %add3A_1192 : i32 to index
        %swap3A_1246 = arith.constant 64 : index
        %swap3A_1247 = tpu.vector_load %arg8[%swap3A_1245, %swap3A_1246] {strides = array<i32>} : memref<352x128xf32, #tpu.memory_space<vmem>>, vector<1x16xf32>,
        %swap3A_1248 = vector.shape_cast %swap3A_1247 : vector<1x16xf32> to vector<16xf32>
        %swap3A_1249 = vector.shape_cast %mul3A_1244 : vector<16xf32> to vector<1x16xf32>
        tpu.vector_store %arg8[%swap3A_1245, %swap3A_1246], %swap3A_1249 {strides = array<i32>} : memref<352x128xf32, #tpu.memory_space<vmem>>, vector<1x16xf32>,
        %get3A_1250 = arith.index_cast %add3A_1192 : i32 to index
        %get3A_1251 = arith.constant 80 : index
        %get3A_1252 = tpu.vector_load %arg8[%get3A_1250, %get3A_1251] {strides = array<i32>} : memref<352x128xf32, #tpu.memory_space<vmem>>, vector<1x16xf32>,
        %get3A_1253 = vector.shape_cast %get3A_1252 : vector<1x16xf32> to vector<16xf32>
        %mul3A_1254 = vector.broadcast %squeeze3A_1194 : f32 to vector<16xf32>
        %mul3A_1255 = arith.mulf %get3A_1253, %mul3A_1254 : vector<16xf32>
        %swap3A_1256 = arith.index_cast %add3A_1192 : i32 to index
        %swap3A_1257 = arith.constant 80 : index
        %swap3A_1258 = tpu.vector_load %arg8[%swap3A_1256, %swap3A_1257] {strides = array<i32>} : memref<352x128xf32, #tpu.memory_space<vmem>>, vector<1x16xf32>,
        %swap3A_1259 = vector.shape_cast %swap3A_1258 : vector<1x16xf32> to vector<16xf32>
        %swap3A_1260 = vector.shape_cast %mul3A_1255 : vector<16xf32> to vector<1x16xf32>
        tpu.vector_store %arg8[%swap3A_1256, %swap3A_1257], %swap3A_1260 {strides = array<i32>} : memref<352x128xf32, #tpu.memory_space<vmem>>, vector<1x16xf32>,
        %get3A_1261 = arith.index_cast %add3A_1192 : i32 to index
        %get3A_1262 = arith.constant 96 : index
        %get3A_1263 = tpu.vector_load %arg8[%get3A_1261, %get3A_1262] {strides = array<i32>} : memref<352x128xf32, #tpu.memory_space<vmem>>, vector<1x16xf32>,
        %get3A_1264 = vector.shape_cast %get3A_1263 : vector<1x16xf32> to vector<16xf32>
        %mul3A_1265 = vector.broadcast %squeeze3A_1194 : f32 to vector<16xf32>
        %mul3A_1266 = arith.mulf %get3A_1264, %mul3A_1265 : vector<16xf32>
        %swap3A_1267 = arith.index_cast %add3A_1192 : i32 to index
        %swap3A_1268 = arith.constant 96 : index
        %swap3A_1269 = tpu.vector_load %arg8[%swap3A_1267, %swap3A_1268] {strides = array<i32>} : memref<352x128xf32, #tpu.memory_space<vmem>>, vector<1x16xf32>,
        %swap3A_1270 = vector.shape_cast %swap3A_1269 : vector<1x16xf32> to vector<16xf32>
        %swap3A_1271 = vector.shape_cast %mul3A_1266 : vector<16xf32> to vector<1x16xf32>
        tpu.vector_store %arg8[%swap3A_1267, %swap3A_1268], %swap3A_1271 {strides = array<i32>} : memref<352x128xf32, #tpu.memory_space<vmem>>, vector<1x16xf32>,
        %get3A_1272 = arith.index_cast %add3A_1192 : i32 to index
        %get3A_1273 = arith.constant 112 : index
        %get3A_1274 = tpu.vector_load %arg8[%get3A_1272, %get3A_1273] {strides = array<i32>} : memref<352x128xf32, #tpu.memory_space<vmem>>, vector<1x16xf32>,
        %get3A_1275 = vector.shape_cast %get3A_1274 : vector<1x16xf32> to vector<16xf32>
        %mul3A_1276 = vector.broadcast %squeeze3A_1194 : f32 to vector<16xf32>
        %mul3A_1277 = arith.mulf %get3A_1275, %mul3A_1276 : vector<16xf32>
        %swap3A_1278 = arith.index_cast %add3A_1192 : i32 to index
        %swap3A_1279 = arith.constant 112 : index
        %swap3A_1280 = tpu.vector_load %arg8[%swap3A_1278, %swap3A_1279] {strides = array<i32>} : memref<352x128xf32, #tpu.memory_space<vmem>>, vector<1x16xf32>,
        %swap3A_1281 = vector.shape_cast %swap3A_1280 : vector<1x16xf32> to vector<16xf32>
        %swap3A_1282 = vector.shape_cast %mul3A_1277 : vector<16xf32> to vector<1x16xf32>
        tpu.vector_store %arg8[%swap3A_1278, %swap3A_1279], %swap3A_1282 {strides = array<i32>} : memref<352x128xf32, #tpu.memory_space<vmem>>, vector<1x16xf32>,
        %mul3A_1283 = arith.constant 16 : i32
        %mul3A_1284 = arith.muli %scan3A_58, %mul3A_1283 : i32
        %add3A_1285 = arith.constant 13 : i32
        %add3A_1286 = arith.addi %mul3A_1284, %add3A_1285 : i32
        %slice3A_1287 = vector.extract_strided_slice %get3A_63 {offsets = [13], sizes = [1], strides = [1]} : vector<16xf32> to vector<1xf32>
        %squeeze3A_1288 = vector.extract %slice3A_1287[0] : f32 from vector<1xf32>
        %get3A_1289 = arith.index_cast %add3A_1286 : i32 to index
        %get3A_1290 = arith.constant 0 : index
        %get3A_1291 = tpu.vector_load %arg8[%get3A_1289, %get3A_1290] {strides = array<i32>} : memref<352x128xf32, #tpu.memory_space<vmem>>, vector<1x16xf32>,
        %get3A_1292 = vector.shape_cast %get3A_1291 : vector<1x16xf32> to vector<16xf32>
        %mul3A_1293 = vector.broadcast %squeeze3A_1288 : f32 to vector<16xf32>
        %mul3A_1294 = arith.mulf %get3A_1292, %mul3A_1293 : vector<16xf32>
        %swap3A_1295 = arith.index_cast %add3A_1286 : i32 to index
        %swap3A_1296 = arith.constant 0 : index
        %swap3A_1297 = tpu.vector_load %arg8[%swap3A_1295, %swap3A_1296] {strides = array<i32>} : memref<352x128xf32, #tpu.memory_space<vmem>>, vector<1x16xf32>,
        %swap3A_1298 = vector.shape_cast %swap3A_1297 : vector<1x16xf32> to vector<16xf32>
        %swap3A_1299 = vector.shape_cast %mul3A_1294 : vector<16xf32> to vector<1x16xf32>
        tpu.vector_store %arg8[%swap3A_1295, %swap3A_1296], %swap3A_1299 {strides = array<i32>} : memref<352x128xf32, #tpu.memory_space<vmem>>, vector<1x16xf32>,
        %get3A_1300 = arith.index_cast %add3A_1286 : i32 to index
        %get3A_1301 = arith.constant 16 : index
        %get3A_1302 = tpu.vector_load %arg8[%get3A_1300, %get3A_1301] {strides = array<i32>} : memref<352x128xf32, #tpu.memory_space<vmem>>, vector<1x16xf32>,
        %get3A_1303 = vector.shape_cast %get3A_1302 : vector<1x16xf32> to vector<16xf32>
        %mul3A_1304 = vector.broadcast %squeeze3A_1288 : f32 to vector<16xf32>
        %mul3A_1305 = arith.mulf %get3A_1303, %mul3A_1304 : vector<16xf32>
        %swap3A_1306 = arith.index_cast %add3A_1286 : i32 to index
        %swap3A_1307 = arith.constant 16 : index
        %swap3A_1308 = tpu.vector_load %arg8[%swap3A_1306, %swap3A_1307] {strides = array<i32>} : memref<352x128xf32, #tpu.memory_space<vmem>>, vector<1x16xf32>,
        %swap3A_1309 = vector.shape_cast %swap3A_1308 : vector<1x16xf32> to vector<16xf32>
        %swap3A_1310 = vector.shape_cast %mul3A_1305 : vector<16xf32> to vector<1x16xf32>
        tpu.vector_store %arg8[%swap3A_1306, %swap3A_1307], %swap3A_1310 {strides = array<i32>} : memref<352x128xf32, #tpu.memory_space<vmem>>, vector<1x16xf32>,
        %get3A_1311 = arith.index_cast %add3A_1286 : i32 to index
        %get3A_1312 = arith.constant 32 : index
        %get3A_1313 = tpu.vector_load %arg8[%get3A_1311, %get3A_1312] {strides = array<i32>} : memref<352x128xf32, #tpu.memory_space<vmem>>, vector<1x16xf32>,
        %get3A_1314 = vector.shape_cast %get3A_1313 : vector<1x16xf32> to vector<16xf32>
        %mul3A_1315 = vector.broadcast %squeeze3A_1288 : f32 to vector<16xf32>
        %mul3A_1316 = arith.mulf %get3A_1314, %mul3A_1315 : vector<16xf32>
        %swap3A_1317 = arith.index_cast %add3A_1286 : i32 to index
        %swap3A_1318 = arith.constant 32 : index
        %swap3A_1319 = tpu.vector_load %arg8[%swap3A_1317, %swap3A_1318] {strides = array<i32>} : memref<352x128xf32, #tpu.memory_space<vmem>>, vector<1x16xf32>,
        %swap3A_1320 = vector.shape_cast %swap3A_1319 : vector<1x16xf32> to vector<16xf32>
        %swap3A_1321 = vector.shape_cast %mul3A_1316 : vector<16xf32> to vector<1x16xf32>
        tpu.vector_store %arg8[%swap3A_1317, %swap3A_1318], %swap3A_1321 {strides = array<i32>} : memref<352x128xf32, #tpu.memory_space<vmem>>, vector<1x16xf32>,
        %get3A_1322 = arith.index_cast %add3A_1286 : i32 to index
        %get3A_1323 = arith.constant 48 : index
        %get3A_1324 = tpu.vector_load %arg8[%get3A_1322, %get3A_1323] {strides = array<i32>} : memref<352x128xf32, #tpu.memory_space<vmem>>, vector<1x16xf32>,
        %get3A_1325 = vector.shape_cast %get3A_1324 : vector<1x16xf32> to vector<16xf32>
        %mul3A_1326 = vector.broadcast %squeeze3A_1288 : f32 to vector<16xf32>
        %mul3A_1327 = arith.mulf %get3A_1325, %mul3A_1326 : vector<16xf32>
        %swap3A_1328 = arith.index_cast %add3A_1286 : i32 to index
        %swap3A_1329 = arith.constant 48 : index
        %swap3A_1330 = tpu.vector_load %arg8[%swap3A_1328, %swap3A_1329] {strides = array<i32>} : memref<352x128xf32, #tpu.memory_space<vmem>>, vector<1x16xf32>,
        %swap3A_1331 = vector.shape_cast %swap3A_1330 : vector<1x16xf32> to vector<16xf32>
        %swap3A_1332 = vector.shape_cast %mul3A_1327 : vector<16xf32> to vector<1x16xf32>
        tpu.vector_store %arg8[%swap3A_1328, %swap3A_1329], %swap3A_1332 {strides = array<i32>} : memref<352x128xf32, #tpu.memory_space<vmem>>, vector<1x16xf32>,
        %get3A_1333 = arith.index_cast %add3A_1286 : i32 to index
        %get3A_1334 = arith.constant 64 : index
        %get3A_1335 = tpu.vector_load %arg8[%get3A_1333, %get3A_1334] {strides = array<i32>} : memref<352x128xf32, #tpu.memory_space<vmem>>, vector<1x16xf32>,
        %get3A_1336 = vector.shape_cast %get3A_1335 : vector<1x16xf32> to vector<16xf32>
        %mul3A_1337 = vector.broadcast %squeeze3A_1288 : f32 to vector<16xf32>
        %mul3A_1338 = arith.mulf %get3A_1336, %mul3A_1337 : vector<16xf32>
        %swap3A_1339 = arith.index_cast %add3A_1286 : i32 to index
        %swap3A_1340 = arith.constant 64 : index
        %swap3A_1341 = tpu.vector_load %arg8[%swap3A_1339, %swap3A_1340] {strides = array<i32>} : memref<352x128xf32, #tpu.memory_space<vmem>>, vector<1x16xf32>,
        %swap3A_1342 = vector.shape_cast %swap3A_1341 : vector<1x16xf32> to vector<16xf32>
        %swap3A_1343 = vector.shape_cast %mul3A_1338 : vector<16xf32> to vector<1x16xf32>
        tpu.vector_store %arg8[%swap3A_1339, %swap3A_1340], %swap3A_1343 {strides = array<i32>} : memref<352x128xf32, #tpu.memory_space<vmem>>, vector<1x16xf32>,
        %get3A_1344 = arith.index_cast %add3A_1286 : i32 to index
        %get3A_1345 = arith.constant 80 : index
        %get3A_1346 = tpu.vector_load %arg8[%get3A_1344, %get3A_1345] {strides = array<i32>} : memref<352x128xf32, #tpu.memory_space<vmem>>, vector<1x16xf32>,
        %get3A_1347 = vector.shape_cast %get3A_1346 : vector<1x16xf32> to vector<16xf32>
        %mul3A_1348 = vector.broadcast %squeeze3A_1288 : f32 to vector<16xf32>
        %mul3A_1349 = arith.mulf %get3A_1347, %mul3A_1348 : vector<16xf32>
        %swap3A_1350 = arith.index_cast %add3A_1286 : i32 to index
        %swap3A_1351 = arith.constant 80 : index
        %swap3A_1352 = tpu.vector_load %arg8[%swap3A_1350, %swap3A_1351] {strides = array<i32>} : memref<352x128xf32, #tpu.memory_space<vmem>>, vector<1x16xf32>,
        %swap3A_1353 = vector.shape_cast %swap3A_1352 : vector<1x16xf32> to vector<16xf32>
        %swap3A_1354 = vector.shape_cast %mul3A_1349 : vector<16xf32> to vector<1x16xf32>
        tpu.vector_store %arg8[%swap3A_1350, %swap3A_1351], %swap3A_1354 {strides = array<i32>} : memref<352x128xf32, #tpu.memory_space<vmem>>, vector<1x16xf32>,
        %get3A_1355 = arith.index_cast %add3A_1286 : i32 to index
        %get3A_1356 = arith.constant 96 : index
        %get3A_1357 = tpu.vector_load %arg8[%get3A_1355, %get3A_1356] {strides = array<i32>} : memref<352x128xf32, #tpu.memory_space<vmem>>, vector<1x16xf32>,
        %get3A_1358 = vector.shape_cast %get3A_1357 : vector<1x16xf32> to vector<16xf32>
        %mul3A_1359 = vector.broadcast %squeeze3A_1288 : f32 to vector<16xf32>
        %mul3A_1360 = arith.mulf %get3A_1358, %mul3A_1359 : vector<16xf32>
        %swap3A_1361 = arith.index_cast %add3A_1286 : i32 to index
        %swap3A_1362 = arith.constant 96 : index
        %swap3A_1363 = tpu.vector_load %arg8[%swap3A_1361, %swap3A_1362] {strides = array<i32>} : memref<352x128xf32, #tpu.memory_space<vmem>>, vector<1x16xf32>,
        %swap3A_1364 = vector.shape_cast %swap3A_1363 : vector<1x16xf32> to vector<16xf32>
        %swap3A_1365 = vector.shape_cast %mul3A_1360 : vector<16xf32> to vector<1x16xf32>
        tpu.vector_store %arg8[%swap3A_1361, %swap3A_1362], %swap3A_1365 {strides = array<i32>} : memref<352x128xf32, #tpu.memory_space<vmem>>, vector<1x16xf32>,
        %get3A_1366 = arith.index_cast %add3A_1286 : i32 to index
        %get3A_1367 = arith.constant 112 : index
        %get3A_1368 = tpu.vector_load %arg8[%get3A_1366, %get3A_1367] {strides = array<i32>} : memref<352x128xf32, #tpu.memory_space<vmem>>, vector<1x16xf32>,
        %get3A_1369 = vector.shape_cast %get3A_1368 : vector<1x16xf32> to vector<16xf32>
        %mul3A_1370 = vector.broadcast %squeeze3A_1288 : f32 to vector<16xf32>
        %mul3A_1371 = arith.mulf %get3A_1369, %mul3A_1370 : vector<16xf32>
        %swap3A_1372 = arith.index_cast %add3A_1286 : i32 to index
        %swap3A_1373 = arith.constant 112 : index
        %swap3A_1374 = tpu.vector_load %arg8[%swap3A_1372, %swap3A_1373] {strides = array<i32>} : memref<352x128xf32, #tpu.memory_space<vmem>>, vector<1x16xf32>,
        %swap3A_1375 = vector.shape_cast %swap3A_1374 : vector<1x16xf32> to vector<16xf32>
        %swap3A_1376 = vector.shape_cast %mul3A_1371 : vector<16xf32> to vector<1x16xf32>
        tpu.vector_store %arg8[%swap3A_1372, %swap3A_1373], %swap3A_1376 {strides = array<i32>} : memref<352x128xf32, #tpu.memory_space<vmem>>, vector<1x16xf32>,
        %mul3A_1377 = arith.constant 16 : i32
        %mul3A_1378 = arith.muli %scan3A_58, %mul3A_1377 : i32
        %add3A_1379 = arith.constant 14 : i32
        %add3A_1380 = arith.addi %mul3A_1378, %add3A_1379 : i32
        %slice3A_1381 = vector.extract_strided_slice %get3A_63 {offsets = [14], sizes = [1], strides = [1]} : vector<16xf32> to vector<1xf32>
        %squeeze3A_1382 = vector.extract %slice3A_1381[0] : f32 from vector<1xf32>
        %get3A_1383 = arith.index_cast %add3A_1380 : i32 to index
        %get3A_1384 = arith.constant 0 : index
        %get3A_1385 = tpu.vector_load %arg8[%get3A_1383, %get3A_1384] {strides = array<i32>} : memref<352x128xf32, #tpu.memory_space<vmem>>, vector<1x16xf32>,
        %get3A_1386 = vector.shape_cast %get3A_1385 : vector<1x16xf32> to vector<16xf32>
        %mul3A_1387 = vector.broadcast %squeeze3A_1382 : f32 to vector<16xf32>
        %mul3A_1388 = arith.mulf %get3A_1386, %mul3A_1387 : vector<16xf32>
        %swap3A_1389 = arith.index_cast %add3A_1380 : i32 to index
        %swap3A_1390 = arith.constant 0 : index
        %swap3A_1391 = tpu.vector_load %arg8[%swap3A_1389, %swap3A_1390] {strides = array<i32>} : memref<352x128xf32, #tpu.memory_space<vmem>>, vector<1x16xf32>,
        %swap3A_1392 = vector.shape_cast %swap3A_1391 : vector<1x16xf32> to vector<16xf32>
        %swap3A_1393 = vector.shape_cast %mul3A_1388 : vector<16xf32> to vector<1x16xf32>
        tpu.vector_store %arg8[%swap3A_1389, %swap3A_1390], %swap3A_1393 {strides = array<i32>} : memref<352x128xf32, #tpu.memory_space<vmem>>, vector<1x16xf32>,
        %get3A_1394 = arith.index_cast %add3A_1380 : i32 to index
        %get3A_1395 = arith.constant 16 : index
        %get3A_1396 = tpu.vector_load %arg8[%get3A_1394, %get3A_1395] {strides = array<i32>} : memref<352x128xf32, #tpu.memory_space<vmem>>, vector<1x16xf32>,
        %get3A_1397 = vector.shape_cast %get3A_1396 : vector<1x16xf32> to vector<16xf32>
        %mul3A_1398 = vector.broadcast %squeeze3A_1382 : f32 to vector<16xf32>
        %mul3A_1399 = arith.mulf %get3A_1397, %mul3A_1398 : vector<16xf32>
        %swap3A_1400 = arith.index_cast %add3A_1380 : i32 to index
        %swap3A_1401 = arith.constant 16 : index
        %swap3A_1402 = tpu.vector_load %arg8[%swap3A_1400, %swap3A_1401] {strides = array<i32>} : memref<352x128xf32, #tpu.memory_space<vmem>>, vector<1x16xf32>,
        %swap3A_1403 = vector.shape_cast %swap3A_1402 : vector<1x16xf32> to vector<16xf32>
        %swap3A_1404 = vector.shape_cast %mul3A_1399 : vector<16xf32> to vector<1x16xf32>
        tpu.vector_store %arg8[%swap3A_1400, %swap3A_1401], %swap3A_1404 {strides = array<i32>} : memref<352x128xf32, #tpu.memory_space<vmem>>, vector<1x16xf32>,
        %get3A_1405 = arith.index_cast %add3A_1380 : i32 to index
        %get3A_1406 = arith.constant 32 : index
        %get3A_1407 = tpu.vector_load %arg8[%get3A_1405, %get3A_1406] {strides = array<i32>} : memref<352x128xf32, #tpu.memory_space<vmem>>, vector<1x16xf32>,
        %get3A_1408 = vector.shape_cast %get3A_1407 : vector<1x16xf32> to vector<16xf32>
        %mul3A_1409 = vector.broadcast %squeeze3A_1382 : f32 to vector<16xf32>
        %mul3A_1410 = arith.mulf %get3A_1408, %mul3A_1409 : vector<16xf32>
        %swap3A_1411 = arith.index_cast %add3A_1380 : i32 to index
        %swap3A_1412 = arith.constant 32 : index
        %swap3A_1413 = tpu.vector_load %arg8[%swap3A_1411, %swap3A_1412] {strides = array<i32>} : memref<352x128xf32, #tpu.memory_space<vmem>>, vector<1x16xf32>,
        %swap3A_1414 = vector.shape_cast %swap3A_1413 : vector<1x16xf32> to vector<16xf32>
        %swap3A_1415 = vector.shape_cast %mul3A_1410 : vector<16xf32> to vector<1x16xf32>
        tpu.vector_store %arg8[%swap3A_1411, %swap3A_1412], %swap3A_1415 {strides = array<i32>} : memref<352x128xf32, #tpu.memory_space<vmem>>, vector<1x16xf32>,
        %get3A_1416 = arith.index_cast %add3A_1380 : i32 to index
        %get3A_1417 = arith.constant 48 : index
        %get3A_1418 = tpu.vector_load %arg8[%get3A_1416, %get3A_1417] {strides = array<i32>} : memref<352x128xf32, #tpu.memory_space<vmem>>, vector<1x16xf32>,
        %get3A_1419 = vector.shape_cast %get3A_1418 : vector<1x16xf32> to vector<16xf32>
        %mul3A_1420 = vector.broadcast %squeeze3A_1382 : f32 to vector<16xf32>
        %mul3A_1421 = arith.mulf %get3A_1419, %mul3A_1420 : vector<16xf32>
        %swap3A_1422 = arith.index_cast %add3A_1380 : i32 to index
        %swap3A_1423 = arith.constant 48 : index
        %swap3A_1424 = tpu.vector_load %arg8[%swap3A_1422, %swap3A_1423] {strides = array<i32>} : memref<352x128xf32, #tpu.memory_space<vmem>>, vector<1x16xf32>,
        %swap3A_1425 = vector.shape_cast %swap3A_1424 : vector<1x16xf32> to vector<16xf32>
        %swap3A_1426 = vector.shape_cast %mul3A_1421 : vector<16xf32> to vector<1x16xf32>
        tpu.vector_store %arg8[%swap3A_1422, %swap3A_1423], %swap3A_1426 {strides = array<i32>} : memref<352x128xf32, #tpu.memory_space<vmem>>, vector<1x16xf32>,
        %get3A_1427 = arith.index_cast %add3A_1380 : i32 to index
        %get3A_1428 = arith.constant 64 : index
        %get3A_1429 = tpu.vector_load %arg8[%get3A_1427, %get3A_1428] {strides = array<i32>} : memref<352x128xf32, #tpu.memory_space<vmem>>, vector<1x16xf32>,
        %get3A_1430 = vector.shape_cast %get3A_1429 : vector<1x16xf32> to vector<16xf32>
        %mul3A_1431 = vector.broadcast %squeeze3A_1382 : f32 to vector<16xf32>
        %mul3A_1432 = arith.mulf %get3A_1430, %mul3A_1431 : vector<16xf32>
        %swap3A_1433 = arith.index_cast %add3A_1380 : i32 to index
        %swap3A_1434 = arith.constant 64 : index
        %swap3A_1435 = tpu.vector_load %arg8[%swap3A_1433, %swap3A_1434] {strides = array<i32>} : memref<352x128xf32, #tpu.memory_space<vmem>>, vector<1x16xf32>,
        %swap3A_1436 = vector.shape_cast %swap3A_1435 : vector<1x16xf32> to vector<16xf32>
        %swap3A_1437 = vector.shape_cast %mul3A_1432 : vector<16xf32> to vector<1x16xf32>
        tpu.vector_store %arg8[%swap3A_1433, %swap3A_1434], %swap3A_1437 {strides = array<i32>} : memref<352x128xf32, #tpu.memory_space<vmem>>, vector<1x16xf32>,
        %get3A_1438 = arith.index_cast %add3A_1380 : i32 to index
        %get3A_1439 = arith.constant 80 : index
        %get3A_1440 = tpu.vector_load %arg8[%get3A_1438, %get3A_1439] {strides = array<i32>} : memref<352x128xf32, #tpu.memory_space<vmem>>, vector<1x16xf32>,
        %get3A_1441 = vector.shape_cast %get3A_1440 : vector<1x16xf32> to vector<16xf32>
        %mul3A_1442 = vector.broadcast %squeeze3A_1382 : f32 to vector<16xf32>
        %mul3A_1443 = arith.mulf %get3A_1441, %mul3A_1442 : vector<16xf32>
        %swap3A_1444 = arith.index_cast %add3A_1380 : i32 to index
        %swap3A_1445 = arith.constant 80 : index
        %swap3A_1446 = tpu.vector_load %arg8[%swap3A_1444, %swap3A_1445] {strides = array<i32>} : memref<352x128xf32, #tpu.memory_space<vmem>>, vector<1x16xf32>,
        %swap3A_1447 = vector.shape_cast %swap3A_1446 : vector<1x16xf32> to vector<16xf32>
        %swap3A_1448 = vector.shape_cast %mul3A_1443 : vector<16xf32> to vector<1x16xf32>
        tpu.vector_store %arg8[%swap3A_1444, %swap3A_1445], %swap3A_1448 {strides = array<i32>} : memref<352x128xf32, #tpu.memory_space<vmem>>, vector<1x16xf32>,
        %get3A_1449 = arith.index_cast %add3A_1380 : i32 to index
        %get3A_1450 = arith.constant 96 : index
        %get3A_1451 = tpu.vector_load %arg8[%get3A_1449, %get3A_1450] {strides = array<i32>} : memref<352x128xf32, #tpu.memory_space<vmem>>, vector<1x16xf32>,
        %get3A_1452 = vector.shape_cast %get3A_1451 : vector<1x16xf32> to vector<16xf32>
        %mul3A_1453 = vector.broadcast %squeeze3A_1382 : f32 to vector<16xf32>
        %mul3A_1454 = arith.mulf %get3A_1452, %mul3A_1453 : vector<16xf32>
        %swap3A_1455 = arith.index_cast %add3A_1380 : i32 to index
        %swap3A_1456 = arith.constant 96 : index
        %swap3A_1457 = tpu.vector_load %arg8[%swap3A_1455, %swap3A_1456] {strides = array<i32>} : memref<352x128xf32, #tpu.memory_space<vmem>>, vector<1x16xf32>,
        %swap3A_1458 = vector.shape_cast %swap3A_1457 : vector<1x16xf32> to vector<16xf32>
        %swap3A_1459 = vector.shape_cast %mul3A_1454 : vector<16xf32> to vector<1x16xf32>
        tpu.vector_store %arg8[%swap3A_1455, %swap3A_1456], %swap3A_1459 {strides = array<i32>} : memref<352x128xf32, #tpu.memory_space<vmem>>, vector<1x16xf32>,
        %get3A_1460 = arith.index_cast %add3A_1380 : i32 to index
        %get3A_1461 = arith.constant 112 : index
        %get3A_1462 = tpu.vector_load %arg8[%get3A_1460, %get3A_1461] {strides = array<i32>} : memref<352x128xf32, #tpu.memory_space<vmem>>, vector<1x16xf32>,
        %get3A_1463 = vector.shape_cast %get3A_1462 : vector<1x16xf32> to vector<16xf32>
        %mul3A_1464 = vector.broadcast %squeeze3A_1382 : f32 to vector<16xf32>
        %mul3A_1465 = arith.mulf %get3A_1463, %mul3A_1464 : vector<16xf32>
        %swap3A_1466 = arith.index_cast %add3A_1380 : i32 to index
        %swap3A_1467 = arith.constant 112 : index
        %swap3A_1468 = tpu.vector_load %arg8[%swap3A_1466, %swap3A_1467] {strides = array<i32>} : memref<352x128xf32, #tpu.memory_space<vmem>>, vector<1x16xf32>,
        %swap3A_1469 = vector.shape_cast %swap3A_1468 : vector<1x16xf32> to vector<16xf32>
        %swap3A_1470 = vector.shape_cast %mul3A_1465 : vector<16xf32> to vector<1x16xf32>
        tpu.vector_store %arg8[%swap3A_1466, %swap3A_1467], %swap3A_1470 {strides = array<i32>} : memref<352x128xf32, #tpu.memory_space<vmem>>, vector<1x16xf32>,
        %mul3A_1471 = arith.constant 16 : i32
        %mul3A_1472 = arith.muli %scan3A_58, %mul3A_1471 : i32
        %add3A_1473 = arith.constant 15 : i32
        %add3A_1474 = arith.addi %mul3A_1472, %add3A_1473 : i32
        %slice3A_1475 = vector.extract_strided_slice %get3A_63 {offsets = [15], sizes = [1], strides = [1]} : vector<16xf32> to vector<1xf32>
        %squeeze3A_1476 = vector.extract %slice3A_1475[0] : f32 from vector<1xf32>
        %get3A_1477 = arith.index_cast %add3A_1474 : i32 to index
        %get3A_1478 = arith.constant 0 : index
        %get3A_1479 = tpu.vector_load %arg8[%get3A_1477, %get3A_1478] {strides = array<i32>} : memref<352x128xf32, #tpu.memory_space<vmem>>, vector<1x16xf32>,
        %get3A_1480 = vector.shape_cast %get3A_1479 : vector<1x16xf32> to vector<16xf32>
        %mul3A_1481 = vector.broadcast %squeeze3A_1476 : f32 to vector<16xf32>
        %mul3A_1482 = arith.mulf %get3A_1480, %mul3A_1481 : vector<16xf32>
        %swap3A_1483 = arith.index_cast %add3A_1474 : i32 to index
        %swap3A_1484 = arith.constant 0 : index
        %swap3A_1485 = tpu.vector_load %arg8[%swap3A_1483, %swap3A_1484] {strides = array<i32>} : memref<352x128xf32, #tpu.memory_space<vmem>>, vector<1x16xf32>,
        %swap3A_1486 = vector.shape_cast %swap3A_1485 : vector<1x16xf32> to vector<16xf32>
        %swap3A_1487 = vector.shape_cast %mul3A_1482 : vector<16xf32> to vector<1x16xf32>
        tpu.vector_store %arg8[%swap3A_1483, %swap3A_1484], %swap3A_1487 {strides = array<i32>} : memref<352x128xf32, #tpu.memory_space<vmem>>, vector<1x16xf32>,
        %get3A_1488 = arith.index_cast %add3A_1474 : i32 to index
        %get3A_1489 = arith.constant 16 : index
        %get3A_1490 = tpu.vector_load %arg8[%get3A_1488, %get3A_1489] {strides = array<i32>} : memref<352x128xf32, #tpu.memory_space<vmem>>, vector<1x16xf32>,
        %get3A_1491 = vector.shape_cast %get3A_1490 : vector<1x16xf32> to vector<16xf32>
        %mul3A_1492 = vector.broadcast %squeeze3A_1476 : f32 to vector<16xf32>
        %mul3A_1493 = arith.mulf %get3A_1491, %mul3A_1492 : vector<16xf32>
        %swap3A_1494 = arith.index_cast %add3A_1474 : i32 to index
        %swap3A_1495 = arith.constant 16 : index
        %swap3A_1496 = tpu.vector_load %arg8[%swap3A_1494, %swap3A_1495] {strides = array<i32>} : memref<352x128xf32, #tpu.memory_space<vmem>>, vector<1x16xf32>,
        %swap3A_1497 = vector.shape_cast %swap3A_1496 : vector<1x16xf32> to vector<16xf32>
        %swap3A_1498 = vector.shape_cast %mul3A_1493 : vector<16xf32> to vector<1x16xf32>
        tpu.vector_store %arg8[%swap3A_1494, %swap3A_1495], %swap3A_1498 {strides = array<i32>} : memref<352x128xf32, #tpu.memory_space<vmem>>, vector<1x16xf32>,
        %get3A_1499 = arith.index_cast %add3A_1474 : i32 to index
        %get3A_1500 = arith.constant 32 : index
        %get3A_1501 = tpu.vector_load %arg8[%get3A_1499, %get3A_1500] {strides = array<i32>} : memref<352x128xf32, #tpu.memory_space<vmem>>, vector<1x16xf32>,
        %get3A_1502 = vector.shape_cast %get3A_1501 : vector<1x16xf32> to vector<16xf32>
        %mul3A_1503 = vector.broadcast %squeeze3A_1476 : f32 to vector<16xf32>
        %mul3A_1504 = arith.mulf %get3A_1502, %mul3A_1503 : vector<16xf32>
        %swap3A_1505 = arith.index_cast %add3A_1474 : i32 to index
        %swap3A_1506 = arith.constant 32 : index
        %swap3A_1507 = tpu.vector_load %arg8[%swap3A_1505, %swap3A_1506] {strides = array<i32>} : memref<352x128xf32, #tpu.memory_space<vmem>>, vector<1x16xf32>,
        %swap3A_1508 = vector.shape_cast %swap3A_1507 : vector<1x16xf32> to vector<16xf32>
        %swap3A_1509 = vector.shape_cast %mul3A_1504 : vector<16xf32> to vector<1x16xf32>
        tpu.vector_store %arg8[%swap3A_1505, %swap3A_1506], %swap3A_1509 {strides = array<i32>} : memref<352x128xf32, #tpu.memory_space<vmem>>, vector<1x16xf32>,
        %get3A_1510 = arith.index_cast %add3A_1474 : i32 to index
        %get3A_1511 = arith.constant 48 : index
        %get3A_1512 = tpu.vector_load %arg8[%get3A_1510, %get3A_1511] {strides = array<i32>} : memref<352x128xf32, #tpu.memory_space<vmem>>, vector<1x16xf32>,
        %get3A_1513 = vector.shape_cast %get3A_1512 : vector<1x16xf32> to vector<16xf32>
        %mul3A_1514 = vector.broadcast %squeeze3A_1476 : f32 to vector<16xf32>
        %mul3A_1515 = arith.mulf %get3A_1513, %mul3A_1514 : vector<16xf32>
        %swap3A_1516 = arith.index_cast %add3A_1474 : i32 to index
        %swap3A_1517 = arith.constant 48 : index
        %swap3A_1518 = tpu.vector_load %arg8[%swap3A_1516, %swap3A_1517] {strides = array<i32>} : memref<352x128xf32, #tpu.memory_space<vmem>>, vector<1x16xf32>,
        %swap3A_1519 = vector.shape_cast %swap3A_1518 : vector<1x16xf32> to vector<16xf32>
        %swap3A_1520 = vector.shape_cast %mul3A_1515 : vector<16xf32> to vector<1x16xf32>
        tpu.vector_store %arg8[%swap3A_1516, %swap3A_1517], %swap3A_1520 {strides = array<i32>} : memref<352x128xf32, #tpu.memory_space<vmem>>, vector<1x16xf32>,
        %get3A_1521 = arith.index_cast %add3A_1474 : i32 to index
        %get3A_1522 = arith.constant 64 : index
        %get3A_1523 = tpu.vector_load %arg8[%get3A_1521, %get3A_1522] {strides = array<i32>} : memref<352x128xf32, #tpu.memory_space<vmem>>, vector<1x16xf32>,
        %get3A_1524 = vector.shape_cast %get3A_1523 : vector<1x16xf32> to vector<16xf32>
        %mul3A_1525 = vector.broadcast %squeeze3A_1476 : f32 to vector<16xf32>
        %mul3A_1526 = arith.mulf %get3A_1524, %mul3A_1525 : vector<16xf32>
        %swap3A_1527 = arith.index_cast %add3A_1474 : i32 to index
        %swap3A_1528 = arith.constant 64 : index
        %swap3A_1529 = tpu.vector_load %arg8[%swap3A_1527, %swap3A_1528] {strides = array<i32>} : memref<352x128xf32, #tpu.memory_space<vmem>>, vector<1x16xf32>,
        %swap3A_1530 = vector.shape_cast %swap3A_1529 : vector<1x16xf32> to vector<16xf32>
        %swap3A_1531 = vector.shape_cast %mul3A_1526 : vector<16xf32> to vector<1x16xf32>
        tpu.vector_store %arg8[%swap3A_1527, %swap3A_1528], %swap3A_1531 {strides = array<i32>} : memref<352x128xf32, #tpu.memory_space<vmem>>, vector<1x16xf32>,
        %get3A_1532 = arith.index_cast %add3A_1474 : i32 to index
        %get3A_1533 = arith.constant 80 : index
        %get3A_1534 = tpu.vector_load %arg8[%get3A_1532, %get3A_1533] {strides = array<i32>} : memref<352x128xf32, #tpu.memory_space<vmem>>, vector<1x16xf32>,
        %get3A_1535 = vector.shape_cast %get3A_1534 : vector<1x16xf32> to vector<16xf32>
        %mul3A_1536 = vector.broadcast %squeeze3A_1476 : f32 to vector<16xf32>
        %mul3A_1537 = arith.mulf %get3A_1535, %mul3A_1536 : vector<16xf32>
        %swap3A_1538 = arith.index_cast %add3A_1474 : i32 to index
        %swap3A_1539 = arith.constant 80 : index
        %swap3A_1540 = tpu.vector_load %arg8[%swap3A_1538, %swap3A_1539] {strides = array<i32>} : memref<352x128xf32, #tpu.memory_space<vmem>>, vector<1x16xf32>,
        %swap3A_1541 = vector.shape_cast %swap3A_1540 : vector<1x16xf32> to vector<16xf32>
        %swap3A_1542 = vector.shape_cast %mul3A_1537 : vector<16xf32> to vector<1x16xf32>
        tpu.vector_store %arg8[%swap3A_1538, %swap3A_1539], %swap3A_1542 {strides = array<i32>} : memref<352x128xf32, #tpu.memory_space<vmem>>, vector<1x16xf32>,
        %get3A_1543 = arith.index_cast %add3A_1474 : i32 to index
        %get3A_1544 = arith.constant 96 : index
        %get3A_1545 = tpu.vector_load %arg8[%get3A_1543, %get3A_1544] {strides = array<i32>} : memref<352x128xf32, #tpu.memory_space<vmem>>, vector<1x16xf32>,
        %get3A_1546 = vector.shape_cast %get3A_1545 : vector<1x16xf32> to vector<16xf32>
        %mul3A_1547 = vector.broadcast %squeeze3A_1476 : f32 to vector<16xf32>
        %mul3A_1548 = arith.mulf %get3A_1546, %mul3A_1547 : vector<16xf32>
        %swap3A_1549 = arith.index_cast %add3A_1474 : i32 to index
        %swap3A_1550 = arith.constant 96 : index
        %swap3A_1551 = tpu.vector_load %arg8[%swap3A_1549, %swap3A_1550] {strides = array<i32>} : memref<352x128xf32, #tpu.memory_space<vmem>>, vector<1x16xf32>,
        %swap3A_1552 = vector.shape_cast %swap3A_1551 : vector<1x16xf32> to vector<16xf32>
        %swap3A_1553 = vector.shape_cast %mul3A_1548 : vector<16xf32> to vector<1x16xf32>
        tpu.vector_store %arg8[%swap3A_1549, %swap3A_1550], %swap3A_1553 {strides = array<i32>} : memref<352x128xf32, #tpu.memory_space<vmem>>, vector<1x16xf32>,
        %get3A_1554 = arith.index_cast %add3A_1474 : i32 to index
        %get3A_1555 = arith.constant 112 : index
        %get3A_1556 = tpu.vector_load %arg8[%get3A_1554, %get3A_1555] {strides = array<i32>} : memref<352x128xf32, #tpu.memory_space<vmem>>, vector<1x16xf32>,
        %get3A_1557 = vector.shape_cast %get3A_1556 : vector<1x16xf32> to vector<16xf32>
        %mul3A_1558 = vector.broadcast %squeeze3A_1476 : f32 to vector<16xf32>
        %mul3A_1559 = arith.mulf %get3A_1557, %mul3A_1558 : vector<16xf32>
        %swap3A_1560 = arith.index_cast %add3A_1474 : i32 to index
        %swap3A_1561 = arith.constant 112 : index
        %swap3A_1562 = tpu.vector_load %arg8[%swap3A_1560, %swap3A_1561] {strides = array<i32>} : memref<352x128xf32, #tpu.memory_space<vmem>>, vector<1x16xf32>,
        %swap3A_1563 = vector.shape_cast %swap3A_1562 : vector<1x16xf32> to vector<16xf32>
        %swap3A_1564 = vector.shape_cast %mul3A_1559 : vector<16xf32> to vector<1x16xf32>
        tpu.vector_store %arg8[%swap3A_1560, %swap3A_1561], %swap3A_1564 {strides = array<i32>} : memref<352x128xf32, #tpu.memory_space<vmem>>, vector<1x16xf32>,
        %scan3A_1565 = arith.constant 0 : i32
        scf.yield %scan3A_1565 : i32
      }
      %scan3A_56 = arith.constant 22 : i32
      "tpu.region"() ({
        %run_scoped3A = tpu.sem_alloc : memref<!tpu.dma_semaphore, #tpu.memory_space<semaphore_mem>>
        %dma_start3A_58 = arith.constant 352 : i32
        %dma_start3A_59 = tpu.memref_slice %arg9[%dma_start3A_58] : memref<704xi32, #tpu.memory_space<vmem>> -> memref<352xi32, #tpu.memory_space<vmem>>
        %dma_start3A_60 = arith.constant 0 : i32
        %dma_start3A_61 = arith.constant 0 : i32
        %dma_start3A_62 = tpu.memref_slice %arg7[%dma_start3A_60, %dma_start3A_61] : memref<10000x128xf32, #tpu.memory_space<vmem_shared>> -> memref<10000x128xf32, #tpu.memory_space<vmem_shared>>
        tpu.enqueue_indirect_dma source(%arg8 : memref<352x128xf32, #tpu.memory_space<vmem>>) target(%dma_start3A_62 : memref<10000x128xf32, #tpu.memory_space<vmem_shared>>) offsets(%dma_start3A_59 : memref<352xi32, #tpu.memory_space<vmem>>) semaphore(%run_scoped3A : memref<!tpu.dma_semaphore, #tpu.memory_space<semaphore_mem>>) {add = true}
        %dma_wait3A_63 = arith.constant 352 : i32
        %dma_wait3A_64 = tpu.memref_slice %arg9[%dma_wait3A_63] : memref<704xi32, #tpu.memory_space<vmem>> -> memref<352xi32, #tpu.memory_space<vmem>>
        %dma_wait3A_65 = arith.constant 0 : i32
        %dma_wait3A_66 = arith.constant 0 : i32
        %dma_wait3A_67 = tpu.memref_slice %arg7[%dma_wait3A_65, %dma_wait3A_66] : memref<10000x128xf32, #tpu.memory_space<vmem_shared>> -> memref<10000x128xf32, #tpu.memory_space<vmem_shared>>
        tpu.wait_indirect_dma semaphore(%run_scoped3A : memref<!tpu.dma_semaphore, #tpu.memory_space<semaphore_mem>>) src(%arg8 : memref<352x128xf32, #tpu.memory_space<vmem>>) dst(%dma_wait3A_67 : memref<10000x128xf32, #tpu.memory_space<vmem_shared>>)
        tpu.yield
      }) : () -> ()
      %scan3A_57 = arith.constant 0 : i32
      scf.yield %scan3A_57 : i32
    }
    %scan3A_19 = arith.constant 29 : i32
    %barrier3A_20 = arith.constant 0 : index
    tpu.barrier barrier_id(%barrier3A_20)
    %mul3A_21 = arith.constant 32 : i32
    %mul3A_22 = arith.muli %arg1, %mul3A_21 : i32
    %mul3A_23 = arith.constant 64 : i32
    %mul3A_24 = arith.muli %mul3A_22, %mul3A_23 : i32
    "tpu.region"() ({
      %run_scoped3A = tpu.sem_alloc : memref<!tpu.dma_semaphore, #tpu.memory_space<semaphore_mem>>
      %dma_start3A = tpu.memref_slice %arg5[%mul3A_24] : memref<32768xi32, #tpu.memory_space<hbm>> -> memref<2048xi32, #tpu.memory_space<hbm>>
      %dma_start3A_34 = tpu.memref_slice %arg5[%mul3A_24] : memref<32768xi32, #tpu.memory_space<hbm>> -> memref<2048xi32, #tpu.memory_space<hbm>>
      tpu.enqueue_dma source(%dma_start3A_34 : memref<2048xi32, #tpu.memory_space<hbm>>) target(%arg11 : memref<2048xi32, #tpu.memory_space<vmem>>) target_semaphore(%run_scoped3A : memref<!tpu.dma_semaphore, #tpu.memory_space<semaphore_mem>>)
      %dma_wait3A = tpu.memref_slice %arg5[%mul3A_24] : memref<32768xi32, #tpu.memory_space<hbm>> -> memref<2048xi32, #tpu.memory_space<hbm>>
      %dma_wait3A_35 = tpu.memref_slice %arg5[%mul3A_24] : memref<32768xi32, #tpu.memory_space<hbm>> -> memref<2048xi32, #tpu.memory_space<hbm>>
      tpu.wait_dma2 semaphore(%run_scoped3A : memref<!tpu.dma_semaphore, #tpu.memory_space<semaphore_mem>>) src(%dma_wait3A_35 : memref<2048xi32, #tpu.memory_space<hbm>>) dst(%arg11 : memref<2048xi32, #tpu.memory_space<vmem>>)
      tpu.yield
    }) : () -> ()
    %scan3A_25 = arith.constant 0 : i32
    %scan3A_26 = arith.constant 0 : i32
    %scan3A_27 = arith.constant 8 : i32
    %scan3A_28 = arith.addi %scan3A_26, %scan3A_27 : i32
    %scan3A_29 = arith.constant 1 : i32
    %scan3A_30 = scf.for %scan3A_34 = %scan3A_26 to %scan3A_28 step %scan3A_29 iter_args(%scan3A_35 = %scan3A_25) -> (i32)  : i32 {
      %mul3A_36 = arith.constant 256 : i32
      %mul3A_37 = arith.muli %scan3A_34, %mul3A_36 : i32
      %dma_start3A = arith.constant 0 : i32
      %dma_start3A_38 = arith.constant 0 : i32
      %dma_start3A_39 = tpu.memref_slice %arg8[%dma_start3A, %dma_start3A_38] : memref<352x128xf32, #tpu.memory_space<vmem>> -> memref<256x128xf32, #tpu.memory_space<vmem>>
      %dma_start3A_40 = tpu.memref_slice %arg11[%mul3A_37] : memref<2048xi32, #tpu.memory_space<vmem>> -> memref<256xi32, #tpu.memory_space<vmem>>
      %dma_start3A_41 = arith.constant 0 : i32
      %dma_start3A_42 = arith.constant 0 : i32
      %dma_start3A_43 = tpu.memref_slice %arg7[%dma_start3A_41, %dma_start3A_42] : memref<10000x128xf32, #tpu.memory_space<vmem_shared>> -> memref<10000x128xf32, #tpu.memory_space<vmem_shared>>
      tpu.enqueue_indirect_dma source(%dma_start3A_43 : memref<10000x128xf32, #tpu.memory_space<vmem_shared>>) target(%dma_start3A_39 : memref<256x128xf32, #tpu.memory_space<vmem>>) offsets(%dma_start3A_40 : memref<256xi32, #tpu.memory_space<vmem>>) semaphore(%arg12 : memref<!tpu.dma_semaphore, #tpu.memory_space<semaphore_mem>>)
      %dma_wait3A = arith.constant 0 : i32
      %dma_wait3A_44 = arith.constant 0 : i32
      %dma_wait3A_45 = tpu.memref_slice %arg8[%dma_wait3A, %dma_wait3A_44] : memref<352x128xf32, #tpu.memory_space<vmem>> -> memref<256x128xf32, #tpu.memory_space<vmem>>
      %dma_wait3A_46 = tpu.memref_slice %arg11[%mul3A_37] : memref<2048xi32, #tpu.memory_space<vmem>> -> memref<256xi32, #tpu.memory_space<vmem>>
      %dma_wait3A_47 = arith.constant 0 : i32
      %dma_wait3A_48 = arith.constant 0 : i32
      %dma_wait3A_49 = tpu.memref_slice %arg7[%dma_wait3A_47, %dma_wait3A_48] : memref<10000x128xf32, #tpu.memory_space<vmem_shared>> -> memref<10000x128xf32, #tpu.memory_space<vmem_shared>>
      tpu.wait_indirect_dma semaphore(%arg12 : memref<!tpu.dma_semaphore, #tpu.memory_space<semaphore_mem>>) src(%dma_wait3A_49 : memref<10000x128xf32, #tpu.memory_space<vmem_shared>>) dst(%dma_wait3A_45 : memref<256x128xf32, #tpu.memory_space<vmem>>)
      %broadcast_in_dim3A = arith.constant 0.000000e+00 : f32
      %broadcast_in_dim3A_50 = vector.broadcast %broadcast_in_dim3A : f32 to vector<16xf32>
      %broadcast_in_dim3A_51 = arith.constant 0.000000e+00 : f32
      %broadcast_in_dim3A_52 = vector.broadcast %broadcast_in_dim3A_51 : f32 to vector<16xf32>
      %broadcast_in_dim3A_53 = arith.constant 0.000000e+00 : f32
      %broadcast_in_dim3A_54 = vector.broadcast %broadcast_in_dim3A_53 : f32 to vector<16xf32>
      %broadcast_in_dim3A_55 = arith.constant 0.000000e+00 : f32
      %broadcast_in_dim3A_56 = vector.broadcast %broadcast_in_dim3A_55 : f32 to vector<16xf32>
      %broadcast_in_dim3A_57 = arith.constant 0.000000e+00 : f32
      %broadcast_in_dim3A_58 = vector.broadcast %broadcast_in_dim3A_57 : f32 to vector<16xf32>
      %broadcast_in_dim3A_59 = arith.constant 0.000000e+00 : f32
      %broadcast_in_dim3A_60 = vector.broadcast %broadcast_in_dim3A_59 : f32 to vector<16xf32>
      %broadcast_in_dim3A_61 = arith.constant 0.000000e+00 : f32
      %broadcast_in_dim3A_62 = vector.broadcast %broadcast_in_dim3A_61 : f32 to vector<16xf32>
      %broadcast_in_dim3A_63 = arith.constant 0.000000e+00 : f32
      %broadcast_in_dim3A_64 = vector.broadcast %broadcast_in_dim3A_63 : f32 to vector<16xf32>
      %scan3A_65 = arith.constant 0 : i32
      %scan3A_66 = arith.constant 64 : i32
      %scan3A_67 = arith.addi %scan3A_65, %scan3A_66 : i32
      %scan3A_68 = arith.constant 1 : i32
      %scan3A_69:8 = scf.for %scan3A_489 = %scan3A_65 to %scan3A_67 step %scan3A_68 iter_args(%scan3A_490 = %broadcast_in_dim3A_50, %scan3A_491 = %broadcast_in_dim3A_52, %scan3A_492 = %broadcast_in_dim3A_54, %scan3A_493 = %broadcast_in_dim3A_56, %scan3A_494 = %broadcast_in_dim3A_58, %scan3A_495 = %broadcast_in_dim3A_60, %scan3A_496 = %broadcast_in_dim3A_62, %scan3A_497 = %broadcast_in_dim3A_64) -> (vector<16xf32>, vector<16xf32>, vector<16xf32>, vector<16xf32>, vector<16xf32>, vector<16xf32>, vector<16xf32>, vector<16xf32>)  : i32 {
        %add3A_498 = arith.constant 0 : i32
        %add3A_499 = arith.addi %add3A_498, %scan3A_489 : i32
        %get3A = arith.index_cast %add3A_499 : i32 to index
        %get3A_500 = arith.constant 0 : index
        %get3A_501 = tpu.vector_load %arg8[%get3A, %get3A_500] {strides = array<i32>} : memref<352x128xf32, #tpu.memory_space<vmem>>, vector<1x16xf32>,
        %get3A_502 = vector.shape_cast %get3A_501 : vector<1x16xf32> to vector<16xf32>
        %add3A_503 = arith.addf %scan3A_490, %get3A_502 : vector<16xf32>
        %add3A_504 = arith.constant 0 : i32
        %add3A_505 = arith.addi %add3A_504, %scan3A_489 : i32
        %get3A_506 = arith.index_cast %add3A_505 : i32 to index
        %get3A_507 = arith.constant 16 : index
        %get3A_508 = tpu.vector_load %arg8[%get3A_506, %get3A_507] {strides = array<i32>} : memref<352x128xf32, #tpu.memory_space<vmem>>, vector<1x16xf32>,
        %get3A_509 = vector.shape_cast %get3A_508 : vector<1x16xf32> to vector<16xf32>
        %add3A_510 = arith.addf %scan3A_491, %get3A_509 : vector<16xf32>
        %add3A_511 = arith.constant 0 : i32
        %add3A_512 = arith.addi %add3A_511, %scan3A_489 : i32
        %get3A_513 = arith.index_cast %add3A_512 : i32 to index
        %get3A_514 = arith.constant 32 : index
        %get3A_515 = tpu.vector_load %arg8[%get3A_513, %get3A_514] {strides = array<i32>} : memref<352x128xf32, #tpu.memory_space<vmem>>, vector<1x16xf32>,
        %get3A_516 = vector.shape_cast %get3A_515 : vector<1x16xf32> to vector<16xf32>
        %add3A_517 = arith.addf %scan3A_492, %get3A_516 : vector<16xf32>
        %add3A_518 = arith.constant 0 : i32
        %add3A_519 = arith.addi %add3A_518, %scan3A_489 : i32
        %get3A_520 = arith.index_cast %add3A_519 : i32 to index
        %get3A_521 = arith.constant 48 : index
        %get3A_522 = tpu.vector_load %arg8[%get3A_520, %get3A_521] {strides = array<i32>} : memref<352x128xf32, #tpu.memory_space<vmem>>, vector<1x16xf32>,
        %get3A_523 = vector.shape_cast %get3A_522 : vector<1x16xf32> to vector<16xf32>
        %add3A_524 = arith.addf %scan3A_493, %get3A_523 : vector<16xf32>
        %add3A_525 = arith.constant 0 : i32
        %add3A_526 = arith.addi %add3A_525, %scan3A_489 : i32
        %get3A_527 = arith.index_cast %add3A_526 : i32 to index
        %get3A_528 = arith.constant 64 : index
        %get3A_529 = tpu.vector_load %arg8[%get3A_527, %get3A_528] {strides = array<i32>} : memref<352x128xf32, #tpu.memory_space<vmem>>, vector<1x16xf32>,
        %get3A_530 = vector.shape_cast %get3A_529 : vector<1x16xf32> to vector<16xf32>
        %add3A_531 = arith.addf %scan3A_494, %get3A_530 : vector<16xf32>
        %add3A_532 = arith.constant 0 : i32
        %add3A_533 = arith.addi %add3A_532, %scan3A_489 : i32
        %get3A_534 = arith.index_cast %add3A_533 : i32 to index
        %get3A_535 = arith.constant 80 : index
        %get3A_536 = tpu.vector_load %arg8[%get3A_534, %get3A_535] {strides = array<i32>} : memref<352x128xf32, #tpu.memory_space<vmem>>, vector<1x16xf32>,
        %get3A_537 = vector.shape_cast %get3A_536 : vector<1x16xf32> to vector<16xf32>
        %add3A_538 = arith.addf %scan3A_495, %get3A_537 : vector<16xf32>
        %add3A_539 = arith.constant 0 : i32
        %add3A_540 = arith.addi %add3A_539, %scan3A_489 : i32
        %get3A_541 = arith.index_cast %add3A_540 : i32 to index
        %get3A_542 = arith.constant 96 : index
        %get3A_543 = tpu.vector_load %arg8[%get3A_541, %get3A_542] {strides = array<i32>} : memref<352x128xf32, #tpu.memory_space<vmem>>, vector<1x16xf32>,
        %get3A_544 = vector.shape_cast %get3A_543 : vector<1x16xf32> to vector<16xf32>
        %add3A_545 = arith.addf %scan3A_496, %get3A_544 : vector<16xf32>
        %add3A_546 = arith.constant 0 : i32
        %add3A_547 = arith.addi %add3A_546, %scan3A_489 : i32
        %get3A_548 = arith.index_cast %add3A_547 : i32 to index
        %get3A_549 = arith.constant 112 : index
        %get3A_550 = tpu.vector_load %arg8[%get3A_548, %get3A_549] {strides = array<i32>} : memref<352x128xf32, #tpu.memory_space<vmem>>, vector<1x16xf32>,
        %get3A_551 = vector.shape_cast %get3A_550 : vector<1x16xf32> to vector<16xf32>
        %add3A_552 = arith.addf %scan3A_497, %get3A_551 : vector<16xf32>
        scf.yield %add3A_503, %add3A_510, %add3A_517, %add3A_524, %add3A_531, %add3A_538, %add3A_545, %add3A_552 : vector<16xf32>, vector<16xf32>, vector<16xf32>, vector<16xf32>, vector<16xf32>, vector<16xf32>, vector<16xf32>, vector<16xf32>
      }
      %scan3A_70 = arith.constant 64 : i32
      %mul3A_71 = arith.constant 4 : i32
      %mul3A_72 = arith.muli %scan3A_34, %mul3A_71 : i32
      %add3A_73 = arith.constant 256 : i32
      %add3A_74 = arith.addi %add3A_73, %mul3A_72 : i32
      %add3A_75 = arith.constant 0 : i32
      %add3A_76 = arith.addi %add3A_74, %add3A_75 : i32
      %swap3A = arith.index_cast %add3A_76 : i32 to index
      %swap3A_77 = arith.constant 0 : index
      %swap3A_78 = tpu.vector_load %arg8[%swap3A, %swap3A_77] {strides = array<i32>} : memref<352x128xf32, #tpu.memory_space<vmem>>, vector<1x16xf32>,
      %swap3A_79 = vector.shape_cast %swap3A_78 : vector<1x16xf32> to vector<16xf32>
      %swap3A_80 = vector.shape_cast %scan3A_69#0 : vector<16xf32> to vector<1x16xf32>
      tpu.vector_store %arg8[%swap3A, %swap3A_77], %swap3A_80 {strides = array<i32>} : memref<352x128xf32, #tpu.memory_space<vmem>>, vector<1x16xf32>,
      %mul3A_81 = arith.constant 4 : i32
      %mul3A_82 = arith.muli %scan3A_34, %mul3A_81 : i32
      %add3A_83 = arith.constant 256 : i32
      %add3A_84 = arith.addi %add3A_83, %mul3A_82 : i32
      %add3A_85 = arith.constant 0 : i32
      %add3A_86 = arith.addi %add3A_84, %add3A_85 : i32
      %swap3A_87 = arith.index_cast %add3A_86 : i32 to index
      %swap3A_88 = arith.constant 16 : index
      %swap3A_89 = tpu.vector_load %arg8[%swap3A_87, %swap3A_88] {strides = array<i32>} : memref<352x128xf32, #tpu.memory_space<vmem>>, vector<1x16xf32>,
      %swap3A_90 = vector.shape_cast %swap3A_89 : vector<1x16xf32> to vector<16xf32>
      %swap3A_91 = vector.shape_cast %scan3A_69#1 : vector<16xf32> to vector<1x16xf32>
      tpu.vector_store %arg8[%swap3A_87, %swap3A_88], %swap3A_91 {strides = array<i32>} : memref<352x128xf32, #tpu.memory_space<vmem>>, vector<1x16xf32>,
      %mul3A_92 = arith.constant 4 : i32
      %mul3A_93 = arith.muli %scan3A_34, %mul3A_92 : i32
      %add3A_94 = arith.constant 256 : i32
      %add3A_95 = arith.addi %add3A_94, %mul3A_93 : i32
      %add3A_96 = arith.constant 0 : i32
      %add3A_97 = arith.addi %add3A_95, %add3A_96 : i32
      %swap3A_98 = arith.index_cast %add3A_97 : i32 to index
      %swap3A_99 = arith.constant 32 : index
      %swap3A_100 = tpu.vector_load %arg8[%swap3A_98, %swap3A_99] {strides = array<i32>} : memref<352x128xf32, #tpu.memory_space<vmem>>, vector<1x16xf32>,
      %swap3A_101 = vector.shape_cast %swap3A_100 : vector<1x16xf32> to vector<16xf32>
      %swap3A_102 = vector.shape_cast %scan3A_69#2 : vector<16xf32> to vector<1x16xf32>
      tpu.vector_store %arg8[%swap3A_98, %swap3A_99], %swap3A_102 {strides = array<i32>} : memref<352x128xf32, #tpu.memory_space<vmem>>, vector<1x16xf32>,
      %mul3A_103 = arith.constant 4 : i32
      %mul3A_104 = arith.muli %scan3A_34, %mul3A_103 : i32
      %add3A_105 = arith.constant 256 : i32
      %add3A_106 = arith.addi %add3A_105, %mul3A_104 : i32
      %add3A_107 = arith.constant 0 : i32
      %add3A_108 = arith.addi %add3A_106, %add3A_107 : i32
      %swap3A_109 = arith.index_cast %add3A_108 : i32 to index
      %swap3A_110 = arith.constant 48 : index
      %swap3A_111 = tpu.vector_load %arg8[%swap3A_109, %swap3A_110] {strides = array<i32>} : memref<352x128xf32, #tpu.memory_space<vmem>>, vector<1x16xf32>,
      %swap3A_112 = vector.shape_cast %swap3A_111 : vector<1x16xf32> to vector<16xf32>
      %swap3A_113 = vector.shape_cast %scan3A_69#3 : vector<16xf32> to vector<1x16xf32>
      tpu.vector_store %arg8[%swap3A_109, %swap3A_110], %swap3A_113 {strides = array<i32>} : memref<352x128xf32, #tpu.memory_space<vmem>>, vector<1x16xf32>,
      %mul3A_114 = arith.constant 4 : i32
      %mul3A_115 = arith.muli %scan3A_34, %mul3A_114 : i32
      %add3A_116 = arith.constant 256 : i32
      %add3A_117 = arith.addi %add3A_116, %mul3A_115 : i32
      %add3A_118 = arith.constant 0 : i32
      %add3A_119 = arith.addi %add3A_117, %add3A_118 : i32
      %swap3A_120 = arith.index_cast %add3A_119 : i32 to index
      %swap3A_121 = arith.constant 64 : index
      %swap3A_122 = tpu.vector_load %arg8[%swap3A_120, %swap3A_121] {strides = array<i32>} : memref<352x128xf32, #tpu.memory_space<vmem>>, vector<1x16xf32>,
      %swap3A_123 = vector.shape_cast %swap3A_122 : vector<1x16xf32> to vector<16xf32>
      %swap3A_124 = vector.shape_cast %scan3A_69#4 : vector<16xf32> to vector<1x16xf32>
      tpu.vector_store %arg8[%swap3A_120, %swap3A_121], %swap3A_124 {strides = array<i32>} : memref<352x128xf32, #tpu.memory_space<vmem>>, vector<1x16xf32>,
      %mul3A_125 = arith.constant 4 : i32
      %mul3A_126 = arith.muli %scan3A_34, %mul3A_125 : i32
      %add3A_127 = arith.constant 256 : i32
      %add3A_128 = arith.addi %add3A_127, %mul3A_126 : i32
      %add3A_129 = arith.constant 0 : i32
      %add3A_130 = arith.addi %add3A_128, %add3A_129 : i32
      %swap3A_131 = arith.index_cast %add3A_130 : i32 to index
      %swap3A_132 = arith.constant 80 : index
      %swap3A_133 = tpu.vector_load %arg8[%swap3A_131, %swap3A_132] {strides = array<i32>} : memref<352x128xf32, #tpu.memory_space<vmem>>, vector<1x16xf32>,
      %swap3A_134 = vector.shape_cast %swap3A_133 : vector<1x16xf32> to vector<16xf32>
      %swap3A_135 = vector.shape_cast %scan3A_69#5 : vector<16xf32> to vector<1x16xf32>
      tpu.vector_store %arg8[%swap3A_131, %swap3A_132], %swap3A_135 {strides = array<i32>} : memref<352x128xf32, #tpu.memory_space<vmem>>, vector<1x16xf32>,
      %mul3A_136 = arith.constant 4 : i32
      %mul3A_137 = arith.muli %scan3A_34, %mul3A_136 : i32
      %add3A_138 = arith.constant 256 : i32
      %add3A_139 = arith.addi %add3A_138, %mul3A_137 : i32
      %add3A_140 = arith.constant 0 : i32
      %add3A_141 = arith.addi %add3A_139, %add3A_140 : i32
      %swap3A_142 = arith.index_cast %add3A_141 : i32 to index
      %swap3A_143 = arith.constant 96 : index
      %swap3A_144 = tpu.vector_load %arg8[%swap3A_142, %swap3A_143] {strides = array<i32>} : memref<352x128xf32, #tpu.memory_space<vmem>>, vector<1x16xf32>,
      %swap3A_145 = vector.shape_cast %swap3A_144 : vector<1x16xf32> to vector<16xf32>
      %swap3A_146 = vector.shape_cast %scan3A_69#6 : vector<16xf32> to vector<1x16xf32>
      tpu.vector_store %arg8[%swap3A_142, %swap3A_143], %swap3A_146 {strides = array<i32>} : memref<352x128xf32, #tpu.memory_space<vmem>>, vector<1x16xf32>,
      %mul3A_147 = arith.constant 4 : i32
      %mul3A_148 = arith.muli %scan3A_34, %mul3A_147 : i32
      %add3A_149 = arith.constant 256 : i32
      %add3A_150 = arith.addi %add3A_149, %mul3A_148 : i32
      %add3A_151 = arith.constant 0 : i32
      %add3A_152 = arith.addi %add3A_150, %add3A_151 : i32
      %swap3A_153 = arith.index_cast %add3A_152 : i32 to index
      %swap3A_154 = arith.constant 112 : index
      %swap3A_155 = tpu.vector_load %arg8[%swap3A_153, %swap3A_154] {strides = array<i32>} : memref<352x128xf32, #tpu.memory_space<vmem>>, vector<1x16xf32>,
      %swap3A_156 = vector.shape_cast %swap3A_155 : vector<1x16xf32> to vector<16xf32>
      %swap3A_157 = vector.shape_cast %scan3A_69#7 : vector<16xf32> to vector<1x16xf32>
      tpu.vector_store %arg8[%swap3A_153, %swap3A_154], %swap3A_157 {strides = array<i32>} : memref<352x128xf32, #tpu.memory_space<vmem>>, vector<1x16xf32>,
      %broadcast_in_dim3A_158 = arith.constant 0.000000e+00 : f32
      %broadcast_in_dim3A_159 = vector.broadcast %broadcast_in_dim3A_158 : f32 to vector<16xf32>
      %broadcast_in_dim3A_160 = arith.constant 0.000000e+00 : f32
      %broadcast_in_dim3A_161 = vector.broadcast %broadcast_in_dim3A_160 : f32 to vector<16xf32>
      %broadcast_in_dim3A_162 = arith.constant 0.000000e+00 : f32
      %broadcast_in_dim3A_163 = vector.broadcast %broadcast_in_dim3A_162 : f32 to vector<16xf32>
      %broadcast_in_dim3A_164 = arith.constant 0.000000e+00 : f32
      %broadcast_in_dim3A_165 = vector.broadcast %broadcast_in_dim3A_164 : f32 to vector<16xf32>
      %broadcast_in_dim3A_166 = arith.constant 0.000000e+00 : f32
      %broadcast_in_dim3A_167 = vector.broadcast %broadcast_in_dim3A_166 : f32 to vector<16xf32>
      %broadcast_in_dim3A_168 = arith.constant 0.000000e+00 : f32
      %broadcast_in_dim3A_169 = vector.broadcast %broadcast_in_dim3A_168 : f32 to vector<16xf32>
      %broadcast_in_dim3A_170 = arith.constant 0.000000e+00 : f32
      %broadcast_in_dim3A_171 = vector.broadcast %broadcast_in_dim3A_170 : f32 to vector<16xf32>
      %broadcast_in_dim3A_172 = arith.constant 0.000000e+00 : f32
      %broadcast_in_dim3A_173 = vector.broadcast %broadcast_in_dim3A_172 : f32 to vector<16xf32>
      %scan3A_174 = arith.constant 0 : i32
      %scan3A_175 = arith.constant 64 : i32
      %scan3A_176 = arith.addi %scan3A_174, %scan3A_175 : i32
      %scan3A_177 = arith.constant 1 : i32
      %scan3A_178:8 = scf.for %scan3A_489 = %scan3A_174 to %scan3A_176 step %scan3A_177 iter_args(%scan3A_490 = %broadcast_in_dim3A_159, %scan3A_491 = %broadcast_in_dim3A_161, %scan3A_492 = %broadcast_in_dim3A_163, %scan3A_493 = %broadcast_in_dim3A_165, %scan3A_494 = %broadcast_in_dim3A_167, %scan3A_495 = %broadcast_in_dim3A_169, %scan3A_496 = %broadcast_in_dim3A_171, %scan3A_497 = %broadcast_in_dim3A_173) -> (vector<16xf32>, vector<16xf32>, vector<16xf32>, vector<16xf32>, vector<16xf32>, vector<16xf32>, vector<16xf32>, vector<16xf32>)  : i32 {
        %add3A_498 = arith.constant 64 : i32
        %add3A_499 = arith.addi %add3A_498, %scan3A_489 : i32
        %get3A = arith.index_cast %add3A_499 : i32 to index
        %get3A_500 = arith.constant 0 : index
        %get3A_501 = tpu.vector_load %arg8[%get3A, %get3A_500] {strides = array<i32>} : memref<352x128xf32, #tpu.memory_space<vmem>>, vector<1x16xf32>,
        %get3A_502 = vector.shape_cast %get3A_501 : vector<1x16xf32> to vector<16xf32>
        %add3A_503 = arith.addf %scan3A_490, %get3A_502 : vector<16xf32>
        %add3A_504 = arith.constant 64 : i32
        %add3A_505 = arith.addi %add3A_504, %scan3A_489 : i32
        %get3A_506 = arith.index_cast %add3A_505 : i32 to index
        %get3A_507 = arith.constant 16 : index
        %get3A_508 = tpu.vector_load %arg8[%get3A_506, %get3A_507] {strides = array<i32>} : memref<352x128xf32, #tpu.memory_space<vmem>>, vector<1x16xf32>,
        %get3A_509 = vector.shape_cast %get3A_508 : vector<1x16xf32> to vector<16xf32>
        %add3A_510 = arith.addf %scan3A_491, %get3A_509 : vector<16xf32>
        %add3A_511 = arith.constant 64 : i32
        %add3A_512 = arith.addi %add3A_511, %scan3A_489 : i32
        %get3A_513 = arith.index_cast %add3A_512 : i32 to index
        %get3A_514 = arith.constant 32 : index
        %get3A_515 = tpu.vector_load %arg8[%get3A_513, %get3A_514] {strides = array<i32>} : memref<352x128xf32, #tpu.memory_space<vmem>>, vector<1x16xf32>,
        %get3A_516 = vector.shape_cast %get3A_515 : vector<1x16xf32> to vector<16xf32>
        %add3A_517 = arith.addf %scan3A_492, %get3A_516 : vector<16xf32>
        %add3A_518 = arith.constant 64 : i32
        %add3A_519 = arith.addi %add3A_518, %scan3A_489 : i32
        %get3A_520 = arith.index_cast %add3A_519 : i32 to index
        %get3A_521 = arith.constant 48 : index
        %get3A_522 = tpu.vector_load %arg8[%get3A_520, %get3A_521] {strides = array<i32>} : memref<352x128xf32, #tpu.memory_space<vmem>>, vector<1x16xf32>,
        %get3A_523 = vector.shape_cast %get3A_522 : vector<1x16xf32> to vector<16xf32>
        %add3A_524 = arith.addf %scan3A_493, %get3A_523 : vector<16xf32>
        %add3A_525 = arith.constant 64 : i32
        %add3A_526 = arith.addi %add3A_525, %scan3A_489 : i32
        %get3A_527 = arith.index_cast %add3A_526 : i32 to index
        %get3A_528 = arith.constant 64 : index
        %get3A_529 = tpu.vector_load %arg8[%get3A_527, %get3A_528] {strides = array<i32>} : memref<352x128xf32, #tpu.memory_space<vmem>>, vector<1x16xf32>,
        %get3A_530 = vector.shape_cast %get3A_529 : vector<1x16xf32> to vector<16xf32>
        %add3A_531 = arith.addf %scan3A_494, %get3A_530 : vector<16xf32>
        %add3A_532 = arith.constant 64 : i32
        %add3A_533 = arith.addi %add3A_532, %scan3A_489 : i32
        %get3A_534 = arith.index_cast %add3A_533 : i32 to index
        %get3A_535 = arith.constant 80 : index
        %get3A_536 = tpu.vector_load %arg8[%get3A_534, %get3A_535] {strides = array<i32>} : memref<352x128xf32, #tpu.memory_space<vmem>>, vector<1x16xf32>,
        %get3A_537 = vector.shape_cast %get3A_536 : vector<1x16xf32> to vector<16xf32>
        %add3A_538 = arith.addf %scan3A_495, %get3A_537 : vector<16xf32>
        %add3A_539 = arith.constant 64 : i32
        %add3A_540 = arith.addi %add3A_539, %scan3A_489 : i32
        %get3A_541 = arith.index_cast %add3A_540 : i32 to index
        %get3A_542 = arith.constant 96 : index
        %get3A_543 = tpu.vector_load %arg8[%get3A_541, %get3A_542] {strides = array<i32>} : memref<352x128xf32, #tpu.memory_space<vmem>>, vector<1x16xf32>,
        %get3A_544 = vector.shape_cast %get3A_543 : vector<1x16xf32> to vector<16xf32>
        %add3A_545 = arith.addf %scan3A_496, %get3A_544 : vector<16xf32>
        %add3A_546 = arith.constant 64 : i32
        %add3A_547 = arith.addi %add3A_546, %scan3A_489 : i32
        %get3A_548 = arith.index_cast %add3A_547 : i32 to index
        %get3A_549 = arith.constant 112 : index
        %get3A_550 = tpu.vector_load %arg8[%get3A_548, %get3A_549] {strides = array<i32>} : memref<352x128xf32, #tpu.memory_space<vmem>>, vector<1x16xf32>,
        %get3A_551 = vector.shape_cast %get3A_550 : vector<1x16xf32> to vector<16xf32>
        %add3A_552 = arith.addf %scan3A_497, %get3A_551 : vector<16xf32>
        scf.yield %add3A_503, %add3A_510, %add3A_517, %add3A_524, %add3A_531, %add3A_538, %add3A_545, %add3A_552 : vector<16xf32>, vector<16xf32>, vector<16xf32>, vector<16xf32>, vector<16xf32>, vector<16xf32>, vector<16xf32>, vector<16xf32>
      }
      %scan3A_179 = arith.constant 64 : i32
      %mul3A_180 = arith.constant 4 : i32
      %mul3A_181 = arith.muli %scan3A_34, %mul3A_180 : i32
      %add3A_182 = arith.constant 256 : i32
      %add3A_183 = arith.addi %add3A_182, %mul3A_181 : i32
      %add3A_184 = arith.constant 1 : i32
      %add3A_185 = arith.addi %add3A_183, %add3A_184 : i32
      %swap3A_186 = arith.index_cast %add3A_185 : i32 to index
      %swap3A_187 = arith.constant 0 : index
      %swap3A_188 = tpu.vector_load %arg8[%swap3A_186, %swap3A_187] {strides = array<i32>} : memref<352x128xf32, #tpu.memory_space<vmem>>, vector<1x16xf32>,
      %swap3A_189 = vector.shape_cast %swap3A_188 : vector<1x16xf32> to vector<16xf32>
      %swap3A_190 = vector.shape_cast %scan3A_178#0 : vector<16xf32> to vector<1x16xf32>
      tpu.vector_store %arg8[%swap3A_186, %swap3A_187], %swap3A_190 {strides = array<i32>} : memref<352x128xf32, #tpu.memory_space<vmem>>, vector<1x16xf32>,
      %mul3A_191 = arith.constant 4 : i32
      %mul3A_192 = arith.muli %scan3A_34, %mul3A_191 : i32
      %add3A_193 = arith.constant 256 : i32
      %add3A_194 = arith.addi %add3A_193, %mul3A_192 : i32
      %add3A_195 = arith.constant 1 : i32
      %add3A_196 = arith.addi %add3A_194, %add3A_195 : i32
      %swap3A_197 = arith.index_cast %add3A_196 : i32 to index
      %swap3A_198 = arith.constant 16 : index
      %swap3A_199 = tpu.vector_load %arg8[%swap3A_197, %swap3A_198] {strides = array<i32>} : memref<352x128xf32, #tpu.memory_space<vmem>>, vector<1x16xf32>,
      %swap3A_200 = vector.shape_cast %swap3A_199 : vector<1x16xf32> to vector<16xf32>
      %swap3A_201 = vector.shape_cast %scan3A_178#1 : vector<16xf32> to vector<1x16xf32>
      tpu.vector_store %arg8[%swap3A_197, %swap3A_198], %swap3A_201 {strides = array<i32>} : memref<352x128xf32, #tpu.memory_space<vmem>>, vector<1x16xf32>,
      %mul3A_202 = arith.constant 4 : i32
      %mul3A_203 = arith.muli %scan3A_34, %mul3A_202 : i32
      %add3A_204 = arith.constant 256 : i32
      %add3A_205 = arith.addi %add3A_204, %mul3A_203 : i32
      %add3A_206 = arith.constant 1 : i32
      %add3A_207 = arith.addi %add3A_205, %add3A_206 : i32
      %swap3A_208 = arith.index_cast %add3A_207 : i32 to index
      %swap3A_209 = arith.constant 32 : index
      %swap3A_210 = tpu.vector_load %arg8[%swap3A_208, %swap3A_209] {strides = array<i32>} : memref<352x128xf32, #tpu.memory_space<vmem>>, vector<1x16xf32>,
      %swap3A_211 = vector.shape_cast %swap3A_210 : vector<1x16xf32> to vector<16xf32>
      %swap3A_212 = vector.shape_cast %scan3A_178#2 : vector<16xf32> to vector<1x16xf32>
      tpu.vector_store %arg8[%swap3A_208, %swap3A_209], %swap3A_212 {strides = array<i32>} : memref<352x128xf32, #tpu.memory_space<vmem>>, vector<1x16xf32>,
      %mul3A_213 = arith.constant 4 : i32
      %mul3A_214 = arith.muli %scan3A_34, %mul3A_213 : i32
      %add3A_215 = arith.constant 256 : i32
      %add3A_216 = arith.addi %add3A_215, %mul3A_214 : i32
      %add3A_217 = arith.constant 1 : i32
      %add3A_218 = arith.addi %add3A_216, %add3A_217 : i32
      %swap3A_219 = arith.index_cast %add3A_218 : i32 to index
      %swap3A_220 = arith.constant 48 : index
      %swap3A_221 = tpu.vector_load %arg8[%swap3A_219, %swap3A_220] {strides = array<i32>} : memref<352x128xf32, #tpu.memory_space<vmem>>, vector<1x16xf32>,
      %swap3A_222 = vector.shape_cast %swap3A_221 : vector<1x16xf32> to vector<16xf32>
      %swap3A_223 = vector.shape_cast %scan3A_178#3 : vector<16xf32> to vector<1x16xf32>
      tpu.vector_store %arg8[%swap3A_219, %swap3A_220], %swap3A_223 {strides = array<i32>} : memref<352x128xf32, #tpu.memory_space<vmem>>, vector<1x16xf32>,
      %mul3A_224 = arith.constant 4 : i32
      %mul3A_225 = arith.muli %scan3A_34, %mul3A_224 : i32
      %add3A_226 = arith.constant 256 : i32
      %add3A_227 = arith.addi %add3A_226, %mul3A_225 : i32
      %add3A_228 = arith.constant 1 : i32
      %add3A_229 = arith.addi %add3A_227, %add3A_228 : i32
      %swap3A_230 = arith.index_cast %add3A_229 : i32 to index
      %swap3A_231 = arith.constant 64 : index
      %swap3A_232 = tpu.vector_load %arg8[%swap3A_230, %swap3A_231] {strides = array<i32>} : memref<352x128xf32, #tpu.memory_space<vmem>>, vector<1x16xf32>,
      %swap3A_233 = vector.shape_cast %swap3A_232 : vector<1x16xf32> to vector<16xf32>
      %swap3A_234 = vector.shape_cast %scan3A_178#4 : vector<16xf32> to vector<1x16xf32>
      tpu.vector_store %arg8[%swap3A_230, %swap3A_231], %swap3A_234 {strides = array<i32>} : memref<352x128xf32, #tpu.memory_space<vmem>>, vector<1x16xf32>,
      %mul3A_235 = arith.constant 4 : i32
      %mul3A_236 = arith.muli %scan3A_34, %mul3A_235 : i32
      %add3A_237 = arith.constant 256 : i32
      %add3A_238 = arith.addi %add3A_237, %mul3A_236 : i32
      %add3A_239 = arith.constant 1 : i32
      %add3A_240 = arith.addi %add3A_238, %add3A_239 : i32
      %swap3A_241 = arith.index_cast %add3A_240 : i32 to index
      %swap3A_242 = arith.constant 80 : index
      %swap3A_243 = tpu.vector_load %arg8[%swap3A_241, %swap3A_242] {strides = array<i32>} : memref<352x128xf32, #tpu.memory_space<vmem>>, vector<1x16xf32>,
      %swap3A_244 = vector.shape_cast %swap3A_243 : vector<1x16xf32> to vector<16xf32>
      %swap3A_245 = vector.shape_cast %scan3A_178#5 : vector<16xf32> to vector<1x16xf32>
      tpu.vector_store %arg8[%swap3A_241, %swap3A_242], %swap3A_245 {strides = array<i32>} : memref<352x128xf32, #tpu.memory_space<vmem>>, vector<1x16xf32>,
      %mul3A_246 = arith.constant 4 : i32
      %mul3A_247 = arith.muli %scan3A_34, %mul3A_246 : i32
      %add3A_248 = arith.constant 256 : i32
      %add3A_249 = arith.addi %add3A_248, %mul3A_247 : i32
      %add3A_250 = arith.constant 1 : i32
      %add3A_251 = arith.addi %add3A_249, %add3A_250 : i32
      %swap3A_252 = arith.index_cast %add3A_251 : i32 to index
      %swap3A_253 = arith.constant 96 : index
      %swap3A_254 = tpu.vector_load %arg8[%swap3A_252, %swap3A_253] {strides = array<i32>} : memref<352x128xf32, #tpu.memory_space<vmem>>, vector<1x16xf32>,
      %swap3A_255 = vector.shape_cast %swap3A_254 : vector<1x16xf32> to vector<16xf32>
      %swap3A_256 = vector.shape_cast %scan3A_178#6 : vector<16xf32> to vector<1x16xf32>
      tpu.vector_store %arg8[%swap3A_252, %swap3A_253], %swap3A_256 {strides = array<i32>} : memref<352x128xf32, #tpu.memory_space<vmem>>, vector<1x16xf32>,
      %mul3A_257 = arith.constant 4 : i32
      %mul3A_258 = arith.muli %scan3A_34, %mul3A_257 : i32
      %add3A_259 = arith.constant 256 : i32
      %add3A_260 = arith.addi %add3A_259, %mul3A_258 : i32
      %add3A_261 = arith.constant 1 : i32
      %add3A_262 = arith.addi %add3A_260, %add3A_261 : i32
      %swap3A_263 = arith.index_cast %add3A_262 : i32 to index
      %swap3A_264 = arith.constant 112 : index
      %swap3A_265 = tpu.vector_load %arg8[%swap3A_263, %swap3A_264] {strides = array<i32>} : memref<352x128xf32, #tpu.memory_space<vmem>>, vector<1x16xf32>,
      %swap3A_266 = vector.shape_cast %swap3A_265 : vector<1x16xf32> to vector<16xf32>
      %swap3A_267 = vector.shape_cast %scan3A_178#7 : vector<16xf32> to vector<1x16xf32>
      tpu.vector_store %arg8[%swap3A_263, %swap3A_264], %swap3A_267 {strides = array<i32>} : memref<352x128xf32, #tpu.memory_space<vmem>>, vector<1x16xf32>,
      %broadcast_in_dim3A_268 = arith.constant 0.000000e+00 : f32
      %broadcast_in_dim3A_269 = vector.broadcast %broadcast_in_dim3A_268 : f32 to vector<16xf32>
      %broadcast_in_dim3A_270 = arith.constant 0.000000e+00 : f32
      %broadcast_in_dim3A_271 = vector.broadcast %broadcast_in_dim3A_270 : f32 to vector<16xf32>
      %broadcast_in_dim3A_272 = arith.constant 0.000000e+00 : f32
      %broadcast_in_dim3A_273 = vector.broadcast %broadcast_in_dim3A_272 : f32 to vector<16xf32>
      %broadcast_in_dim3A_274 = arith.constant 0.000000e+00 : f32
      %broadcast_in_dim3A_275 = vector.broadcast %broadcast_in_dim3A_274 : f32 to vector<16xf32>
      %broadcast_in_dim3A_276 = arith.constant 0.000000e+00 : f32
      %broadcast_in_dim3A_277 = vector.broadcast %broadcast_in_dim3A_276 : f32 to vector<16xf32>
      %broadcast_in_dim3A_278 = arith.constant 0.000000e+00 : f32
      %broadcast_in_dim3A_279 = vector.broadcast %broadcast_in_dim3A_278 : f32 to vector<16xf32>
      %broadcast_in_dim3A_280 = arith.constant 0.000000e+00 : f32
      %broadcast_in_dim3A_281 = vector.broadcast %broadcast_in_dim3A_280 : f32 to vector<16xf32>
      %broadcast_in_dim3A_282 = arith.constant 0.000000e+00 : f32
      %broadcast_in_dim3A_283 = vector.broadcast %broadcast_in_dim3A_282 : f32 to vector<16xf32>
      %scan3A_284 = arith.constant 0 : i32
      %scan3A_285 = arith.constant 64 : i32
      %scan3A_286 = arith.addi %scan3A_284, %scan3A_285 : i32
      %scan3A_287 = arith.constant 1 : i32
      %scan3A_288:8 = scf.for %scan3A_489 = %scan3A_284 to %scan3A_286 step %scan3A_287 iter_args(%scan3A_490 = %broadcast_in_dim3A_269, %scan3A_491 = %broadcast_in_dim3A_271, %scan3A_492 = %broadcast_in_dim3A_273, %scan3A_493 = %broadcast_in_dim3A_275, %scan3A_494 = %broadcast_in_dim3A_277, %scan3A_495 = %broadcast_in_dim3A_279, %scan3A_496 = %broadcast_in_dim3A_281, %scan3A_497 = %broadcast_in_dim3A_283) -> (vector<16xf32>, vector<16xf32>, vector<16xf32>, vector<16xf32>, vector<16xf32>, vector<16xf32>, vector<16xf32>, vector<16xf32>)  : i32 {
        %add3A_498 = arith.constant 128 : i32
        %add3A_499 = arith.addi %add3A_498, %scan3A_489 : i32
        %get3A = arith.index_cast %add3A_499 : i32 to index
        %get3A_500 = arith.constant 0 : index
        %get3A_501 = tpu.vector_load %arg8[%get3A, %get3A_500] {strides = array<i32>} : memref<352x128xf32, #tpu.memory_space<vmem>>, vector<1x16xf32>,
        %get3A_502 = vector.shape_cast %get3A_501 : vector<1x16xf32> to vector<16xf32>
        %add3A_503 = arith.addf %scan3A_490, %get3A_502 : vector<16xf32>
        %add3A_504 = arith.constant 128 : i32
        %add3A_505 = arith.addi %add3A_504, %scan3A_489 : i32
        %get3A_506 = arith.index_cast %add3A_505 : i32 to index
        %get3A_507 = arith.constant 16 : index
        %get3A_508 = tpu.vector_load %arg8[%get3A_506, %get3A_507] {strides = array<i32>} : memref<352x128xf32, #tpu.memory_space<vmem>>, vector<1x16xf32>,
        %get3A_509 = vector.shape_cast %get3A_508 : vector<1x16xf32> to vector<16xf32>
        %add3A_510 = arith.addf %scan3A_491, %get3A_509 : vector<16xf32>
        %add3A_511 = arith.constant 128 : i32
        %add3A_512 = arith.addi %add3A_511, %scan3A_489 : i32
        %get3A_513 = arith.index_cast %add3A_512 : i32 to index
        %get3A_514 = arith.constant 32 : index
        %get3A_515 = tpu.vector_load %arg8[%get3A_513, %get3A_514] {strides = array<i32>} : memref<352x128xf32, #tpu.memory_space<vmem>>, vector<1x16xf32>,
        %get3A_516 = vector.shape_cast %get3A_515 : vector<1x16xf32> to vector<16xf32>
        %add3A_517 = arith.addf %scan3A_492, %get3A_516 : vector<16xf32>
        %add3A_518 = arith.constant 128 : i32
        %add3A_519 = arith.addi %add3A_518, %scan3A_489 : i32
        %get3A_520 = arith.index_cast %add3A_519 : i32 to index
        %get3A_521 = arith.constant 48 : index
        %get3A_522 = tpu.vector_load %arg8[%get3A_520, %get3A_521] {strides = array<i32>} : memref<352x128xf32, #tpu.memory_space<vmem>>, vector<1x16xf32>,
        %get3A_523 = vector.shape_cast %get3A_522 : vector<1x16xf32> to vector<16xf32>
        %add3A_524 = arith.addf %scan3A_493, %get3A_523 : vector<16xf32>
        %add3A_525 = arith.constant 128 : i32
        %add3A_526 = arith.addi %add3A_525, %scan3A_489 : i32
        %get3A_527 = arith.index_cast %add3A_526 : i32 to index
        %get3A_528 = arith.constant 64 : index
        %get3A_529 = tpu.vector_load %arg8[%get3A_527, %get3A_528] {strides = array<i32>} : memref<352x128xf32, #tpu.memory_space<vmem>>, vector<1x16xf32>,
        %get3A_530 = vector.shape_cast %get3A_529 : vector<1x16xf32> to vector<16xf32>
        %add3A_531 = arith.addf %scan3A_494, %get3A_530 : vector<16xf32>
        %add3A_532 = arith.constant 128 : i32
        %add3A_533 = arith.addi %add3A_532, %scan3A_489 : i32
        %get3A_534 = arith.index_cast %add3A_533 : i32 to index
        %get3A_535 = arith.constant 80 : index
        %get3A_536 = tpu.vector_load %arg8[%get3A_534, %get3A_535] {strides = array<i32>} : memref<352x128xf32, #tpu.memory_space<vmem>>, vector<1x16xf32>,
        %get3A_537 = vector.shape_cast %get3A_536 : vector<1x16xf32> to vector<16xf32>
        %add3A_538 = arith.addf %scan3A_495, %get3A_537 : vector<16xf32>
        %add3A_539 = arith.constant 128 : i32
        %add3A_540 = arith.addi %add3A_539, %scan3A_489 : i32
        %get3A_541 = arith.index_cast %add3A_540 : i32 to index
        %get3A_542 = arith.constant 96 : index
        %get3A_543 = tpu.vector_load %arg8[%get3A_541, %get3A_542] {strides = array<i32>} : memref<352x128xf32, #tpu.memory_space<vmem>>, vector<1x16xf32>,
        %get3A_544 = vector.shape_cast %get3A_543 : vector<1x16xf32> to vector<16xf32>
        %add3A_545 = arith.addf %scan3A_496, %get3A_544 : vector<16xf32>
        %add3A_546 = arith.constant 128 : i32
        %add3A_547 = arith.addi %add3A_546, %scan3A_489 : i32
        %get3A_548 = arith.index_cast %add3A_547 : i32 to index
        %get3A_549 = arith.constant 112 : index
        %get3A_550 = tpu.vector_load %arg8[%get3A_548, %get3A_549] {strides = array<i32>} : memref<352x128xf32, #tpu.memory_space<vmem>>, vector<1x16xf32>,
        %get3A_551 = vector.shape_cast %get3A_550 : vector<1x16xf32> to vector<16xf32>
        %add3A_552 = arith.addf %scan3A_497, %get3A_551 : vector<16xf32>
        scf.yield %add3A_503, %add3A_510, %add3A_517, %add3A_524, %add3A_531, %add3A_538, %add3A_545, %add3A_552 : vector<16xf32>, vector<16xf32>, vector<16xf32>, vector<16xf32>, vector<16xf32>, vector<16xf32>, vector<16xf32>, vector<16xf32>
      }
      %scan3A_289 = arith.constant 64 : i32
      %mul3A_290 = arith.constant 4 : i32
      %mul3A_291 = arith.muli %scan3A_34, %mul3A_290 : i32
      %add3A_292 = arith.constant 256 : i32
      %add3A_293 = arith.addi %add3A_292, %mul3A_291 : i32
      %add3A_294 = arith.constant 2 : i32
      %add3A_295 = arith.addi %add3A_293, %add3A_294 : i32
      %swap3A_296 = arith.index_cast %add3A_295 : i32 to index
      %swap3A_297 = arith.constant 0 : index
      %swap3A_298 = tpu.vector_load %arg8[%swap3A_296, %swap3A_297] {strides = array<i32>} : memref<352x128xf32, #tpu.memory_space<vmem>>, vector<1x16xf32>,
      %swap3A_299 = vector.shape_cast %swap3A_298 : vector<1x16xf32> to vector<16xf32>
      %swap3A_300 = vector.shape_cast %scan3A_288#0 : vector<16xf32> to vector<1x16xf32>
      tpu.vector_store %arg8[%swap3A_296, %swap3A_297], %swap3A_300 {strides = array<i32>} : memref<352x128xf32, #tpu.memory_space<vmem>>, vector<1x16xf32>,
      %mul3A_301 = arith.constant 4 : i32
      %mul3A_302 = arith.muli %scan3A_34, %mul3A_301 : i32
      %add3A_303 = arith.constant 256 : i32
      %add3A_304 = arith.addi %add3A_303, %mul3A_302 : i32
      %add3A_305 = arith.constant 2 : i32
      %add3A_306 = arith.addi %add3A_304, %add3A_305 : i32
      %swap3A_307 = arith.index_cast %add3A_306 : i32 to index
      %swap3A_308 = arith.constant 16 : index
      %swap3A_309 = tpu.vector_load %arg8[%swap3A_307, %swap3A_308] {strides = array<i32>} : memref<352x128xf32, #tpu.memory_space<vmem>>, vector<1x16xf32>,
      %swap3A_310 = vector.shape_cast %swap3A_309 : vector<1x16xf32> to vector<16xf32>
      %swap3A_311 = vector.shape_cast %scan3A_288#1 : vector<16xf32> to vector<1x16xf32>
      tpu.vector_store %arg8[%swap3A_307, %swap3A_308], %swap3A_311 {strides = array<i32>} : memref<352x128xf32, #tpu.memory_space<vmem>>, vector<1x16xf32>,
      %mul3A_312 = arith.constant 4 : i32
      %mul3A_313 = arith.muli %scan3A_34, %mul3A_312 : i32
      %add3A_314 = arith.constant 256 : i32
      %add3A_315 = arith.addi %add3A_314, %mul3A_313 : i32
      %add3A_316 = arith.constant 2 : i32
      %add3A_317 = arith.addi %add3A_315, %add3A_316 : i32
      %swap3A_318 = arith.index_cast %add3A_317 : i32 to index
      %swap3A_319 = arith.constant 32 : index
      %swap3A_320 = tpu.vector_load %arg8[%swap3A_318, %swap3A_319] {strides = array<i32>} : memref<352x128xf32, #tpu.memory_space<vmem>>, vector<1x16xf32>,
      %swap3A_321 = vector.shape_cast %swap3A_320 : vector<1x16xf32> to vector<16xf32>
      %swap3A_322 = vector.shape_cast %scan3A_288#2 : vector<16xf32> to vector<1x16xf32>
      tpu.vector_store %arg8[%swap3A_318, %swap3A_319], %swap3A_322 {strides = array<i32>} : memref<352x128xf32, #tpu.memory_space<vmem>>, vector<1x16xf32>,
      %mul3A_323 = arith.constant 4 : i32
      %mul3A_324 = arith.muli %scan3A_34, %mul3A_323 : i32
      %add3A_325 = arith.constant 256 : i32
      %add3A_326 = arith.addi %add3A_325, %mul3A_324 : i32
      %add3A_327 = arith.constant 2 : i32
      %add3A_328 = arith.addi %add3A_326, %add3A_327 : i32
      %swap3A_329 = arith.index_cast %add3A_328 : i32 to index
      %swap3A_330 = arith.constant 48 : index
      %swap3A_331 = tpu.vector_load %arg8[%swap3A_329, %swap3A_330] {strides = array<i32>} : memref<352x128xf32, #tpu.memory_space<vmem>>, vector<1x16xf32>,
      %swap3A_332 = vector.shape_cast %swap3A_331 : vector<1x16xf32> to vector<16xf32>
      %swap3A_333 = vector.shape_cast %scan3A_288#3 : vector<16xf32> to vector<1x16xf32>
      tpu.vector_store %arg8[%swap3A_329, %swap3A_330], %swap3A_333 {strides = array<i32>} : memref<352x128xf32, #tpu.memory_space<vmem>>, vector<1x16xf32>,
      %mul3A_334 = arith.constant 4 : i32
      %mul3A_335 = arith.muli %scan3A_34, %mul3A_334 : i32
      %add3A_336 = arith.constant 256 : i32
      %add3A_337 = arith.addi %add3A_336, %mul3A_335 : i32
      %add3A_338 = arith.constant 2 : i32
      %add3A_339 = arith.addi %add3A_337, %add3A_338 : i32
      %swap3A_340 = arith.index_cast %add3A_339 : i32 to index
      %swap3A_341 = arith.constant 64 : index
      %swap3A_342 = tpu.vector_load %arg8[%swap3A_340, %swap3A_341] {strides = array<i32>} : memref<352x128xf32, #tpu.memory_space<vmem>>, vector<1x16xf32>,
      %swap3A_343 = vector.shape_cast %swap3A_342 : vector<1x16xf32> to vector<16xf32>
      %swap3A_344 = vector.shape_cast %scan3A_288#4 : vector<16xf32> to vector<1x16xf32>
      tpu.vector_store %arg8[%swap3A_340, %swap3A_341], %swap3A_344 {strides = array<i32>} : memref<352x128xf32, #tpu.memory_space<vmem>>, vector<1x16xf32>,
      %mul3A_345 = arith.constant 4 : i32
      %mul3A_346 = arith.muli %scan3A_34, %mul3A_345 : i32
      %add3A_347 = arith.constant 256 : i32
      %add3A_348 = arith.addi %add3A_347, %mul3A_346 : i32
      %add3A_349 = arith.constant 2 : i32
      %add3A_350 = arith.addi %add3A_348, %add3A_349 : i32
      %swap3A_351 = arith.index_cast %add3A_350 : i32 to index
      %swap3A_352 = arith.constant 80 : index
      %swap3A_353 = tpu.vector_load %arg8[%swap3A_351, %swap3A_352] {strides = array<i32>} : memref<352x128xf32, #tpu.memory_space<vmem>>, vector<1x16xf32>,
      %swap3A_354 = vector.shape_cast %swap3A_353 : vector<1x16xf32> to vector<16xf32>
      %swap3A_355 = vector.shape_cast %scan3A_288#5 : vector<16xf32> to vector<1x16xf32>
      tpu.vector_store %arg8[%swap3A_351, %swap3A_352], %swap3A_355 {strides = array<i32>} : memref<352x128xf32, #tpu.memory_space<vmem>>, vector<1x16xf32>,
      %mul3A_356 = arith.constant 4 : i32
      %mul3A_357 = arith.muli %scan3A_34, %mul3A_356 : i32
      %add3A_358 = arith.constant 256 : i32
      %add3A_359 = arith.addi %add3A_358, %mul3A_357 : i32
      %add3A_360 = arith.constant 2 : i32
      %add3A_361 = arith.addi %add3A_359, %add3A_360 : i32
      %swap3A_362 = arith.index_cast %add3A_361 : i32 to index
      %swap3A_363 = arith.constant 96 : index
      %swap3A_364 = tpu.vector_load %arg8[%swap3A_362, %swap3A_363] {strides = array<i32>} : memref<352x128xf32, #tpu.memory_space<vmem>>, vector<1x16xf32>,
      %swap3A_365 = vector.shape_cast %swap3A_364 : vector<1x16xf32> to vector<16xf32>
      %swap3A_366 = vector.shape_cast %scan3A_288#6 : vector<16xf32> to vector<1x16xf32>
      tpu.vector_store %arg8[%swap3A_362, %swap3A_363], %swap3A_366 {strides = array<i32>} : memref<352x128xf32, #tpu.memory_space<vmem>>, vector<1x16xf32>,
      %mul3A_367 = arith.constant 4 : i32
      %mul3A_368 = arith.muli %scan3A_34, %mul3A_367 : i32
      %add3A_369 = arith.constant 256 : i32
      %add3A_370 = arith.addi %add3A_369, %mul3A_368 : i32
      %add3A_371 = arith.constant 2 : i32
      %add3A_372 = arith.addi %add3A_370, %add3A_371 : i32
      %swap3A_373 = arith.index_cast %add3A_372 : i32 to index
      %swap3A_374 = arith.constant 112 : index
      %swap3A_375 = tpu.vector_load %arg8[%swap3A_373, %swap3A_374] {strides = array<i32>} : memref<352x128xf32, #tpu.memory_space<vmem>>, vector<1x16xf32>,
      %swap3A_376 = vector.shape_cast %swap3A_375 : vector<1x16xf32> to vector<16xf32>
      %swap3A_377 = vector.shape_cast %scan3A_288#7 : vector<16xf32> to vector<1x16xf32>
      tpu.vector_store %arg8[%swap3A_373, %swap3A_374], %swap3A_377 {strides = array<i32>} : memref<352x128xf32, #tpu.memory_space<vmem>>, vector<1x16xf32>,
      %broadcast_in_dim3A_378 = arith.constant 0.000000e+00 : f32
      %broadcast_in_dim3A_379 = vector.broadcast %broadcast_in_dim3A_378 : f32 to vector<16xf32>
      %broadcast_in_dim3A_380 = arith.constant 0.000000e+00 : f32
      %broadcast_in_dim3A_381 = vector.broadcast %broadcast_in_dim3A_380 : f32 to vector<16xf32>
      %broadcast_in_dim3A_382 = arith.constant 0.000000e+00 : f32
      %broadcast_in_dim3A_383 = vector.broadcast %broadcast_in_dim3A_382 : f32 to vector<16xf32>
      %broadcast_in_dim3A_384 = arith.constant 0.000000e+00 : f32
      %broadcast_in_dim3A_385 = vector.broadcast %broadcast_in_dim3A_384 : f32 to vector<16xf32>
      %broadcast_in_dim3A_386 = arith.constant 0.000000e+00 : f32
      %broadcast_in_dim3A_387 = vector.broadcast %broadcast_in_dim3A_386 : f32 to vector<16xf32>
      %broadcast_in_dim3A_388 = arith.constant 0.000000e+00 : f32
      %broadcast_in_dim3A_389 = vector.broadcast %broadcast_in_dim3A_388 : f32 to vector<16xf32>
      %broadcast_in_dim3A_390 = arith.constant 0.000000e+00 : f32
      %broadcast_in_dim3A_391 = vector.broadcast %broadcast_in_dim3A_390 : f32 to vector<16xf32>
      %broadcast_in_dim3A_392 = arith.constant 0.000000e+00 : f32
      %broadcast_in_dim3A_393 = vector.broadcast %broadcast_in_dim3A_392 : f32 to vector<16xf32>
      %scan3A_394 = arith.constant 0 : i32
      %scan3A_395 = arith.constant 64 : i32
      %scan3A_396 = arith.addi %scan3A_394, %scan3A_395 : i32
      %scan3A_397 = arith.constant 1 : i32
      %scan3A_398:8 = scf.for %scan3A_489 = %scan3A_394 to %scan3A_396 step %scan3A_397 iter_args(%scan3A_490 = %broadcast_in_dim3A_379, %scan3A_491 = %broadcast_in_dim3A_381, %scan3A_492 = %broadcast_in_dim3A_383, %scan3A_493 = %broadcast_in_dim3A_385, %scan3A_494 = %broadcast_in_dim3A_387, %scan3A_495 = %broadcast_in_dim3A_389, %scan3A_496 = %broadcast_in_dim3A_391, %scan3A_497 = %broadcast_in_dim3A_393) -> (vector<16xf32>, vector<16xf32>, vector<16xf32>, vector<16xf32>, vector<16xf32>, vector<16xf32>, vector<16xf32>, vector<16xf32>)  : i32 {
        %add3A_498 = arith.constant 192 : i32
        %add3A_499 = arith.addi %add3A_498, %scan3A_489 : i32
        %get3A = arith.index_cast %add3A_499 : i32 to index
        %get3A_500 = arith.constant 0 : index
        %get3A_501 = tpu.vector_load %arg8[%get3A, %get3A_500] {strides = array<i32>} : memref<352x128xf32, #tpu.memory_space<vmem>>, vector<1x16xf32>,
        %get3A_502 = vector.shape_cast %get3A_501 : vector<1x16xf32> to vector<16xf32>
        %add3A_503 = arith.addf %scan3A_490, %get3A_502 : vector<16xf32>
        %add3A_504 = arith.constant 192 : i32
        %add3A_505 = arith.addi %add3A_504, %scan3A_489 : i32
        %get3A_506 = arith.index_cast %add3A_505 : i32 to index
        %get3A_507 = arith.constant 16 : index
        %get3A_508 = tpu.vector_load %arg8[%get3A_506, %get3A_507] {strides = array<i32>} : memref<352x128xf32, #tpu.memory_space<vmem>>, vector<1x16xf32>,
        %get3A_509 = vector.shape_cast %get3A_508 : vector<1x16xf32> to vector<16xf32>
        %add3A_510 = arith.addf %scan3A_491, %get3A_509 : vector<16xf32>
        %add3A_511 = arith.constant 192 : i32
        %add3A_512 = arith.addi %add3A_511, %scan3A_489 : i32
        %get3A_513 = arith.index_cast %add3A_512 : i32 to index
        %get3A_514 = arith.constant 32 : index
        %get3A_515 = tpu.vector_load %arg8[%get3A_513, %get3A_514] {strides = array<i32>} : memref<352x128xf32, #tpu.memory_space<vmem>>, vector<1x16xf32>,
        %get3A_516 = vector.shape_cast %get3A_515 : vector<1x16xf32> to vector<16xf32>
        %add3A_517 = arith.addf %scan3A_492, %get3A_516 : vector<16xf32>
        %add3A_518 = arith.constant 192 : i32
        %add3A_519 = arith.addi %add3A_518, %scan3A_489 : i32
        %get3A_520 = arith.index_cast %add3A_519 : i32 to index
        %get3A_521 = arith.constant 48 : index
        %get3A_522 = tpu.vector_load %arg8[%get3A_520, %get3A_521] {strides = array<i32>} : memref<352x128xf32, #tpu.memory_space<vmem>>, vector<1x16xf32>,
        %get3A_523 = vector.shape_cast %get3A_522 : vector<1x16xf32> to vector<16xf32>
        %add3A_524 = arith.addf %scan3A_493, %get3A_523 : vector<16xf32>
        %add3A_525 = arith.constant 192 : i32
        %add3A_526 = arith.addi %add3A_525, %scan3A_489 : i32
        %get3A_527 = arith.index_cast %add3A_526 : i32 to index
        %get3A_528 = arith.constant 64 : index
        %get3A_529 = tpu.vector_load %arg8[%get3A_527, %get3A_528] {strides = array<i32>} : memref<352x128xf32, #tpu.memory_space<vmem>>, vector<1x16xf32>,
        %get3A_530 = vector.shape_cast %get3A_529 : vector<1x16xf32> to vector<16xf32>
        %add3A_531 = arith.addf %scan3A_494, %get3A_530 : vector<16xf32>
        %add3A_532 = arith.constant 192 : i32
        %add3A_533 = arith.addi %add3A_532, %scan3A_489 : i32
        %get3A_534 = arith.index_cast %add3A_533 : i32 to index
        %get3A_535 = arith.constant 80 : index
        %get3A_536 = tpu.vector_load %arg8[%get3A_534, %get3A_535] {strides = array<i32>} : memref<352x128xf32, #tpu.memory_space<vmem>>, vector<1x16xf32>,
        %get3A_537 = vector.shape_cast %get3A_536 : vector<1x16xf32> to vector<16xf32>
        %add3A_538 = arith.addf %scan3A_495, %get3A_537 : vector<16xf32>
        %add3A_539 = arith.constant 192 : i32
        %add3A_540 = arith.addi %add3A_539, %scan3A_489 : i32
        %get3A_541 = arith.index_cast %add3A_540 : i32 to index
        %get3A_542 = arith.constant 96 : index
        %get3A_543 = tpu.vector_load %arg8[%get3A_541, %get3A_542] {strides = array<i32>} : memref<352x128xf32, #tpu.memory_space<vmem>>, vector<1x16xf32>,
        %get3A_544 = vector.shape_cast %get3A_543 : vector<1x16xf32> to vector<16xf32>
        %add3A_545 = arith.addf %scan3A_496, %get3A_544 : vector<16xf32>
        %add3A_546 = arith.constant 192 : i32
        %add3A_547 = arith.addi %add3A_546, %scan3A_489 : i32
        %get3A_548 = arith.index_cast %add3A_547 : i32 to index
        %get3A_549 = arith.constant 112 : index
        %get3A_550 = tpu.vector_load %arg8[%get3A_548, %get3A_549] {strides = array<i32>} : memref<352x128xf32, #tpu.memory_space<vmem>>, vector<1x16xf32>,
        %get3A_551 = vector.shape_cast %get3A_550 : vector<1x16xf32> to vector<16xf32>
        %add3A_552 = arith.addf %scan3A_497, %get3A_551 : vector<16xf32>
        scf.yield %add3A_503, %add3A_510, %add3A_517, %add3A_524, %add3A_531, %add3A_538, %add3A_545, %add3A_552 : vector<16xf32>, vector<16xf32>, vector<16xf32>, vector<16xf32>, vector<16xf32>, vector<16xf32>, vector<16xf32>, vector<16xf32>
      }
      %scan3A_399 = arith.constant 64 : i32
      %mul3A_400 = arith.constant 4 : i32
      %mul3A_401 = arith.muli %scan3A_34, %mul3A_400 : i32
      %add3A_402 = arith.constant 256 : i32
      %add3A_403 = arith.addi %add3A_402, %mul3A_401 : i32
      %add3A_404 = arith.constant 3 : i32
      %add3A_405 = arith.addi %add3A_403, %add3A_404 : i32
      %swap3A_406 = arith.index_cast %add3A_405 : i32 to index
      %swap3A_407 = arith.constant 0 : index
      %swap3A_408 = tpu.vector_load %arg8[%swap3A_406, %swap3A_407] {strides = array<i32>} : memref<352x128xf32, #tpu.memory_space<vmem>>, vector<1x16xf32>,
      %swap3A_409 = vector.shape_cast %swap3A_408 : vector<1x16xf32> to vector<16xf32>
      %swap3A_410 = vector.shape_cast %scan3A_398#0 : vector<16xf32> to vector<1x16xf32>
      tpu.vector_store %arg8[%swap3A_406, %swap3A_407], %swap3A_410 {strides = array<i32>} : memref<352x128xf32, #tpu.memory_space<vmem>>, vector<1x16xf32>,
      %mul3A_411 = arith.constant 4 : i32
      %mul3A_412 = arith.muli %scan3A_34, %mul3A_411 : i32
      %add3A_413 = arith.constant 256 : i32
      %add3A_414 = arith.addi %add3A_413, %mul3A_412 : i32
      %add3A_415 = arith.constant 3 : i32
      %add3A_416 = arith.addi %add3A_414, %add3A_415 : i32
      %swap3A_417 = arith.index_cast %add3A_416 : i32 to index
      %swap3A_418 = arith.constant 16 : index
      %swap3A_419 = tpu.vector_load %arg8[%swap3A_417, %swap3A_418] {strides = array<i32>} : memref<352x128xf32, #tpu.memory_space<vmem>>, vector<1x16xf32>,
      %swap3A_420 = vector.shape_cast %swap3A_419 : vector<1x16xf32> to vector<16xf32>
      %swap3A_421 = vector.shape_cast %scan3A_398#1 : vector<16xf32> to vector<1x16xf32>
      tpu.vector_store %arg8[%swap3A_417, %swap3A_418], %swap3A_421 {strides = array<i32>} : memref<352x128xf32, #tpu.memory_space<vmem>>, vector<1x16xf32>,
      %mul3A_422 = arith.constant 4 : i32
      %mul3A_423 = arith.muli %scan3A_34, %mul3A_422 : i32
      %add3A_424 = arith.constant 256 : i32
      %add3A_425 = arith.addi %add3A_424, %mul3A_423 : i32
      %add3A_426 = arith.constant 3 : i32
      %add3A_427 = arith.addi %add3A_425, %add3A_426 : i32
      %swap3A_428 = arith.index_cast %add3A_427 : i32 to index
      %swap3A_429 = arith.constant 32 : index
      %swap3A_430 = tpu.vector_load %arg8[%swap3A_428, %swap3A_429] {strides = array<i32>} : memref<352x128xf32, #tpu.memory_space<vmem>>, vector<1x16xf32>,
      %swap3A_431 = vector.shape_cast %swap3A_430 : vector<1x16xf32> to vector<16xf32>
      %swap3A_432 = vector.shape_cast %scan3A_398#2 : vector<16xf32> to vector<1x16xf32>
      tpu.vector_store %arg8[%swap3A_428, %swap3A_429], %swap3A_432 {strides = array<i32>} : memref<352x128xf32, #tpu.memory_space<vmem>>, vector<1x16xf32>,
      %mul3A_433 = arith.constant 4 : i32
      %mul3A_434 = arith.muli %scan3A_34, %mul3A_433 : i32
      %add3A_435 = arith.constant 256 : i32
      %add3A_436 = arith.addi %add3A_435, %mul3A_434 : i32
      %add3A_437 = arith.constant 3 : i32
      %add3A_438 = arith.addi %add3A_436, %add3A_437 : i32
      %swap3A_439 = arith.index_cast %add3A_438 : i32 to index
      %swap3A_440 = arith.constant 48 : index
      %swap3A_441 = tpu.vector_load %arg8[%swap3A_439, %swap3A_440] {strides = array<i32>} : memref<352x128xf32, #tpu.memory_space<vmem>>, vector<1x16xf32>,
      %swap3A_442 = vector.shape_cast %swap3A_441 : vector<1x16xf32> to vector<16xf32>
      %swap3A_443 = vector.shape_cast %scan3A_398#3 : vector<16xf32> to vector<1x16xf32>
      tpu.vector_store %arg8[%swap3A_439, %swap3A_440], %swap3A_443 {strides = array<i32>} : memref<352x128xf32, #tpu.memory_space<vmem>>, vector<1x16xf32>,
      %mul3A_444 = arith.constant 4 : i32
      %mul3A_445 = arith.muli %scan3A_34, %mul3A_444 : i32
      %add3A_446 = arith.constant 256 : i32
      %add3A_447 = arith.addi %add3A_446, %mul3A_445 : i32
      %add3A_448 = arith.constant 3 : i32
      %add3A_449 = arith.addi %add3A_447, %add3A_448 : i32
      %swap3A_450 = arith.index_cast %add3A_449 : i32 to index
      %swap3A_451 = arith.constant 64 : index
      %swap3A_452 = tpu.vector_load %arg8[%swap3A_450, %swap3A_451] {strides = array<i32>} : memref<352x128xf32, #tpu.memory_space<vmem>>, vector<1x16xf32>,
      %swap3A_453 = vector.shape_cast %swap3A_452 : vector<1x16xf32> to vector<16xf32>
      %swap3A_454 = vector.shape_cast %scan3A_398#4 : vector<16xf32> to vector<1x16xf32>
      tpu.vector_store %arg8[%swap3A_450, %swap3A_451], %swap3A_454 {strides = array<i32>} : memref<352x128xf32, #tpu.memory_space<vmem>>, vector<1x16xf32>,
      %mul3A_455 = arith.constant 4 : i32
      %mul3A_456 = arith.muli %scan3A_34, %mul3A_455 : i32
      %add3A_457 = arith.constant 256 : i32
      %add3A_458 = arith.addi %add3A_457, %mul3A_456 : i32
      %add3A_459 = arith.constant 3 : i32
      %add3A_460 = arith.addi %add3A_458, %add3A_459 : i32
      %swap3A_461 = arith.index_cast %add3A_460 : i32 to index
      %swap3A_462 = arith.constant 80 : index
      %swap3A_463 = tpu.vector_load %arg8[%swap3A_461, %swap3A_462] {strides = array<i32>} : memref<352x128xf32, #tpu.memory_space<vmem>>, vector<1x16xf32>,
      %swap3A_464 = vector.shape_cast %swap3A_463 : vector<1x16xf32> to vector<16xf32>
      %swap3A_465 = vector.shape_cast %scan3A_398#5 : vector<16xf32> to vector<1x16xf32>
      tpu.vector_store %arg8[%swap3A_461, %swap3A_462], %swap3A_465 {strides = array<i32>} : memref<352x128xf32, #tpu.memory_space<vmem>>, vector<1x16xf32>,
      %mul3A_466 = arith.constant 4 : i32
      %mul3A_467 = arith.muli %scan3A_34, %mul3A_466 : i32
      %add3A_468 = arith.constant 256 : i32
      %add3A_469 = arith.addi %add3A_468, %mul3A_467 : i32
      %add3A_470 = arith.constant 3 : i32
      %add3A_471 = arith.addi %add3A_469, %add3A_470 : i32
      %swap3A_472 = arith.index_cast %add3A_471 : i32 to index
      %swap3A_473 = arith.constant 96 : index
      %swap3A_474 = tpu.vector_load %arg8[%swap3A_472, %swap3A_473] {strides = array<i32>} : memref<352x128xf32, #tpu.memory_space<vmem>>, vector<1x16xf32>,
      %swap3A_475 = vector.shape_cast %swap3A_474 : vector<1x16xf32> to vector<16xf32>
      %swap3A_476 = vector.shape_cast %scan3A_398#6 : vector<16xf32> to vector<1x16xf32>
      tpu.vector_store %arg8[%swap3A_472, %swap3A_473], %swap3A_476 {strides = array<i32>} : memref<352x128xf32, #tpu.memory_space<vmem>>, vector<1x16xf32>,
      %mul3A_477 = arith.constant 4 : i32
      %mul3A_478 = arith.muli %scan3A_34, %mul3A_477 : i32
      %add3A_479 = arith.constant 256 : i32
      %add3A_480 = arith.addi %add3A_479, %mul3A_478 : i32
      %add3A_481 = arith.constant 3 : i32
      %add3A_482 = arith.addi %add3A_480, %add3A_481 : i32
      %swap3A_483 = arith.index_cast %add3A_482 : i32 to index
      %swap3A_484 = arith.constant 112 : index
      %swap3A_485 = tpu.vector_load %arg8[%swap3A_483, %swap3A_484] {strides = array<i32>} : memref<352x128xf32, #tpu.memory_space<vmem>>, vector<1x16xf32>,
      %swap3A_486 = vector.shape_cast %swap3A_485 : vector<1x16xf32> to vector<16xf32>
      %swap3A_487 = vector.shape_cast %scan3A_398#7 : vector<16xf32> to vector<1x16xf32>
      tpu.vector_store %arg8[%swap3A_483, %swap3A_484], %swap3A_487 {strides = array<i32>} : memref<352x128xf32, #tpu.memory_space<vmem>>, vector<1x16xf32>,
      %scan3A_488 = arith.constant 0 : i32
      scf.yield %scan3A_488 : i32
    }
    %scan3A_31 = arith.constant 8 : i32
    %mul3A_32 = arith.constant 32 : i32
    %mul3A_33 = arith.muli %arg1, %mul3A_32 : i32
    "tpu.region"() ({
      %run_scoped3A = tpu.sem_alloc : memref<!tpu.dma_semaphore, #tpu.memory_space<semaphore_mem>>
      %dma_start3A = arith.constant 256 : i32
      %dma_start3A_34 = arith.constant 0 : i32
      %dma_start3A_35 = tpu.memref_slice %arg8[%dma_start3A, %dma_start3A_34] : memref<352x128xf32, #tpu.memory_space<vmem>> -> memref<32x128xf32, #tpu.memory_space<vmem>>
      %dma_start3A_36 = arith.constant 0 : i32
      %dma_start3A_37 = tpu.memref_slice %arg6[%arg0, %mul3A_33, %dma_start3A_36] : memref<2x512x128xf32, #tpu.memory_space<hbm>> -> memref<1x32x128xf32, #tpu.memory_space<hbm>>
      %dma_start3A_38 = tpu.memref_squeeze %dma_start3A_37 : memref<1x32x128xf32, #tpu.memory_space<hbm>> -> memref<32x128xf32, #tpu.memory_space<hbm>>
      %dma_start3A_39 = arith.constant 0 : i32
      %dma_start3A_40 = tpu.memref_slice %arg6[%arg0, %mul3A_33, %dma_start3A_39] : memref<2x512x128xf32, #tpu.memory_space<hbm>> -> memref<1x32x128xf32, #tpu.memory_space<hbm>>
      %dma_start3A_41 = tpu.memref_squeeze %dma_start3A_40 : memref<1x32x128xf32, #tpu.memory_space<hbm>> -> memref<32x128xf32, #tpu.memory_space<hbm>>
      %dma_start3A_42 = arith.constant 256 : i32
      %dma_start3A_43 = arith.constant 0 : i32
      %dma_start3A_44 = tpu.memref_slice %arg8[%dma_start3A_42, %dma_start3A_43] : memref<352x128xf32, #tpu.memory_space<vmem>> -> memref<32x128xf32, #tpu.memory_space<vmem>>
      tpu.enqueue_dma source(%dma_start3A_44 : memref<32x128xf32, #tpu.memory_space<vmem>>) target(%dma_start3A_41 : memref<32x128xf32, #tpu.memory_space<hbm>>) target_semaphore(%run_scoped3A : memref<!tpu.dma_semaphore, #tpu.memory_space<semaphore_mem>>)
      %dma_wait3A = arith.constant 256 : i32
      %dma_wait3A_45 = arith.constant 0 : i32
      %dma_wait3A_46 = tpu.memref_slice %arg8[%dma_wait3A, %dma_wait3A_45] : memref<352x128xf32, #tpu.memory_space<vmem>> -> memref<32x128xf32, #tpu.memory_space<vmem>>
      %dma_wait3A_47 = arith.constant 0 : i32
      %dma_wait3A_48 = tpu.memref_slice %arg6[%arg0, %mul3A_33, %dma_wait3A_47] : memref<2x512x128xf32, #tpu.memory_space<hbm>> -> memref<1x32x128xf32, #tpu.memory_space<hbm>>
      %dma_wait3A_49 = tpu.memref_squeeze %dma_wait3A_48 : memref<1x32x128xf32, #tpu.memory_space<hbm>> -> memref<32x128xf32, #tpu.memory_space<hbm>>
      %dma_wait3A_50 = arith.constant 0 : i32
      %dma_wait3A_51 = tpu.memref_slice %arg6[%arg0, %mul3A_33, %dma_wait3A_50] : memref<2x512x128xf32, #tpu.memory_space<hbm>> -> memref<1x32x128xf32, #tpu.memory_space<hbm>>
      %dma_wait3A_52 = tpu.memref_squeeze %dma_wait3A_51 : memref<1x32x128xf32, #tpu.memory_space<hbm>> -> memref<32x128xf32, #tpu.memory_space<hbm>>
      %dma_wait3A_53 = arith.constant 256 : i32
      %dma_wait3A_54 = arith.constant 0 : i32
      %dma_wait3A_55 = tpu.memref_slice %arg8[%dma_wait3A_53, %dma_wait3A_54] : memref<352x128xf32, #tpu.memory_space<vmem>> -> memref<32x128xf32, #tpu.memory_space<vmem>>
      tpu.wait_dma2 semaphore(%run_scoped3A : memref<!tpu.dma_semaphore, #tpu.memory_space<semaphore_mem>>) src(%dma_wait3A_55 : memref<32x128xf32, #tpu.memory_space<vmem>>) dst(%dma_wait3A_52 : memref<32x128xf32, #tpu.memory_space<hbm>>)
      tpu.yield
    }) : () -> ()
    return
  }
}

module attributes {stable_mosaic.version = 14 : i64} {
  func.func @_mean_body(%arg0: i32, %arg1: memref<1000x2x128xf32, #tpu.memory_space<vmem>>, %arg2: memref<1000x128xf32, #tpu.memory_space<vmem>>) attributes {dimension_semantics = [#tpu.dimension_semantics<arbitrary>], iteration_bounds = array<i64: 10>, scalar_prefetch = 0 : i64, scratch_operands = 0 : i64, tpu.core_type = #tpu.core_type<tc>, window_params = [{transform_indices = @transform_0, window_bounds = array<i64: 1000, 2, 128>}, {transform_indices = @transform_1, window_bounds = array<i64: 1000, 128>}]} {
    %get3A = arith.constant 0 : index
    %get3A_0 = arith.constant 0 : index
    %get3A_1 = arith.constant 0 : index
    %get3A_2 = vector.load %arg1[%get3A, %get3A_0, %get3A_1] : memref<1000x2x128xf32, #tpu.memory_space<vmem>>, vector<1000x1x128xf32>
    %get3A_3 = vector.shape_cast %get3A_2 : vector<1000x1x128xf32> to vector<1000x128xf32>
    %get3A_4 = arith.constant 0 : index
    %get3A_5 = arith.constant 1 : index
    %get3A_6 = arith.constant 0 : index
    %get3A_7 = vector.load %arg1[%get3A_4, %get3A_5, %get3A_6] : memref<1000x2x128xf32, #tpu.memory_space<vmem>>, vector<1000x1x128xf32>
    %get3A_8 = vector.shape_cast %get3A_7 : vector<1000x1x128xf32> to vector<1000x128xf32>
    %add3A = arith.addf %get3A_3, %get3A_8 : vector<1000x128xf32>
    %mul3A = arith.constant 5.000000e-01 : f32
    %mul3A_9 = vector.broadcast %mul3A : f32 to vector<1000x128xf32>
    %mul3A_10 = arith.mulf %add3A, %mul3A_9 : vector<1000x128xf32>
    %swap3A = arith.constant 0 : index
    %swap3A_11 = arith.constant 0 : index
    %swap3A_12 = vector.load %arg2[%swap3A, %swap3A_11] : memref<1000x128xf32, #tpu.memory_space<vmem>>, vector<1000x128xf32>
    tpu.vector_store %arg2[%swap3A, %swap3A_11], %mul3A_10 {strides = array<i32>} : memref<1000x128xf32, #tpu.memory_space<vmem>>, vector<1000x128xf32>,
    return
  }
  func.func @transform_0(%arg0: i32) -> (i32, i32, i32) {
    %c0_i32 = arith.constant 0 : i32
    %c0_i32_0 = arith.constant 0 : i32
    %c0_i32_1 = arith.constant 0 : i32
    return %arg0, %c0_i32, %c0_i32_0 : i32, i32, i32
  }
  func.func @transform_1(%arg0: i32) -> (i32, i32) {
    %c0_i32 = arith.constant 0 : i32
    %c0_i32_0 = arith.constant 0 : i32
    return %arg0, %c0_i32 : i32, i32
  }
}

module attributes {stable_mosaic.version = 14 : i64} {
  func.func @_mm_body(%arg0: memref<2x512x128xf32, #tpu.memory_space<vmem>>, %arg1: memref<128x128xf32, #tpu.memory_space<vmem>>, %arg2: memref<1x128xf32, #tpu.memory_space<vmem>>, %arg3: memref<512x128xf32, #tpu.memory_space<vmem>>) attributes {dimension_semantics = [], scalar_prefetch = 0 : i64, scratch_operands = 0 : i64, tpu.core_type = #tpu.core_type<tc>} {
    %get3A = arith.constant 0 : index
    %get3A_0 = arith.constant 0 : index
    %get3A_1 = arith.constant 0 : index
    %get3A_2 = vector.load %arg0[%get3A, %get3A_0, %get3A_1] : memref<2x512x128xf32, #tpu.memory_space<vmem>>, vector<1x512x128xf32>
    %get3A_3 = vector.shape_cast %get3A_2 : vector<1x512x128xf32> to vector<512x128xf32>
    %get3A_4 = arith.constant 1 : index
    %get3A_5 = arith.constant 0 : index
    %get3A_6 = arith.constant 0 : index
    %get3A_7 = vector.load %arg0[%get3A_4, %get3A_5, %get3A_6] : memref<2x512x128xf32, #tpu.memory_space<vmem>>, vector<1x512x128xf32>
    %get3A_8 = vector.shape_cast %get3A_7 : vector<1x512x128xf32> to vector<512x128xf32>
    %add3A = arith.addf %get3A_3, %get3A_8 : vector<512x128xf32>
    %get3A_9 = arith.constant 0 : index
    %get3A_10 = arith.constant 0 : index
    %get3A_11 = vector.load %arg1[%get3A_9, %get3A_10] : memref<128x128xf32, #tpu.memory_space<vmem>>, vector<128x128xf32>
    %dot_general3A = arith.constant dense<0.000000e+00> : vector<512x128xf32>
    %dot_general3A_12 = tpu.matmul %add3A, %get3A_11, %dot_general3A {dimension_numbers = #tpu.dot_dimension_numbers<[1], [0], [0], [1], [0, 0, 1, 1], [], []>, transpose_lhs_hint = false} : vector<512x128xf32>, vector<128x128xf32>, vector<512x128xf32> -> vector<512x128xf32>
    %get3A_13 = arith.constant 0 : index
    %get3A_14 = arith.constant 0 : index
    %get3A_15 = vector.load %arg2[%get3A_13, %get3A_14] : memref<1x128xf32, #tpu.memory_space<vmem>>, vector<1x128xf32>
    %mul3A = arith.constant 6.400000e+01 : f32
    %mul3A_16 = vector.broadcast %mul3A : f32 to vector<1x128xf32>
    %mul3A_17 = arith.mulf %mul3A_16, %get3A_15 : vector<1x128xf32>
    %add3A_18 = vector.broadcast %mul3A_17 : vector<1x128xf32> to vector<512x128xf32>
    %add3A_19 = arith.addf %dot_general3A_12, %add3A_18 : vector<512x128xf32>
    %swap3A = arith.constant 0 : index
    %swap3A_20 = arith.constant 0 : index
    %swap3A_21 = vector.load %arg3[%swap3A, %swap3A_20] : memref<512x128xf32, #tpu.memory_space<vmem>>, vector<512x128xf32>
    tpu.vector_store %arg3[%swap3A, %swap3A_20], %add3A_19 {strides = array<i32>} : memref<512x128xf32, #tpu.memory_space<vmem>>, vector<512x128xf32>,
    return
  }
}

</mosaic_0001>

<sc_bundles>
// kernel: kernel.5.cloned.1.call-start
scs
__scs_entry_jumppad:
0x0: {  	(pc) =	sbr.rel $0x88, $3  }
0x1: {  	(tag) =	ssettag $0x0;
	lr =	simm.s32 $0x1  }
0x2: {  	[smem:$0x3F9B] =	sst lr;
	_ =	strace $0xD0000000  }
0x3: {  	_ = 	snop  }
0x4: {  	_ = 	snop  }
0x5: {  	_ = 	snop  }
0x6: {  	_ = 	snop  }
0x7: {  	_ = 	snop  }
__scs_overlays_trampoline_lowered:
0x8: {  	[smem:$0x3FAA] =	sst s0  }
0x9: {  	[smem:$0x3FAB] =	sst s1  }
0xa: {  	[smem:$0x3FAC] =	sst s2  }
0xb: {  	[smem:$0x3FAD] =	sst s3  }
0xc: {  	[smem:$0x3FAE] =	sst s4  }
0xd: {  	[smem:$0x3FAF] =	sst s5  }
0xe: {  	[smem:$0x3FB0] =	sst s6  }
0xf: {  	[smem:$0x3FB1] =	sst s7  }
0x10: {  	[smem:$0x3FB2] =	sst s8  }
0x11: {  	[smem:$0x3FB3] =	sst s9;
	s0 =	simm.s32 @!p0 $0x0  }
0x12: {  	s1 =	sld [smem:$0x3F99];
	s0 =	simm.s32 @p0 $0x1  }
0x13: {  	[smem:$0x3FB4] =	sst s0;
	s0 =	simm.s32 @!p1 $0x0  }
0x14: {  	s2 =	sld [smem:$0x3F98];
	s0 =	simm.s32 @p1 $0x1  }
0x15: {  	[smem:$0x3FB5] =	sst s0;
	s0 =	simm.s32 @!p2 $0x0  }
0x16: {  	s3 =	sld [smem:$0x3FDB];
	s0 =	simm.s32 @p2 $0x1  }
0x17: {  	s4 =	simm.s32 $0x1BF5;
	[smem:$0x3FB7] =	sst s0  }
0x18: {  	s0 =	sld [smem:$0x3F9A];
	_ =	swait.ge [sflag:s4], $0x0  }
0x19: {  	s7 =	sld [smem:$0x3F9B]  }
0x1a: {  	s8 =	sadd.s32 $0xFFFFE003, lr  }
0x1b: {  	s9 =	sadd.s32 $0xFFFFFEF7, lr;
	s5 =	simm.s32 $0xFFFFFFFF;
	p2 =	slt.u32 s8, $0xFFFFF086  }
0x1c: {  	p1 =	slt.u32 s9, $0xF7A;
	s5 =	simm.s32 @!p2 $0x0  }
0x1d: {  	s5 =	simm.s32 @p1 $0x1;
	p0 =	seq.s32 s7, s2  }
0x1e: {  	s7 =	smul.u32 @!p0 $0xF7A, s2;
	p2 =	seq.s32 @!p0 s5, $0x0  }
0x1f: {  	s9 =	smul.u32 $0xF7A, s1;
	s8 =	simm.s32 @!p0 $0x1BF5;
	p2 =	por !p2, p0  }
0x20: {  	[sflag:s8] =	ssyncset.s32 @!p0 $0xFFFFF086;
	s6 =	sadd.s32 @!p0 s3, s7;
	s7 =	simm.s32 @!p0 $0x108  }
0x21: {  	s3 =	sadd.s32 s3, s9;
	s6 =	sadd.s32 @!p0 $0x88, s6;
	s7 =	simm.s32 @p2 $0x1082  }
0x22: {  	[simem:s7], [sflag:s8] =	dma.local @!p0 [hbm:s6], $0xF7A  }
0x23: {  	s9 =	sor.u32 $0xD0000000, s2;
	s6 =	simm.s32 $0x108;
	_ =	swait.ge @!p0 [sflag:s8], $0x0  }
0x24: {  	s3 =	sadd.s32 $0x88, s3;
	s6 =	simm.s32 @!p1 $0x1082;
	[sflag:s4] =	ssyncset.s32 $0xFFFFF086  }
0x25: {  	[simem:s6], [sflag:s4] =	dma.local [hbm:s3], $0xF7A  }
0x26: {  	[smem:$0x3F9B] =	sst s1;
	(tag) =	ssettag s2;
	_ =	strace s9  }
0x27: {  	s1 =	sld [smem:$0x3FAB]  }
0x28: {  	s2 =	sld [smem:$0x3FAC]  }
0x29: {  	s4 =	sld [smem:$0x3FAE]  }
0x2a: {  	p0 =	seq.s32 s5, $0x0;
	s5 =	sld [smem:$0x3FAF]  }
0x2b: {  	s6 =	sld [smem:$0x3FB0]  }
0x2c: {  	s7 =	sld [smem:$0x3FB1]  }
0x2d: {  	s3 =	simm.s32 $0x108;
	s8 =	sld [smem:$0x3FB2]  }
0x2e: {  	s3 =	simm.s32 @!p0 $0x1082;
	s9 =	sld [smem:$0x3FB3]  }
0x2f: {  	lr =	sadd.s32 s0, s3;
	s0 =	sld [smem:$0x3FAA]  }
0x30: {  	s3 =	sld [smem:$0x3FAD]  }
0x31: {  	[smem:$0x3FB6] =	sst s10  }
0x32: {  	s10 =	sld [smem:$0x3FB4];
	_ =	sdelay $0x3  }
0x33: {  	p0 =	seq.s32 s10, $0x1;
	s10 =	sld [smem:$0x3FB6];
	_ =	sdelay $0x3  }
0x34: {  	[smem:$0x3FB6] =	sst s10  }
0x35: {  	s10 =	sld [smem:$0x3FB5];
	_ =	sdelay $0x3  }
0x36: {  	p1 =	seq.s32 s10, $0x1;
	s10 =	sld [smem:$0x3FB6];
	_ =	sdelay $0x3  }
0x37: {  	[smem:$0x3FB6] =	sst s10  }
0x38: {  	s10 =	sld [smem:$0x3FB7]  }
0x39: {  	_ = 	snop;
	(pc) =	sbr.ind lr, $3  }
0x3a: {  	_ = 	snop  }
0x3b: {  	_ = 	snop  }
0x3c: {  	p2 =	seq.s32 s10, $0x1;
	s10 =	sld [smem:$0x3FB6]  }
0x3d: {  	_ =	shalt  }
0x3e: {  	_ =	shalt  }
0x3f: {  	_ =	shalt  }
0x40: {  	_ =	shalt  }
0x41: {  	_ =	shalt  }
0x42: {  	_ =	shalt  }
0x43: {  	_ =	shalt  }
0x44: {  	_ =	shalt  }
0x45: {  	_ =	shalt  }
0x46: {  	_ =	shalt  }
0x47: {  	_ =	shalt  }
0x48: {  	_ =	shalt  }
0x49: {  	_ =	shalt  }
0x4a: {  	_ =	shalt  }
0x4b: {  	_ =	shalt  }
0x4c: {  	_ =	shalt  }
0x4d: {  	_ =	shalt  }
0x4e: {  	_ =	shalt  }
0x4f: {  	_ =	shalt  }
0x50: {  	_ =	shalt  }
0x51: {  	_ =	shalt  }
0x52: {  	_ =	shalt  }
0x53: {  	_ =	shalt  }
0x54: {  	_ =	shalt  }
0x55: {  	_ =	shalt  }
0x56: {  	_ =	shalt  }
0x57: {  	_ =	shalt  }
0x58: {  	_ =	shalt  }
0x59: {  	_ =	shalt  }
0x5a: {  	_ =	shalt  }
0x5b: {  	_ =	shalt  }
0x5c: {  	_ =	shalt  }
0x5d: {  	_ =	shalt  }
0x5e: {  	_ =	shalt  }
0x5f: {  	_ =	shalt  }
0x60: {  	_ =	shalt  }
0x61: {  	_ =	shalt  }
0x62: {  	_ =	shalt  }
0x63: {  	_ =	shalt  }
0x64: {  	_ =	shalt  }
0x65: {  	_ =	shalt  }
0x66: {  	_ =	shalt  }
0x67: {  	_ =	shalt  }
0x68: {  	_ =	shalt  }
0x69: {  	_ =	shalt  }
0x6a: {  	_ =	shalt  }
0x6b: {  	_ =	shalt  }
0x6c: {  	_ =	shalt  }
0x6d: {  	_ =	shalt  }
0x6e: {  	_ =	shalt  }
0x6f: {  	_ =	shalt  }
0x70: {  	_ =	shalt  }
0x71: {  	_ =	shalt  }
0x72: {  	_ =	shalt  }
0x73: {  	_ =	shalt  }
0x74: {  	_ =	shalt  }
0x75: {  	_ =	shalt  }
0x76: {  	_ =	shalt  }
0x77: {  	_ =	shalt  }
0x78: {  	_ =	shalt  }
0x79: {  	_ =	shalt  }
0x7a: {  	_ =	shalt  }
0x7b: {  	_ =	shalt  }
0x7c: {  	_ =	shalt  }
0x7d: {  	_ =	shalt  }
0x7e: {  	_ =	shalt  }
0x7f: {  	_ =	shalt  }
0x80: {  	_ =	shalt  }
0x81: {  	_ =	shalt  }
0x82: {  	_ =	shalt  }
0x83: {  	_ =	shalt  }
0x84: {  	_ =	shalt  }
0x85: {  	_ =	shalt  }
0x86: {  	_ =	shalt  }
0x87: {  	_ =	shalt  }
.Lfunc_end0:
.L_simem_size_0:
called_computation_lowered:
.L_overlay_start_0:
0x88: {  	s2 =	sld [smem:$0x3FD9]  }
0x89: {  	s3 =	sld [smem:$0x3FFE];
	_ =	sdelay $0x1  }
0x8a: {  	s1 =	srdreg.scid  }
0x8b: {  	s0 =	sand.u32 $0x1, s1  }
0x8c: {  	s17 =	sshll.u32 s0, $0xA;
	s2 =	sadd.s32 s3, s2  }
0x8d: {  	s2 =	sadd.s32 s2, s17  }
0x8e: {  	[smem:$0x3FC2] =	sst s2  }
0x8f: {  	_ = 	snop  }
0x90: {  	s2 =	sld [smem:$0x3FD0];
	(tm) =	ssettm $0x1  }
0x91: {  	s18 =	sld [smem:$0x3FFB];
	_ =	sdelay $0x3  }
0x92: {  	_ =	strace s18  }
0x93: {  	s3 =	sld [smem:$0x3FFC];
	_ =	sdelay $0x3  }
0x94: {  	_ =	strace s3  }
0x95: {  	s3 =	sld [smem:$0x3FFD];
	_ =	sdelay $0x3  }
0x96: {  	_ =	strace s3  }
0x97: {  	_ =	strace $0x8FFFFFFF  }
0x98: {  	s19 =	sld [smem:$0x3FDB];
	_ =	sdelay $0x1  }
0x99: {  	s4 =	simm.s32 $_scs_section_size  }
0x9a: {  	s5 =	simm.s32 $_size__tile_overlayer_lowered;
	s6 =	simm.s32 $_tile_overlayer_lowered  }
0x9b: {  	s22 =	simm.s32 $0x1BFF;
	s21 =	sshll.u32 s6, $0x1;
	s3 =	sadd.s32 s4, s19  }
0x9c: {  	s7 =	simm.s32 $0x0;
	s20 =	sshll.u32 s5, $0x1;
	s5 =	sadd.s32 s21, s3  }
0x9d: {  	[timem:s7], [sflag:s22] =	dma.local [hbm:s5], s20  }
0x9e: {  	_ =	swait.ge [sflag:s22], s20  }
0x9f: {  	s4 =	ssub.s32 $0x0, s20;
	[sflag:s22] =	ssyncset.done $0x0  }
0xa0: {  	[sflag:s22] =	ssyncadd.s32 s4;
	_ =	sdelay $0x1  }
0xa1: {  	s23 =	simm.s32 $0x1B8B  }
0xa2: {  	_ =	swait.ge [sflag:s23], $0x1  }
0xa3: {  	[sflag:s23] =	ssyncset.done $0x0  }
0xa4: {  	s25 =	simm.s32 $0x1B8E;
	s24 =	sld [smem:$0x3FFE];
	[sflag:s23] =	ssyncadd.s32 $0xFFFFFFFF  }
0xa5: {  	s26 =	simm.s32 $execute0_lowered;
	[smem:$0x3FD2] =	sst s25  }
0xa6: {  	s5 =	sshll.u32 s26, $0x1;
	_ =	strace $0x80000046;
	[dreg:$0x1] =	wrdreg $0xFFFFFFFF  }
0xa7: {  	s28 =	simm.s32 $_size_execute0_lowered;
	s3 =	sadd.s32 s3, s5;
	[dreg:$0x0] =	wrdreg $0x0  }
0xa8: {  	s5 =	sshll.u32 s28, $0x1;
	[dreg:$0x2] =	wrdreg s3  }
0xa9: {  	[dreg:$0x3] =	wrdreg s5  }
0xaa: {  	[dreg:$0x4] =	wrdreg $0xC0  }
0xab: {  	_ =	task [dreg:s7], $0x5FFFF  }
0xac: {  	[dreg:$0x1] =	wrdreg $0xFFFFFFFF  }
0xad: {  	[dreg:$0x0] =	wrdreg $0x60  }
0xae: {  	[dreg:$0x2] =	wrdreg s24  }
0xaf: {  	[dreg:$0x3] =	wrdreg s2  }
0xb0: {  	[dreg:$0x4] =	wrdreg $0x0  }
0xb1: {  	[dreg:$0x5] =	wrdreg $0x9  }
0xb2: {  	_ =	task.clear_ibuf [dreg:s7], $0x6FFFF;
	_ =	strace $0x90000046  }
0xb3: {  	s29 =	simm.s32 $0x9;
	_ =	strace $0x80000048  }
0xb4: {  	_ =	swait.ge [sflag:s29], $0x1  }
0xb5: {  	[sflag:s29] =	ssyncadd.s32 $0xFFFFFFFF  }
0xb6: {  	_ =	strace $0x90000048  }
0xb7: {  	_ =	sfence  }
0xb8: {  	s30 =	sld [smem:$0x0];
	_ =	sdelay $0x2  }
0xb9: {  	s31 =	sshll.u32 s1, $0xD;
	s1 =	sshrl.u32 s1, $0x2  }
0xba: {  	s3 =	sand.u32 $0x4000, s31;
	s1 =	sadd.s32 s1, s30  }
0xbb: {  	s0 =	sor.u32 s3, s0;
	s1 =	sshll.u32 s1, $0x11  }
0xbc: {  	s0 =	sor.u32 s1, s0  }
0xbd: {  	s0 =	sadd.s32 $0x8F2B, s0  }
0xbe: {  	[sflag:s0] =	ssyncadd.remote.s32 $0x1  }
0xbf: {  	_ =	sfence.sel $0xFFFF  }
0xc0: {  	[dreg:$0x0] =	wrdreg $0xFFFFFFFF;
	(pc) =	sbr.abs _section_cstart, $3  }
0xc1: {  	[dreg:$0x1] =	wrdreg $0xFFFFFFFF  }
0xc2: {  	_ =	task.clear_ibuf [dreg:s7], $0x2FFFF;
	_ =	strace $0x9FFFFFFF  }
0xc3: {  	(tm) =	ssettm $0x7FFFFFFF  }
tec
execute0_lowered:
.L_overlay_start_1:
0x0: {  	(tag) =	ssettag $0x1  }
0x1: {  	s7 =	rddreg [dreg:$0x0]  }
0x2: {  	s10 =	rddreg [dreg:$0x1]  }
0x3: {  	s1 =	rddreg [dreg:$0x2]  }
0x4: {  	s0 =	rddreg [dreg:$0x3];
	s3 =	simm.s32 $0x0;
	s2 =	stileid.u32  }
0x5: {  	s5 =	srdreg.scid;
	s15 =	simm.s32 $0x1E880;
	s16 =	simm.s32 $0x1EB80  }
0x6: {  	s17 =	simm.s32 $0x160;
	s18 =	simm.s32 $0x1;
	s19 =	simm.s32 $0x1E9E0  }
0x7: {  	s20 =	simm.s32 $0x1ED00;
	s21 =	simm.s32 $0x100;
	s22 =	simm.s32 $0x1B880  }
0x8: {  	s23 =	simm.s32 $0x0;
	[smem:$0x7FF] =	sst s3;
	s4 =	sadd.s32 $0x15200, s7  }
0x9: {  	s9 =	sand.u32 $0x1, s5;
	s8 =	smul.u32 $0x4E200, s2;
	s5 =	sadd.s32 $0x1200, s7  }
0xa: {  	s6 =	sadd.s32 $0x3C400, s7;
	s12 =	sshll.u32 s2, $0x9;
	s14 =	sshll.u32 s2, $0x8  }
0xb: {  	_ =	strace $0x80000047;
	s11 =	ssub.s32 $0x2, s9;
	s12 =	sadd.s32 s12, s7  }
0xc: {  	s31 =	sshll.u32 s9, $0x4;
	s9 =	sshll.u32 s9, $0xD;
	s10 =	sadd.s32 s10, s14  }
0xd: {  	s14 =	simm.s32 $0x2;
	s13 =	sshrl.u32 s11, $0x1;
	s8 =	sshrl.u32 s8, $0x2  }
0xe: {  	s13 =	ssub.s32 s11, s13;
	s7 =	sadd.s32 s8, s1;
	s11 =	sor.u32 s2, s31  }
0xf: {  	s12 =	sadd.s32 s9, s12;
	s8 =	sadd.s32 $0xB000, s7;
	s9 =	smul.u32 $0x1D, s11  }
0x10: {  	v0 =	vimm.f32 $0.0e+00;
	s11 =	sadd.s32 $0x46400, s12;
	s12 =	smax.u32 s13, $0x1;
	s13 =	simm.s32 $0x13880  }
.LBB2_1:
0x11: {  	s24 =	simm.s32 $0x0;
	s25 =	simm.s32 $0x200  }
.LBB2_2:
0x12: {  	p0 =	sne.s32 s25, $0x2BE00;
	[tilespmem:s24+$0x138F0] =	vst v0  }
0x13: {  	[tilespmem:s24+$0x13880] =	vst v0  }
0x14: {  	[tilespmem:s24+$0x13890] =	vst v0  }
.Ltmp0:
0x15: {  	[tilespmem:s24+$0x138A0] =	vst v0;
	(pc) =	sbr.rel @p0 .LBB2_2-.Ltmp0, $4  }
0x16: {  	[tilespmem:s24+$0x138B0] =	vst v0  }
0x17: {  	[tilespmem:s24+$0x138C0] =	vst v0  }
0x18: {  	[tilespmem:s24+$0x138D0] =	vst v0  }
0x19: {  	[tilespmem:s24+$0x138E0] =	vst v0;
	s24 =	sshra.s32 s25, $0x2;
	s25 =	sadd.s32 $0x200, s25  }
0x1a: {  	[tilespmem:s24+$0x138F0] =	vst v0  }
0x1b: {  	[tilespmem:s24+$0x13880] =	vst v0  }
0x1c: {  	[tilespmem:s24+$0x13890] =	vst v0  }
0x1d: {  	[tilespmem:s24+$0x138A0] =	vst v0  }
0x1e: {  	[tilespmem:s24+$0x138B0] =	vst v0  }
0x1f: {  	[tilespmem:s24+$0x138C0] =	vst v0  }
0x20: {  	[tilespmem:s24+$0x138D0] =	vst v0  }
0x21: {  	[tilespmem:s24+$0x138E0] =	vst v0  }
0x22: {  	[spmem:s7] =	stream.linear.scatter [tilespmem:s13], [sflag:$0x2], $0xB000, $0x38;
	[tilespmem:$0x1F500] =	vst v63  }
0x23: {  	_ =	swait.ge [sflag:s14], $0xB000  }
0x24: {  	[sflag:s14] =	ssyncset.done $0x0  }
0x25: {  	[sflag:s14] =	ssyncadd.s32 $0xFFFF5000  }
0x26: {  	[spmem:s8] =	stream.linear.scatter [tilespmem:s13], [sflag:$0x2], $0x8880, $0x38;
	[tilespmem:$0x1F500] =	vst v63  }
0x27: {  	_ =	swait.ge [sflag:s14], $0x8880  }
0x28: {  	[sflag:s14] =	ssyncset.done $0x0  }
0x29: {  	[sflag:s14] =	ssyncadd.s32 $0xFFFF7780  }
0x2a: {  	s24 =	simm.s32 $0x0;
	s25 =	simm.s32 $0x0;
	[bflag:$0x0] =	sbarrier.arrive $0xFFFF  }
.LBB2_4:
0x2b: {  	s26 =	sadd.s32 s9, s25  }
0x2c: {  	s28 =	smul.u32 $0x58, s26;
	_ =	sdelay $0x1  }
0x2d: {  	s28 =	sadd.s32 s5, s28  }
0x2e: {  	[tilespmem:s15], [sflag:$0x2] =	stream.linear.gather [hbm4b:s28+s24], $0x2C0, $0x38;
	[tilespmem:$0x1F500] =	vst v63  }
0x2f: {  	s26 =	smul.u32 $0x2C, s26;
	_ =	swait.ge [sflag:s14], $0x2C0  }
0x30: {  	[sflag:s14] =	ssyncset.done $0x0  }
0x31: {  	s26 =	sadd.s32 s6, s26;
	[sflag:s14] =	ssyncadd.s32 $0xFFFFFD40  }
0x32: {  	[tilespmem:s16], [sflag:$0x2] =	stream.linear.gather [hbm4b:s26+s24], $0x160, $0x38;
	[tilespmem:$0x1F500] =	vst v63  }
0x33: {  	_ =	swait.ge [sflag:s14], $0x160  }
0x34: {  	[sflag:s14] =	ssyncset.done $0x0  }
0x35: {  	[sflag:s14] =	ssyncadd.s32 $0xFFFFFEA0  }
0x36: {  	[tilespmem:s13], [sflag:$0x1] =	stream.indirect.gather [hbm4b:s4+s17], $0x80, s15, s17, $0xb8;
	[tilespmem:$0x1F500] =	vst v63  }
0x37: {  	_ =	swait.ge [sflag:s18], $0xB000  }
0x38: {  	s31 =	simm.s32 $0x0;
	[sflag:s18] =	ssyncset.done $0x0  }
0x39: {  	s26 =	sand.u32 $0x3FFFFFF0, s31;
	[sflag:s18] =	ssyncadd.s32 $0xFFFF5000  }
0x3a: {  	s28 =	simm.s32 $0x0;
	v1 =	vld [tilespmem:s26+$0x1EB80]  }
0x3b: {  	s26 =	sand.u32 $0x3FFFF800, s28  }
0x3c: {  	v3 =	vld [tilespmem:s26+$0x138A0]  }
0x3d: {  	v4 =	vld [tilespmem:s26+$0x138B0]  }
0x3e: {  	v10 =	vld [tilespmem:s26+$0x138E0]  }
0x3f: {  	v11 =	vld [tilespmem:s26+$0x138F0];
	v2 =	vbroadcast v1, $0x0  }
0x40: {  	v12 =	vld [tilespmem:s26+$0x13900]  }
0x41: {  	v13 =	vld [tilespmem:s26+$0x13910];
	v3 =	vmul.f32 v3, v2  }
0x42: {  	v14 =	vld [tilespmem:s26+$0x13920];
	v4 =	vmul.f32 v4, v2  }
0x43: {  	v9 =	vld [tilespmem:s26+$0x13930];
	v23 =	vbroadcast v1, $0x1;
	v22 =	vmul.f32 v10, v2;
	[tilespmem:s26+$0x138A0] =	vst v3  }
0x44: {  	v7 =	vld [tilespmem:s26+$0x13940];
	v11 =	vmul.f32 v11, v2;
	[tilespmem:s26+$0x138B0] =	vst v4  }
0x45: {  	v8 =	vld [tilespmem:s26+$0x13950];
	v12 =	vmul.f32 v12, v23;
	[tilespmem:s26+$0x138E0] =	vst v22  }
0x46: {  	v25 =	vld [tilespmem:s26+$0x13970];
	v13 =	vmul.f32 v13, v23;
	[tilespmem:s26+$0x138F0] =	vst v11  }
0x47: {  	v26 =	vld [tilespmem:s26+$0x13980];
	v14 =	vmul.f32 v14, v23;
	[tilespmem:s26+$0x13900] =	vst v12  }
0x48: {  	v27 =	vld [tilespmem:s26+$0x13990];
	v9 =	vmul.f32 v9, v23;
	[tilespmem:s26+$0x13910] =	vst v13  }
0x49: {  	v6 =	vld [tilespmem:s26+$0x13DF0];
	v7 =	vmul.f32 v7, v23;
	[tilespmem:s26+$0x13920] =	vst v14  }
0x4a: {  	v24 =	vld [tilespmem:s26+$0x13960];
	v15 =	vbroadcast v1, $0x2;
	v8 =	vmul.f32 v8, v23;
	[tilespmem:s26+$0x13930] =	vst v9  }
0x4b: {  	v28 =	vld [tilespmem:s26+$0x139A0];
	v10 =	vmul.f32 v25, v23;
	[tilespmem:s26+$0x13940] =	vst v7  }
0x4c: {  	v29 =	vld [tilespmem:s26+$0x139B0];
	v5 =	vbroadcast v1, $0xA;
	v32 =	vmul.f32 v26, v15;
	[tilespmem:s26+$0x13950] =	vst v8  }
0x4d: {  	v30 =	vld [tilespmem:s26+$0x139C0];
	v34 =	vmul.f32 v27, v15;
	[tilespmem:s26+$0x13970] =	vst v10  }
0x4e: {  	v33 =	vld [tilespmem:s26+$0x139E0];
	v3 =	vmul.f32 v6, v5;
	[tilespmem:s26+$0x13980] =	vst v32  }
0x4f: {  	v35 =	vld [tilespmem:s26+$0x139F0];
	v11 =	vmul.f32 v24, v23;
	[tilespmem:s26+$0x13990] =	vst v34  }
0x50: {  	v36 =	vld [tilespmem:s26+$0x13A00];
	v9 =	vmul.f32 v28, v15;
	[tilespmem:s26+$0x13DF0] =	vst v3  }
0x51: {  	v31 =	vld [tilespmem:s26+$0x139D0];
	v7 =	vmul.f32 v29, v15;
	[tilespmem:s26+$0x13960] =	vst v11  }
0x52: {  	v37 =	vld [tilespmem:s26+$0x13A10];
	v8 =	vmul.f32 v30, v15;
	[tilespmem:s26+$0x139A0] =	vst v9  }
0x53: {  	v38 =	vld [tilespmem:s26+$0x13A20];
	v41 =	vbroadcast v1, $0x3;
	v10 =	vmul.f32 v33, v15;
	[tilespmem:s26+$0x139B0] =	vst v7  }
0x54: {  	v39 =	vld [tilespmem:s26+$0x13A30];
	v12 =	vmul.f32 v35, v15;
	[tilespmem:s26+$0x139C0] =	vst v8  }
0x55: {  	v42 =	vld [tilespmem:s26+$0x13A50];
	v13 =	vmul.f32 v36, v41;
	[tilespmem:s26+$0x139E0] =	vst v10  }
0x56: {  	v43 =	vld [tilespmem:s26+$0x13A60];
	v11 =	vmul.f32 v31, v15;
	[tilespmem:s26+$0x139F0] =	vst v12  }
0x57: {  	v44 =	vld [tilespmem:s26+$0x13A70];
	v9 =	vmul.f32 v37, v41;
	[tilespmem:s26+$0x13A00] =	vst v13  }
0x58: {  	v40 =	vld [tilespmem:s26+$0x13A40];
	v7 =	vmul.f32 v38, v41;
	[tilespmem:s26+$0x139D0] =	vst v11  }
0x59: {  	v45 =	vld [tilespmem:s26+$0x13A80];
	v8 =	vmul.f32 v39, v41;
	[tilespmem:s26+$0x13A10] =	vst v9  }
0x5a: {  	v46 =	vld [tilespmem:s26+$0x13A90];
	v10 =	vmul.f32 v42, v41;
	[tilespmem:s26+$0x13A20] =	vst v7  }
0x5b: {  	v47 =	vld [tilespmem:s26+$0x13AA0];
	v12 =	vmul.f32 v43, v41;
	[tilespmem:s26+$0x13A30] =	vst v8  }
0x5c: {  	v49 =	vld [tilespmem:s26+$0x13AC0];
	v50 =	vbroadcast v1, $0x4;
	v13 =	vmul.f32 v44, v41;
	[tilespmem:s26+$0x13A50] =	vst v10  }
0x5d: {  	v51 =	vld [tilespmem:s26+$0x13AD0];
	v11 =	vmul.f32 v40, v41;
	[tilespmem:s26+$0x13A60] =	vst v12  }
0x5e: {  	v52 =	vld [tilespmem:s26+$0x13AE0];
	v9 =	vmul.f32 v45, v50;
	[tilespmem:s26+$0x13A70] =	vst v13  }
0x5f: {  	v48 =	vld [tilespmem:s26+$0x13AB0];
	v7 =	vmul.f32 v46, v50;
	[tilespmem:s26+$0x13A40] =	vst v11  }
0x60: {  	v53 =	vld [tilespmem:s26+$0x13AF0];
	v8 =	vmul.f32 v47, v50;
	[tilespmem:s26+$0x13A80] =	vst v9  }
0x61: {  	v54 =	vld [tilespmem:s26+$0x13B00];
	v10 =	vmul.f32 v49, v50;
	[tilespmem:s26+$0x13A90] =	vst v7  }
0x62: {  	v55 =	vld [tilespmem:s26+$0x13B10];
	v12 =	vmul.f32 v51, v50;
	[tilespmem:s26+$0x13AA0] =	vst v8  }
0x63: {  	v57 =	vld [tilespmem:s26+$0x13B30];
	v13 =	vmul.f32 v52, v50;
	[tilespmem:s26+$0x13AC0] =	vst v10  }
0x64: {  	v58 =	vld [tilespmem:s26+$0x13B40];
	v59 =	vbroadcast v1, $0x5;
	v11 =	vmul.f32 v48, v50;
	[tilespmem:s26+$0x13AD0] =	vst v12  }
0x65: {  	v60 =	vld [tilespmem:s26+$0x13B50];
	v9 =	vmul.f32 v53, v50;
	[tilespmem:s26+$0x13AE0] =	vst v13  }
0x66: {  	v56 =	vld [tilespmem:s26+$0x13B20];
	v7 =	vmul.f32 v54, v59;
	[tilespmem:s26+$0x13AB0] =	vst v11  }
0x67: {  	v61 =	vld [tilespmem:s26+$0x13B60];
	v8 =	vmul.f32 v55, v59;
	[tilespmem:s26+$0x13AF0] =	vst v9  }
0x68: {  	v62 =	vld [tilespmem:s26+$0x13B70];
	v10 =	vmul.f32 v57, v59;
	[tilespmem:s26+$0x13B00] =	vst v7  }
0x69: {  	v63 =	vld [tilespmem:s26+$0x13B80];
	v12 =	vmul.f32 v58, v59;
	[tilespmem:s26+$0x13B10] =	vst v8  }
0x6a: {  	v19 =	vld [tilespmem:s26+$0x13BA0];
	v13 =	vmul.f32 v60, v59;
	[tilespmem:s26+$0x13B30] =	vst v10  }
0x6b: {  	v20 =	vld [tilespmem:s26+$0x13BB0];
	v11 =	vmul.f32 v56, v59;
	[tilespmem:s26+$0x13B40] =	vst v12  }
0x6c: {  	v21 =	vld [tilespmem:s26+$0x13BC0];
	v22 =	vbroadcast v1, $0x6;
	v9 =	vmul.f32 v61, v59;
	[tilespmem:s26+$0x13B50] =	vst v13  }
0x6d: {  	v18 =	vld [tilespmem:s26+$0x13B90];
	v7 =	vmul.f32 v62, v59;
	[tilespmem:s26+$0x13B20] =	vst v11  }
0x6e: {  	v23 =	vld [tilespmem:s26+$0x13BD0];
	v8 =	vmul.f32 v63, v22;
	[tilespmem:s26+$0x13B60] =	vst v9  }
0x6f: {  	v24 =	vld [tilespmem:s26+$0x13BE0];
	v10 =	vmul.f32 v19, v22;
	[tilespmem:s26+$0x13B70] =	vst v7  }
0x70: {  	v25 =	vld [tilespmem:s26+$0x13BF0];
	v12 =	vmul.f32 v20, v22;
	[tilespmem:s26+$0x13B80] =	vst v8  }
0x71: {  	v27 =	vld [tilespmem:s26+$0x13C10];
	v13 =	vmul.f32 v21, v22;
	[tilespmem:s26+$0x13BA0] =	vst v10  }
0x72: {  	v28 =	vld [tilespmem:s26+$0x13C20];
	v11 =	vmul.f32 v18, v22;
	[tilespmem:s26+$0x13BB0] =	vst v12  }
0x73: {  	v29 =	vld [tilespmem:s26+$0x13C30];
	v9 =	vmul.f32 v23, v22;
	[tilespmem:s26+$0x13BC0] =	vst v13  }
0x74: {  	v31 =	vbroadcast v1, $0x7;
	v53 =	vld [tilespmem:s26+$0x13D80];
	v7 =	vmul.f32 v24, v22;
	[tilespmem:s26+$0x13B90] =	vst v11  }
0x75: {  	v57 =	vld [tilespmem:s26+$0x13DC0];
	v8 =	vmul.f32 v25, v22;
	[tilespmem:s26+$0x13BD0] =	vst v9  }
0x76: {  	v58 =	vld [tilespmem:s26+$0x13DD0];
	v10 =	vmul.f32 v27, v31;
	[tilespmem:s26+$0x13BE0] =	vst v7  }
0x77: {  	v26 =	vld [tilespmem:s26+$0x13C00];
	v12 =	vmul.f32 v28, v31;
	[tilespmem:s26+$0x13BF0] =	vst v8  }
0x78: {  	v30 =	vld [tilespmem:s26+$0x13C40];
	v13 =	vmul.f32 v29, v31;
	[tilespmem:s26+$0x13C10] =	vst v10  }
0x79: {  	v32 =	vld [tilespmem:s26+$0x13C50];
	v59 =	vmul.f32 v53, v5;
	[tilespmem:s26+$0x13C20] =	vst v12  }
0x7a: {  	v33 =	vld [tilespmem:s26+$0x13C60];
	v18 =	vmul.f32 v57, v5;
	[tilespmem:s26+$0x13C30] =	vst v13  }
0x7b: {  	v35 =	vld [tilespmem:s26+$0x13C80];
	v20 =	vmul.f32 v58, v5;
	[tilespmem:s26+$0x13D80] =	vst v59  }
0x7c: {  	v36 =	vld [tilespmem:s26+$0x13C90];
	v11 =	vmul.f32 v26, v31;
	[tilespmem:s26+$0x13DC0] =	vst v18  }
0x7d: {  	v37 =	vld [tilespmem:s26+$0x13CA0];
	v9 =	vmul.f32 v30, v31;
	[tilespmem:s26+$0x13DD0] =	vst v20  }
0x7e: {  	v4 =	vld [tilespmem:s26+$0x13E00];
	v40 =	vbroadcast v1, $0x8;
	v7 =	vmul.f32 v32, v31;
	[tilespmem:s26+$0x13C00] =	vst v11  }
0x7f: {  	v6 =	vld [tilespmem:s26+$0x13E10];
	v8 =	vmul.f32 v33, v31;
	[tilespmem:s26+$0x13C40] =	vst v9  }
0x80: {  	v3 =	vld [tilespmem:s26+$0x14050];
	v10 =	vmul.f32 v35, v40;
	[tilespmem:s26+$0x13C50] =	vst v7  }
0x81: {  	v61 =	vld [tilespmem:s26+$0x13880];
	v23 =	vbroadcast v1, $0xB;
	v12 =	vmul.f32 v36, v40;
	[tilespmem:s26+$0x13C60] =	vst v8  }
0x82: {  	v34 =	vld [tilespmem:s26+$0x13C70];
	v13 =	vmul.f32 v37, v40;
	[tilespmem:s26+$0x13C80] =	vst v10  }
0x83: {  	v38 =	vld [tilespmem:s26+$0x13CB0];
	v27 =	vbroadcast v1, $0xF;
	v4 =	vmul.f32 v4, v23;
	[tilespmem:s26+$0x13C90] =	vst v12  }
0x84: {  	v39 =	vld [tilespmem:s26+$0x13CC0];
	v6 =	vmul.f32 v6, v23;
	[tilespmem:s26+$0x13CA0] =	vst v13  }
0x85: {  	v41 =	vld [tilespmem:s26+$0x13CD0];
	v3 =	vmul.f32 v3, v27;
	[tilespmem:s26+$0x13E00] =	vst v4  }
0x86: {  	v43 =	vld [tilespmem:s26+$0x13CF0];
	v24 =	vmul.f32 v2, v61;
	[tilespmem:s26+$0x13E10] =	vst v6  }
0x87: {  	v44 =	vld [tilespmem:s26+$0x13D00];
	v11 =	vmul.f32 v34, v31;
	[tilespmem:s26+$0x14050] =	vst v3  }
0x88: {  	v45 =	vld [tilespmem:s26+$0x13D10];
	v9 =	vmul.f32 v38, v40;
	[tilespmem:s26+$0x13880] =	vst v24  }
0x89: {  	v63 =	vld [tilespmem:s26+$0x138C0];
	v7 =	vmul.f32 v39, v40;
	[tilespmem:s26+$0x13C70] =	vst v11  }
0x8a: {  	v49 =	vbroadcast v1, $0x9;
	v29 =	vld [tilespmem:s26+$0x13E70];
	v8 =	vmul.f32 v41, v40;
	[tilespmem:s26+$0x13CB0] =	vst v9  }
0x8b: {  	v42 =	vld [tilespmem:s26+$0x13CE0];
	v10 =	vmul.f32 v43, v40;
	[tilespmem:s26+$0x13CC0] =	vst v7  }
0x8c: {  	v46 =	vld [tilespmem:s26+$0x13D20];
	v12 =	vmul.f32 v44, v49;
	[tilespmem:s26+$0x13CD0] =	vst v8  }
0x8d: {  	v47 =	vld [tilespmem:s26+$0x13D30];
	v13 =	vmul.f32 v45, v49;
	[tilespmem:s26+$0x13CF0] =	vst v10  }
0x8e: {  	v48 =	vld [tilespmem:s26+$0x13D40];
	v3 =	vmul.f32 v63, v2;
	[tilespmem:s26+$0x13D00] =	vst v12  }
0x8f: {  	v51 =	vld [tilespmem:s26+$0x13D60];
	v6 =	vmul.f32 v29, v23;
	[tilespmem:s26+$0x13D10] =	vst v13  }
0x90: {  	v52 =	vld [tilespmem:s26+$0x13D70];
	v11 =	vmul.f32 v42, v40;
	[tilespmem:s26+$0x138C0] =	vst v3  }
0x91: {  	v28 =	vld [tilespmem:s26+$0x13E60];
	v9 =	vmul.f32 v46, v49;
	[tilespmem:s26+$0x13E70] =	vst v6  }
0x92: {  	v26 =	vld [tilespmem:s26+$0x13E50];
	v7 =	vmul.f32 v47, v49;
	[tilespmem:s26+$0x13CE0] =	vst v11  }
0x93: {  	v30 =	vld [tilespmem:s26+$0x13E80];
	v8 =	vmul.f32 v48, v49;
	[tilespmem:s26+$0x13D20] =	vst v9  }
0x94: {  	v50 =	vld [tilespmem:s26+$0x13D50];
	v10 =	vmul.f32 v51, v49;
	[tilespmem:s26+$0x13D30] =	vst v7  }
0x95: {  	v54 =	vld [tilespmem:s26+$0x13D90];
	v12 =	vmul.f32 v52, v49;
	[tilespmem:s26+$0x13D40] =	vst v8  }
0x96: {  	v55 =	vld [tilespmem:s26+$0x13DA0];
	v35 =	vbroadcast v1, $0xC;
	v40 =	vmul.f32 v28, v23;
	[tilespmem:s26+$0x13D60] =	vst v10  }
0x97: {  	v56 =	vld [tilespmem:s26+$0x13DB0];
	v32 =	vmul.f32 v26, v23;
	[tilespmem:s26+$0x13D70] =	vst v12  }
0x98: {  	v60 =	vld [tilespmem:s26+$0x13DE0];
	v15 =	vmul.f32 v30, v35;
	[tilespmem:s26+$0x13E60] =	vst v40  }
0x99: {  	v62 =	vld [tilespmem:s26+$0x13890];
	v11 =	vmul.f32 v50, v49;
	[tilespmem:s26+$0x13E50] =	vst v32  }
0x9a: {  	v19 =	vld [tilespmem:s26+$0x138D0];
	v9 =	vmul.f32 v54, v5;
	[tilespmem:s26+$0x13E80] =	vst v15  }
0x9b: {  	v33 =	vld [tilespmem:s26+$0x13EB0];
	v7 =	vmul.f32 v55, v5;
	[tilespmem:s26+$0x13D50] =	vst v11  }
0x9c: {  	v61 =	vld [tilespmem:s26+$0x14070];
	v8 =	vmul.f32 v56, v5;
	[tilespmem:s26+$0x13D90] =	vst v9  }
0x9d: {  	v38 =	vld [tilespmem:s26+$0x13EF0];
	v5 =	vmul.f32 v60, v5;
	[tilespmem:s26+$0x13DA0] =	vst v7  }
0x9e: {  	v21 =	vld [tilespmem:s26+$0x13E20];
	v12 =	vmul.f32 v62, v2;
	[tilespmem:s26+$0x13DB0] =	vst v8  }
0x9f: {  	v22 =	vld [tilespmem:s26+$0x13E30];
	v2 =	vmul.f32 v19, v2;
	[tilespmem:s26+$0x13DE0] =	vst v5  }
0xa0: {  	v25 =	vld [tilespmem:s26+$0x13E40];
	v62 =	vmul.f32 v33, v35;
	[tilespmem:s26+$0x13890] =	vst v12  }
0xa1: {  	v31 =	vld [tilespmem:s26+$0x13E90];
	v63 =	vmul.f32 v61, v27;
	[tilespmem:s26+$0x138D0] =	vst v2  }
0xa2: {  	v34 =	vld [tilespmem:s26+$0x13EC0];
	v15 =	vmul.f32 v38, v35;
	[tilespmem:s26+$0x13EB0] =	vst v62  }
0xa3: {  	v41 =	vld [tilespmem:s26+$0x13F20];
	v7 =	vmul.f32 v21, v23;
	[tilespmem:s26+$0x14070] =	vst v63  }
0xa4: {  	v46 =	vld [tilespmem:s26+$0x13F60];
	v8 =	vmul.f32 v22, v23;
	[tilespmem:s26+$0x13EF0] =	vst v15  }
0xa5: {  	v36 =	vld [tilespmem:s26+$0x13ED0];
	v5 =	vmul.f32 v25, v23;
	[tilespmem:s26+$0x13E20] =	vst v7  }
0xa6: {  	v44 =	vbroadcast v1, $0xD;
	v9 =	vmul.f32 v31, v35;
	v2 =	vld [tilespmem:s26+$0x13F10];
	[tilespmem:s26+$0x13E30] =	vst v8  }
0xa7: {  	v37 =	vld [tilespmem:s26+$0x13EE0];
	v12 =	vmul.f32 v34, v35;
	[tilespmem:s26+$0x13E40] =	vst v5  }
0xa8: {  	v39 =	vld [tilespmem:s26+$0x13F00];
	v11 =	vmul.f32 v41, v44;
	[tilespmem:s26+$0x13E90] =	vst v9  }
0xa9: {  	v42 =	vld [tilespmem:s26+$0x13F30];
	v51 =	vmul.f32 v46, v44;
	[tilespmem:s26+$0x13EC0] =	vst v12  }
0xaa: {  	v48 =	vld [tilespmem:s26+$0x13F90];
	v8 =	vmul.f32 v36, v35;
	[tilespmem:s26+$0x13F20] =	vst v11  }
0xab: {  	v49 =	vld [tilespmem:s26+$0x13FA0];
	[tilespmem:s26+$0x13F60] =	vst v51;
	v2 =	vmul.f32 v2, v44  }
0xac: {  	v50 =	vld [tilespmem:s26+$0x13FB0];
	v5 =	vmul.f32 v37, v35;
	[tilespmem:s26+$0x13ED0] =	vst v8  }
0xad: {  	v1 =	vbroadcast v1, $0xE;
	v9 =	vmul.f32 v39, v44;
	[tilespmem:s26+$0x13F10] =	vst v2;
	v2 =	vld [tilespmem:s26+$0x13F80]  }
0xae: {  	v60 =	vld [tilespmem:s26+$0x14060];
	v12 =	vmul.f32 v42, v44;
	[tilespmem:s26+$0x13EE0] =	vst v5  }
0xaf: {  	v45 =	vld [tilespmem:s26+$0x13F50];
	v11 =	vmul.f32 v48, v1;
	[tilespmem:s26+$0x13F00] =	vst v9  }
0xb0: {  	v47 =	vld [tilespmem:s26+$0x13F70];
	v10 =	vmul.f32 v49, v1;
	[tilespmem:s26+$0x13F30] =	vst v12  }
0xb1: {  	v43 =	vld [tilespmem:s26+$0x13F40];
	v6 =	vmul.f32 v50, v1;
	[tilespmem:s26+$0x13F90] =	vst v11  }
0xb2: {  	v55 =	vld [tilespmem:s26+$0x14000];
	[tilespmem:s26+$0x13FA0] =	vst v10;
	v2 =	vmul.f32 v2, v1  }
0xb3: {  	v57 =	vld [tilespmem:s26+$0x14020];
	v4 =	vmul.f32 v60, v27;
	[tilespmem:s26+$0x13FB0] =	vst v6  }
0xb4: {  	v5 =	vmul.f32 v45, v44;
	[tilespmem:s26+$0x13F80] =	vst v2;
	v2 =	vld [tilespmem:s26+$0x13FF0]  }
0xb5: {  	v52 =	vld [tilespmem:s26+$0x13FC0];
	v9 =	vmul.f32 v47, v44;
	[tilespmem:s26+$0x14060] =	vst v4  }
0xb6: {  	v56 =	vld [tilespmem:s26+$0x14010];
	v8 =	vmul.f32 v43, v44;
	[tilespmem:s26+$0x13F50] =	vst v5  }
0xb7: {  	v54 =	vld [tilespmem:s26+$0x13FE0];
	v11 =	vmul.f32 v55, v27;
	[tilespmem:s26+$0x13F70] =	vst v9  }
0xb8: {  	v58 =	vld [tilespmem:s26+$0x14030];
	v6 =	vmul.f32 v57, v27;
	[tilespmem:s26+$0x13F40] =	vst v8  }
0xb9: {  	v53 =	vld [tilespmem:s26+$0x13FD0];
	[tilespmem:s26+$0x14000] =	vst v11;
	v2 =	vmul.f32 v2, v1  }
0xba: {  	v59 =	vld [tilespmem:s26+$0x14040];
	v5 =	vmul.f32 v52, v1;
	[tilespmem:s26+$0x14020] =	vst v6  }
0xbb: {  	[tilespmem:s26+$0x13FF0] =	vst v2;
	v2 =	vmul.f32 v56, v27  }
0xbc: {  	v3 =	vld [tilespmem:s26+$0x13EA0];
	v9 =	vmul.f32 v54, v1;
	[tilespmem:s26+$0x13FC0] =	vst v5  }
0xbd: {  	[tilespmem:s26+$0x14010] =	vst v2;
	v2 =	vmul.f32 v58, v27  }
0xbe: {  	[tilespmem:s26+$0x13FE0] =	vst v9;
	v1 =	vmul.f32 v53, v1  }
0xbf: {  	[tilespmem:s26+$0x14030] =	vst v2;
	v2 =	vmul.f32 v59, v27  }
0xc0: {  	[tilespmem:s26+$0x13FD0] =	vst v1  }
0xc1: {  	s28 =	simm.s32 $0x1;
	[tilespmem:s26+$0x14040] =	vst v2;
	v2 =	vmul.f32 v3, v35  }
.LBB2_5:
0xc2: {  	s29 =	sshll.u32 s28, $0x4  }
0xc3: {  	p0 =	sne.s32 s28, $0x15;
	[tilespmem:s26+$0x13EA0] =	vst v2;
	s26 =	smov.u32 s28;
	s28 =	sadd.s32 $0x1, s28  }
0xc4: {  	s29 =	sand.u32 $0x3FFFFFF0, s29  }
0xc5: {  	s26 =	sshll.u32 s26, $0xB;
	v1 =	vld [tilespmem:s29+$0x1EB80]  }
0xc6: {  	s26 =	sand.u32 $0x3FFFF800, s26  }
0xc7: {  	v8 =	vld [tilespmem:s26+$0x13940]  }
0xc8: {  	v9 =	vld [tilespmem:s26+$0x13950]  }
0xc9: {  	v10 =	vld [tilespmem:s26+$0x13930]  }
0xca: {  	v2 =	vbroadcast v1, $0x0;
	v3 =	vld [tilespmem:s26+$0x138A0];
	v7 =	vbroadcast v1, $0x4  }
0xcb: {  	v5 =	vld [tilespmem:s26+$0x138B0]  }
0xcc: {  	v6 =	vld [tilespmem:s26+$0x13DF0]  }
0xcd: {  	v11 =	vld [tilespmem:s26+$0x138E0]  }
0xce: {  	v12 =	vld [tilespmem:s26+$0x138F0]  }
0xcf: {  	v4 =	vbroadcast v1, $0xA;
	v3 =	vmul.f32 v3, v2;
	v13 =	vld [tilespmem:s26+$0x13900]  }
0xd0: {  	v5 =	vmul.f32 v5, v2;
	v14 =	vld [tilespmem:s26+$0x13910]  }
0xd1: {  	[tilespmem:s26+$0x138A0] =	vst v3;
	v15 =	vld [tilespmem:s26+$0x13920];
	v3 =	vmul.f32 v6, v4  }
0xd2: {  	[tilespmem:s26+$0x138B0] =	vst v5;
	v6 =	vmul.f32 v11, v2;
	v11 =	vbroadcast v1, $0x1;
	v5 =	vld [tilespmem:s26+$0x13E00]  }
0xd3: {  	v12 =	vmul.f32 v12, v2;
	[tilespmem:s26+$0x13DF0] =	vst v3;
	v3 =	vld [tilespmem:s26+$0x14050]  }
0xd4: {  	[tilespmem:s26+$0x138E0] =	vst v6;
	v13 =	vmul.f32 v13, v11;
	v6 =	vld [tilespmem:s26+$0x13E10]  }
0xd5: {  	[tilespmem:s26+$0x138F0] =	vst v12;
	v12 =	vmul.f32 v14, v11;
	v14 =	vld [tilespmem:s26+$0x13960]  }
0xd6: {  	[tilespmem:s26+$0x13900] =	vst v13;
	v13 =	vmul.f32 v15, v11;
	v15 =	vld [tilespmem:s26+$0x13970]  }
0xd7: {  	v10 =	vmul.f32 v10, v11;
	[tilespmem:s26+$0x13910] =	vst v12;
	v12 =	vld [tilespmem:s26+$0x13980]  }
0xd8: {  	v8 =	vmul.f32 v8, v11;
	[tilespmem:s26+$0x13920] =	vst v13;
	v13 =	vld [tilespmem:s26+$0x13990]  }
0xd9: {  	v9 =	vmul.f32 v9, v11;
	[tilespmem:s26+$0x13930] =	vst v10;
	v10 =	vld [tilespmem:s26+$0x139A0]  }
0xda: {  	[tilespmem:s26+$0x13940] =	vst v8;
	v8 =	vmul.f32 v14, v11;
	v14 =	vbroadcast v1, $0x2;
	v16 =	vld [tilespmem:s26+$0x139B0]  }
0xdb: {  	[tilespmem:s26+$0x13950] =	vst v9;
	v9 =	vmul.f32 v15, v11;
	v11 =	vld [tilespmem:s26+$0x139C0]  }
0xdc: {  	[tilespmem:s26+$0x13960] =	vst v8;
	v8 =	vmul.f32 v12, v14;
	v12 =	vld [tilespmem:s26+$0x139D0]  }
0xdd: {  	[tilespmem:s26+$0x13970] =	vst v9;
	v9 =	vmul.f32 v13, v14;
	v13 =	vld [tilespmem:s26+$0x139E0]  }
0xde: {  	[tilespmem:s26+$0x13980] =	vst v8;
	v8 =	vmul.f32 v10, v14;
	v10 =	vld [tilespmem:s26+$0x139F0]  }
0xdf: {  	[tilespmem:s26+$0x13990] =	vst v9;
	v9 =	vmul.f32 v16, v14;
	v15 =	vld [tilespmem:s26+$0x13A00]  }
0xe0: {  	[tilespmem:s26+$0x139A0] =	vst v8;
	v8 =	vmul.f32 v11, v14;
	v11 =	vld [tilespmem:s26+$0x13A10]  }
0xe1: {  	[tilespmem:s26+$0x139B0] =	vst v9;
	v9 =	vmul.f32 v12, v14;
	v12 =	vld [tilespmem:s26+$0x13A20]  }
0xe2: {  	[tilespmem:s26+$0x139C0] =	vst v8;
	v8 =	vmul.f32 v13, v14;
	v13 =	vbroadcast v1, $0x3;
	v16 =	vld [tilespmem:s26+$0x13A30]  }
0xe3: {  	[tilespmem:s26+$0x139D0] =	vst v9;
	v9 =	vmul.f32 v10, v14;
	v10 =	vld [tilespmem:s26+$0x13A40]  }
0xe4: {  	[tilespmem:s26+$0x139E0] =	vst v8;
	v8 =	vmul.f32 v15, v13;
	v14 =	vld [tilespmem:s26+$0x13A50]  }
0xe5: {  	[tilespmem:s26+$0x139F0] =	vst v9;
	v9 =	vmul.f32 v11, v13;
	v11 =	vld [tilespmem:s26+$0x13A60]  }
0xe6: {  	[tilespmem:s26+$0x13A00] =	vst v8;
	v8 =	vmul.f32 v12, v13;
	v12 =	vld [tilespmem:s26+$0x13A70]  }
0xe7: {  	[tilespmem:s26+$0x13A10] =	vst v9;
	v9 =	vmul.f32 v16, v13;
	v15 =	vld [tilespmem:s26+$0x13A80]  }
0xe8: {  	[tilespmem:s26+$0x13A20] =	vst v8;
	v8 =	vmul.f32 v10, v13;
	v10 =	vld [tilespmem:s26+$0x13A90]  }
0xe9: {  	[tilespmem:s26+$0x13A30] =	vst v9;
	v9 =	vmul.f32 v14, v13;
	v14 =	vld [tilespmem:s26+$0x13AA0]  }
0xea: {  	[tilespmem:s26+$0x13A40] =	vst v8;
	v8 =	vmul.f32 v11, v13;
	v11 =	vld [tilespmem:s26+$0x13AB0]  }
0xeb: {  	[tilespmem:s26+$0x13A50] =	vst v9;
	v9 =	vmul.f32 v12, v13;
	v12 =	vld [tilespmem:s26+$0x13AC0]  }
0xec: {  	[tilespmem:s26+$0x13A60] =	vst v8;
	v8 =	vmul.f32 v15, v7;
	v13 =	vld [tilespmem:s26+$0x13AD0]  }
0xed: {  	[tilespmem:s26+$0x13A70] =	vst v9;
	v9 =	vmul.f32 v10, v7;
	v10 =	vld [tilespmem:s26+$0x13AE0]  }
0xee: {  	[tilespmem:s26+$0x13A80] =	vst v8;
	v8 =	vmul.f32 v14, v7;
	v14 =	vld [tilespmem:s26+$0x13AF0]  }
0xef: {  	[tilespmem:s26+$0x13A90] =	vst v9;
	v9 =	vmul.f32 v11, v7;
	v11 =	vld [tilespmem:s26+$0x13B00]  }
0xf0: {  	[tilespmem:s26+$0x13AA0] =	vst v8;
	v8 =	vmul.f32 v12, v7;
	v12 =	vld [tilespmem:s26+$0x13B10]  }
0xf1: {  	[tilespmem:s26+$0x13AB0] =	vst v9;
	v9 =	vmul.f32 v13, v7;
	v13 =	vld [tilespmem:s26+$0x13B20]  }
0xf2: {  	[tilespmem:s26+$0x13AC0] =	vst v8;
	v8 =	vmul.f32 v10, v7;
	v10 =	vbroadcast v1, $0x5;
	v15 =	vld [tilespmem:s26+$0x13B30]  }
0xf3: {  	[tilespmem:s26+$0x13AD0] =	vst v9;
	v7 =	vmul.f32 v14, v7;
	v9 =	vld [tilespmem:s26+$0x13B40]  }
0xf4: {  	[tilespmem:s26+$0x13AE0] =	vst v8;
	v8 =	vmul.f32 v11, v10;
	v11 =	vld [tilespmem:s26+$0x13B50]  }
0xf5: {  	[tilespmem:s26+$0x13AF0] =	vst v7;
	v7 =	vmul.f32 v12, v10;
	v12 =	vld [tilespmem:s26+$0x13B60]  }
0xf6: {  	[tilespmem:s26+$0x13B00] =	vst v8;
	v8 =	vmul.f32 v13, v10;
	v13 =	vld [tilespmem:s26+$0x13B70]  }
0xf7: {  	[tilespmem:s26+$0x13B10] =	vst v7;
	v7 =	vmul.f32 v15, v10;
	v14 =	vld [tilespmem:s26+$0x13B80]  }
0xf8: {  	[tilespmem:s26+$0x13B20] =	vst v8;
	v8 =	vmul.f32 v9, v10;
	v9 =	vld [tilespmem:s26+$0x13B90]  }
0xf9: {  	[tilespmem:s26+$0x13B30] =	vst v7;
	v7 =	vmul.f32 v11, v10;
	v11 =	vld [tilespmem:s26+$0x13BA0]  }
0xfa: {  	[tilespmem:s26+$0x13B40] =	vst v8;
	v8 =	vmul.f32 v12, v10;
	v12 =	vbroadcast v1, $0x6;
	v15 =	vld [tilespmem:s26+$0x13BB0]  }
0xfb: {  	[tilespmem:s26+$0x13B50] =	vst v7;
	v7 =	vmul.f32 v13, v10;
	v10 =	vld [tilespmem:s26+$0x13BC0]  }
0xfc: {  	[tilespmem:s26+$0x13B60] =	vst v8;
	v8 =	vmul.f32 v14, v12;
	v13 =	vld [tilespmem:s26+$0x13BD0]  }
0xfd: {  	[tilespmem:s26+$0x13B70] =	vst v7;
	v7 =	vmul.f32 v9, v12;
	v9 =	vld [tilespmem:s26+$0x13BE0]  }
0xfe: {  	[tilespmem:s26+$0x13B80] =	vst v8;
	v8 =	vmul.f32 v11, v12;
	v11 =	vld [tilespmem:s26+$0x13BF0]  }
0xff: {  	[tilespmem:s26+$0x13B90] =	vst v7;
	v7 =	vmul.f32 v15, v12;
	v14 =	vld [tilespmem:s26+$0x13C00]  }
0x100: {  	[tilespmem:s26+$0x13BA0] =	vst v8;
	v8 =	vmul.f32 v10, v12;
	v10 =	vld [tilespmem:s26+$0x13C10]  }
0x101: {  	[tilespmem:s26+$0x13BB0] =	vst v7;
	v7 =	vmul.f32 v13, v12;
	v13 =	vld [tilespmem:s26+$0x13C20]  }
0x102: {  	[tilespmem:s26+$0x13BC0] =	vst v8;
	v8 =	vmul.f32 v9, v12;
	v9 =	vbroadcast v1, $0x7;
	v15 =	vld [tilespmem:s26+$0x13C30]  }
0x103: {  	[tilespmem:s26+$0x13BD0] =	vst v7;
	v7 =	vmul.f32 v11, v12;
	v11 =	vld [tilespmem:s26+$0x13C40]  }
0x104: {  	[tilespmem:s26+$0x13BE0] =	vst v8;
	v8 =	vmul.f32 v14, v9;
	v12 =	vld [tilespmem:s26+$0x13C50]  }
0x105: {  	[tilespmem:s26+$0x13BF0] =	vst v7;
	v7 =	vmul.f32 v10, v9;
	v10 =	vld [tilespmem:s26+$0x13C60]  }
0x106: {  	[tilespmem:s26+$0x13C00] =	vst v8;
	v8 =	vmul.f32 v13, v9;
	v13 =	vld [tilespmem:s26+$0x13C70]  }
0x107: {  	[tilespmem:s26+$0x13C10] =	vst v7;
	v7 =	vmul.f32 v15, v9;
	v14 =	vld [tilespmem:s26+$0x13C80]  }
0x108: {  	[tilespmem:s26+$0x13C20] =	vst v8;
	v8 =	vmul.f32 v11, v9;
	v11 =	vld [tilespmem:s26+$0x13C90]  }
0x109: {  	[tilespmem:s26+$0x13C30] =	vst v7;
	v7 =	vmul.f32 v12, v9;
	v12 =	vld [tilespmem:s26+$0x13CA0]  }
0x10a: {  	[tilespmem:s26+$0x13C40] =	vst v8;
	v8 =	vmul.f32 v10, v9;
	v10 =	vbroadcast v1, $0x8;
	v15 =	vld [tilespmem:s26+$0x13CB0]  }
0x10b: {  	[tilespmem:s26+$0x13C50] =	vst v7;
	v7 =	vmul.f32 v13, v9;
	v9 =	vld [tilespmem:s26+$0x13CC0]  }
0x10c: {  	[tilespmem:s26+$0x13C60] =	vst v8;
	v8 =	vmul.f32 v14, v10;
	v13 =	vld [tilespmem:s26+$0x13CD0]  }
0x10d: {  	[tilespmem:s26+$0x13C70] =	vst v7;
	v7 =	vmul.f32 v11, v10;
	v11 =	vld [tilespmem:s26+$0x13CE0]  }
0x10e: {  	[tilespmem:s26+$0x13C80] =	vst v8;
	v8 =	vmul.f32 v12, v10;
	v12 =	vld [tilespmem:s26+$0x13CF0]  }
0x10f: {  	[tilespmem:s26+$0x13C90] =	vst v7;
	v7 =	vmul.f32 v15, v10;
	v14 =	vld [tilespmem:s26+$0x13D00]  }
0x110: {  	[tilespmem:s26+$0x13CA0] =	vst v8;
	v8 =	vmul.f32 v9, v10;
	v9 =	vld [tilespmem:s26+$0x13D10]  }
0x111: {  	[tilespmem:s26+$0x13CB0] =	vst v7;
	v7 =	vmul.f32 v13, v10;
	v13 =	vld [tilespmem:s26+$0x13D20]  }
0x112: {  	[tilespmem:s26+$0x13CC0] =	vst v8;
	v8 =	vmul.f32 v11, v10;
	v11 =	vbroadcast v1, $0x9;
	v15 =	vld [tilespmem:s26+$0x13D30]  }
0x113: {  	[tilespmem:s26+$0x13CD0] =	vst v7;
	v7 =	vmul.f32 v12, v10;
	v10 =	vld [tilespmem:s26+$0x13D40]  }
0x114: {  	[tilespmem:s26+$0x13CE0] =	vst v8;
	v8 =	vmul.f32 v14, v11;
	v12 =	vld [tilespmem:s26+$0x13D50]  }
0x115: {  	[tilespmem:s26+$0x13CF0] =	vst v7;
	v7 =	vmul.f32 v9, v11;
	v9 =	vld [tilespmem:s26+$0x13D60]  }
0x116: {  	[tilespmem:s26+$0x13D00] =	vst v8;
	v8 =	vmul.f32 v13, v11;
	v13 =	vld [tilespmem:s26+$0x13D70]  }
0x117: {  	[tilespmem:s26+$0x13D10] =	vst v7;
	v7 =	vmul.f32 v15, v11;
	v14 =	vld [tilespmem:s26+$0x13D80]  }
0x118: {  	[tilespmem:s26+$0x13D20] =	vst v8;
	v8 =	vmul.f32 v10, v11;
	v10 =	vld [tilespmem:s26+$0x13D90]  }
0x119: {  	[tilespmem:s26+$0x13D30] =	vst v7;
	v7 =	vmul.f32 v12, v11;
	v12 =	vld [tilespmem:s26+$0x13DA0]  }
0x11a: {  	[tilespmem:s26+$0x13D40] =	vst v8;
	v8 =	vmul.f32 v9, v11;
	v9 =	vld [tilespmem:s26+$0x13DB0]  }
0x11b: {  	[tilespmem:s26+$0x13D50] =	vst v7;
	v7 =	vmul.f32 v13, v11;
	v11 =	vld [tilespmem:s26+$0x13DC0]  }
0x11c: {  	[tilespmem:s26+$0x13D60] =	vst v8;
	v8 =	vmul.f32 v14, v4;
	v13 =	vld [tilespmem:s26+$0x13DD0]  }
0x11d: {  	[tilespmem:s26+$0x13D70] =	vst v7;
	v7 =	vmul.f32 v10, v4;
	v10 =	vld [tilespmem:s26+$0x13DE0]  }
0x11e: {  	v14 =	vld [tilespmem:s26+$0x13880];
	[tilespmem:s26+$0x13D80] =	vst v8;
	v8 =	vmul.f32 v12, v4  }
0x11f: {  	v12 =	vld [tilespmem:s26+$0x13890];
	[tilespmem:s26+$0x13D90] =	vst v7;
	v7 =	vmul.f32 v9, v4  }
0x120: {  	v9 =	vld [tilespmem:s26+$0x138C0];
	[tilespmem:s26+$0x13DA0] =	vst v8;
	v8 =	vmul.f32 v11, v4  }
0x121: {  	v11 =	vld [tilespmem:s26+$0x138D0];
	[tilespmem:s26+$0x13DB0] =	vst v7;
	v7 =	vmul.f32 v13, v4  }
0x122: {  	[tilespmem:s26+$0x13DC0] =	vst v8;
	v8 =	vmul.f32 v10, v4;
	v10 =	vbroadcast v1, $0xB;
	v13 =	vld [tilespmem:s26+$0x13E20]  }
0x123: {  	v4 =	vbroadcast v1, $0xF;
	v14 =	vmul.f32 v2, v14;
	[tilespmem:s26+$0x13DD0] =	vst v7;
	v7 =	vld [tilespmem:s26+$0x13E30]  }
0x124: {  	v12 =	vmul.f32 v12, v2;
	[tilespmem:s26+$0x13DE0] =	vst v8;
	v5 =	vmul.f32 v5, v10;
	v8 =	vld [tilespmem:s26+$0x13E40]  }
0x125: {  	v6 =	vmul.f32 v6, v10;
	[tilespmem:s26+$0x13880] =	vst v14;
	v9 =	vmul.f32 v9, v2;
	v14 =	vld [tilespmem:s26+$0x13E50]  }
0x126: {  	v3 =	vmul.f32 v3, v4;
	v11 =	vmul.f32 v11, v2;
	[tilespmem:s26+$0x13E00] =	vst v5;
	v2 =	vld [tilespmem:s26+$0x13E60]  }
0x127: {  	[tilespmem:s26+$0x13E10] =	vst v6;
	v5 =	vmul.f32 v13, v10;
	v6 =	vld [tilespmem:s26+$0x13E70]  }
0x128: {  	v7 =	vmul.f32 v7, v10;
	v13 =	vld [tilespmem:s26+$0x13E80];
	[tilespmem:s26+$0x14050] =	vst v3  }
0x129: {  	[tilespmem:s26+$0x13890] =	vst v12;
	v3 =	vmul.f32 v8, v10;
	v8 =	vld [tilespmem:s26+$0x13E90]  }
0x12a: {  	[tilespmem:s26+$0x138C0] =	vst v9;
	v9 =	vmul.f32 v14, v10;
	v12 =	vld [tilespmem:s26+$0x13EA0]  }
0x12b: {  	v14 =	vbroadcast v1, $0xC;
	[tilespmem:s26+$0x13E20] =	vst v5;
	v5 =	vmul.f32 v2, v10;
	v15 =	vld [tilespmem:s26+$0x13EB0]  }
0x12c: {  	[tilespmem:s26+$0x13E50] =	vst v9;
	v6 =	vmul.f32 v6, v10;
	v9 =	vld [tilespmem:s26+$0x13EC0]  }
0x12d: {  	[tilespmem:s26+$0x13E30] =	vst v7;
	v2 =	vmul.f32 v13, v14;
	v7 =	vld [tilespmem:s26+$0x13ED0]  }
0x12e: {  	[tilespmem:s26+$0x13E40] =	vst v3;
	v3 =	vmul.f32 v8, v14;
	v8 =	vld [tilespmem:s26+$0x13EE0]  }
0x12f: {  	[tilespmem:s26+$0x13E80] =	vst v2;
	v2 =	vmul.f32 v12, v14;
	v10 =	vld [tilespmem:s26+$0x13EF0]  }
0x130: {  	[tilespmem:s26+$0x13E90] =	vst v3;
	v3 =	vld [tilespmem:s26+$0x13F00]  }
0x131: {  	[tilespmem:s26+$0x138D0] =	vst v11;
	v9 =	vmul.f32 v9, v14;
	v11 =	vld [tilespmem:s26+$0x13F10]  }
0x132: {  	[tilespmem:s26+$0x13E60] =	vst v5;
	v5 =	vmul.f32 v7, v14;
	v7 =	vld [tilespmem:s26+$0x13F20]  }
0x133: {  	[tilespmem:s26+$0x13EC0] =	vst v9;
	v8 =	vmul.f32 v8, v14;
	v9 =	vbroadcast v1, $0xD;
	v12 =	vld [tilespmem:s26+$0x13F30]  }
0x134: {  	[tilespmem:s26+$0x13ED0] =	vst v5;
	v5 =	vmul.f32 v10, v14;
	v10 =	vld [tilespmem:s26+$0x13F40]  }
0x135: {  	[tilespmem:s26+$0x13EE0] =	vst v8;
	v3 =	vmul.f32 v3, v9;
	v8 =	vld [tilespmem:s26+$0x13F50]  }
0x136: {  	[tilespmem:s26+$0x13EF0] =	vst v5;
	v5 =	vmul.f32 v11, v9;
	v11 =	vld [tilespmem:s26+$0x13F60]  }
0x137: {  	[tilespmem:s26+$0x13F00] =	vst v3;
	v3 =	vmul.f32 v7, v9;
	v7 =	vld [tilespmem:s26+$0x13F70]  }
0x138: {  	[tilespmem:s26+$0x13F10] =	vst v5;
	v5 =	vmul.f32 v12, v9;
	v12 =	vld [tilespmem:s26+$0x13F80]  }
0x139: {  	[tilespmem:s26+$0x13F20] =	vst v3;
	v3 =	vmul.f32 v10, v9;
	v10 =	vld [tilespmem:s26+$0x13F90]  }
0x13a: {  	[tilespmem:s26+$0x13F30] =	vst v5;
	v5 =	vmul.f32 v8, v9;
	v8 =	vld [tilespmem:s26+$0x13FA0]  }
0x13b: {  	v1 =	vbroadcast v1, $0xE;
	[tilespmem:s26+$0x13E70] =	vst v6;
	v6 =	vmul.f32 v11, v9;
	v11 =	vld [tilespmem:s26+$0x13FB0]  }
0x13c: {  	[tilespmem:s26+$0x13F50] =	vst v5;
	v5 =	vmul.f32 v7, v9;
	v7 =	vld [tilespmem:s26+$0x13FC0]  }
0x13d: {  	[tilespmem:s26+$0x13F60] =	vst v6;
	v6 =	vmul.f32 v12, v1;
	v9 =	vld [tilespmem:s26+$0x13FD0]  }
0x13e: {  	[tilespmem:s26+$0x13F70] =	vst v5;
	v5 =	vmul.f32 v10, v1;
	v10 =	vld [tilespmem:s26+$0x13FE0]  }
0x13f: {  	[tilespmem:s26+$0x13F80] =	vst v6;
	v6 =	vmul.f32 v8, v1;
	v8 =	vld [tilespmem:s26+$0x13FF0]  }
0x140: {  	[tilespmem:s26+$0x13F90] =	vst v5;
	v5 =	vmul.f32 v11, v1;
	v11 =	vld [tilespmem:s26+$0x14000]  }
0x141: {  	[tilespmem:s26+$0x13FA0] =	vst v6;
	v6 =	vmul.f32 v7, v1;
	v7 =	vld [tilespmem:s26+$0x14010]  }
0x142: {  	[tilespmem:s26+$0x13FB0] =	vst v5;
	v5 =	vmul.f32 v9, v1;
	v9 =	vld [tilespmem:s26+$0x14020]  }
0x143: {  	[tilespmem:s26+$0x13FC0] =	vst v6;
	v6 =	vmul.f32 v10, v1;
	v10 =	vld [tilespmem:s26+$0x14030]  }
0x144: {  	[tilespmem:s26+$0x13F40] =	vst v3;
	v1 =	vmul.f32 v8, v1;
	v3 =	vld [tilespmem:s26+$0x14040]  }
0x145: {  	[tilespmem:s26+$0x13FE0] =	vst v6;
	v6 =	vmul.f32 v11, v4;
	v8 =	vld [tilespmem:s26+$0x14060]  }
0x146: {  	[tilespmem:s26+$0x13FF0] =	vst v1;
	v1 =	vmul.f32 v7, v4;
	v7 =	vld [tilespmem:s26+$0x14070]  }
0x147: {  	[tilespmem:s26+$0x14000] =	vst v6;
	v6 =	vmul.f32 v9, v4  }
0x148: {  	[tilespmem:s26+$0x14010] =	vst v1;
	v1 =	vmul.f32 v10, v4  }
0x149: {  	v9 =	vmul.f32 v15, v14;
	[tilespmem:s26+$0x14020] =	vst v6  }
0x14a: {  	[tilespmem:s26+$0x14030] =	vst v1;
	v1 =	vmul.f32 v3, v4  }
.Ltmp1:
0x14b: {  	[tilespmem:s26+$0x13EB0] =	vst v9;
	v3 =	vmul.f32 v7, v4;
	(pc) =	sbr.rel @p0 .LBB2_5-.Ltmp1, $4  }
0x14c: {  	[tilespmem:s26+$0x14040] =	vst v1  }
0x14d: {  	v1 =	vmul.f32 v8, v4;
	[tilespmem:s26+$0x14070] =	vst v3  }
0x14e: {  	[tilespmem:s26+$0x13FD0] =	vst v5  }
0x14f: {  	[tilespmem:s26+$0x14060] =	vst v1  }
0x150: {  	s25 =	sadd.s32 $0x1, s25  }
0x151: {  	p0 =	sne.s32 s25, $0x1D  }
.Ltmp2:
0x152: {  	[tilespmem:s26+$0x13EA0] =	vst v2;
	(pc) =	sbr.rel @p0 .LBB2_4-.Ltmp2, $4  }
0x153: {  	[spmem:s1] =	stream.indirect.scatter.add.f32 [tilespmem:s13], [sflag:$0x2], $0x80, s19, s17, $0xb8;
	[tilespmem:$0x1F500] =	vst v63  }
0x154: {  	_ =	swait.ge [sflag:s14], $0xB000  }
0x155: {  	[sflag:s14] =	ssyncset.done $0x0  }
0x156: {  	[sflag:s14] =	ssyncadd.s32 $0xFFFF5000  }
0x157: {  	[bflag:$0x0] =	sbarrier.arrive $0xFFFF;
	s24 =	simm.s32 $0x0  }
0x158: {  	[tilespmem:s20], [sflag:$0x2] =	stream.linear.gather [hbm4b:s10+s24], $0x800, $0x38;
	[tilespmem:$0x1F500] =	vst v63  }
0x159: {  	_ =	swait.ge [sflag:s14], $0x800  }
0x15a: {  	[sflag:s14] =	ssyncset.done $0x0  }
0x15b: {  	[sflag:s14] =	ssyncadd.s32 $0xFFFFF800  }
.LBB2_8:
0x15c: {  	s25 =	sshll.u32 s24, $0x8  }
0x15d: {  	s25 =	sand.u32 $0x3FFFFF00, s25  }
0x15e: {  	s25 =	sadd.s32 $0x1ED00, s25  }
0x15f: {  	[tilespmem:s13], [sflag:$0x1] =	stream.indirect.gather [spmem:s1], $0x80, s25, s21, $0xb8;
	[tilespmem:$0x1F500] =	vst v63  }
0x160: {  	_ =	swait.ge [sflag:s18], $0x8000  }
0x161: {  	[sflag:s18] =	ssyncset.done $0x0  }
0x162: {  	s28 =	simm.s32 $0x0;
	[sflag:s18] =	ssyncadd.s32 $0xFFFF8000  }
0x163: {  	v1 =	vld [tilespmem:s28+$0x138F0]  }
0x164: {  	v2 =	vld [tilespmem:s28+$0x13880]  }
0x165: {  	v4 =	vld [tilespmem:s28+$0x13890]  }
0x166: {  	v13 =	vld [tilespmem:s28+$0x138A0]  }
0x167: {  	v11 =	vld [tilespmem:s28+$0x138B0]  }
0x168: {  	v3 =	vimm.f32 $0.0e+00;
	v7 =	vimm.f32 $0.0e+00;
	v6 =	vld [tilespmem:s28+$0x138C0]  }
0x169: {  	v8 =	vimm.f32 $0.0e+00;
	v9 =	vld [tilespmem:s28+$0x138D0];
	v1 =	vadd.f32 v1, v3;
	v10 =	vadd.f32 v2, v3  }
0x16a: {  	s26 =	simm.s32 $0x400;
	s25 =	simm.s32 $0x80;
	v12 =	vld [tilespmem:s28+$0x138E0];
	v5 =	vadd.f32 v4, v3;
	v4 =	vimm.f32 $0.0e+00;
	v2 =	vimm.f32 $0.0e+00  }
.LBB2_9:
0x16b: {  	p0 =	sne.s32 s26, $0x7E00;
	v14 =	vld [tilespmem:s25+$0x138F0];
	v3 =	vadd.f32 v13, v3  }
0x16c: {  	v15 =	vld [tilespmem:s25+$0x13880];
	v7 =	vadd.f32 v11, v7  }
0x16d: {  	v16 =	vld [tilespmem:s25+$0x13890];
	v8 =	vadd.f32 v6, v8  }
.Ltmp3:
0x16e: {  	v13 =	vld [tilespmem:s25+$0x138A0];
	v4 =	vadd.f32 v9, v4;
	(pc) =	sbr.rel @p0 .LBB2_9-.Ltmp3, $4  }
0x16f: {  	v11 =	vld [tilespmem:s25+$0x138B0];
	v2 =	vadd.f32 v12, v2  }
0x170: {  	v6 =	vld [tilespmem:s25+$0x138C0];
	v1 =	vadd.f32 v14, v1  }
0x171: {  	v10 =	vadd.f32 v15, v10;
	v9 =	vld [tilespmem:s25+$0x138D0]  }
0x172: {  	v5 =	vadd.f32 v16, v5;
	v12 =	vld [tilespmem:s25+$0x138E0];
	s25 =	sshra.s32 s26, $0x2;
	s26 =	sadd.s32 $0x200, s26  }
0x173: {  	v14 =	vld [tilespmem:s25+$0x138F0]  }
0x174: {  	v15 =	vld [tilespmem:s25+$0x13880]  }
0x175: {  	v16 =	vld [tilespmem:s25+$0x13890]  }
0x176: {  	v17 =	vld [tilespmem:s25+$0x138A0]  }
0x177: {  	v18 =	vld [tilespmem:s25+$0x138B0]  }
0x178: {  	v19 =	vld [tilespmem:s25+$0x138C0];
	v3 =	vadd.f32 v13, v3  }
0x179: {  	s26 =	sshll.u32 s24, $0x9;
	v7 =	vadd.f32 v11, v7;
	v11 =	vld [tilespmem:s25+$0x138E0];
	v10 =	vadd.f32 v15, v10  }
0x17a: {  	v13 =	vld [tilespmem:s25+$0x138D0];
	s25 =	sand.u32 $0x3FFFFE00, s26;
	v5 =	vadd.f32 v16, v5  }
0x17b: {  	v3 =	vadd.f32 v17, v3;
	[tilespmem:s25+$0x1B880] =	vst v10  }
0x17c: {  	v2 =	vadd.f32 v12, v2;
	v7 =	vadd.f32 v18, v7;
	[tilespmem:s25+$0x1B890] =	vst v5  }
0x17d: {  	v6 =	vadd.f32 v6, v8;
	v1 =	vadd.f32 v14, v1;
	[tilespmem:s25+$0x1B8A0] =	vst v3  }
0x17e: {  	v4 =	vadd.f32 v9, v4;
	v2 =	vadd.f32 v11, v2;
	[tilespmem:s25+$0x1B8B0] =	vst v7  }
0x17f: {  	v5 =	vadd.f32 v19, v6;
	[tilespmem:s25+$0x1B8F0] =	vst v1  }
0x180: {  	v3 =	vadd.f32 v13, v4;
	[tilespmem:s25+$0x1B8E0] =	vst v2  }
0x181: {  	[tilespmem:s25+$0x1B8C0] =	vst v5  }
0x182: {  	s29 =	simm.s32 $0x0;
	[tilespmem:s25+$0x1B8D0] =	vst v3  }
0x183: {  	v1 =	vld [tilespmem:s29+$0x158F0]  }
0x184: {  	v3 =	vld [tilespmem:s29+$0x15880]  }
0x185: {  	v4 =	vld [tilespmem:s29+$0x15890]  }
0x186: {  	v12 =	vld [tilespmem:s29+$0x158A0]  }
0x187: {  	v11 =	vld [tilespmem:s29+$0x158B0]  }
0x188: {  	v9 =	vimm.f32 $0.0e+00;
	v2 =	vimm.f32 $0.0e+00;
	v8 =	vld [tilespmem:s29+$0x158C0]  }
0x189: {  	v7 =	vimm.f32 $0.0e+00;
	v5 =	vimm.f32 $0.0e+00;
	v10 =	vld [tilespmem:s29+$0x158D0];
	v1 =	vadd.f32 v1, v2  }
0x18a: {  	s28 =	simm.s32 $0x400;
	s26 =	simm.s32 $0x80;
	v13 =	vld [tilespmem:s29+$0x158E0];
	v6 =	vadd.f32 v3, v2;
	v4 =	vadd.f32 v4, v2;
	v3 =	vimm.f32 $0.0e+00  }
.LBB2_11:
0x18b: {  	p0 =	sne.s32 s28, $0x7E00;
	v14 =	vld [tilespmem:s26+$0x158F0];
	v2 =	vadd.f32 v12, v2  }
0x18c: {  	v15 =	vld [tilespmem:s26+$0x15880];
	v7 =	vadd.f32 v11, v7  }
0x18d: {  	v16 =	vld [tilespmem:s26+$0x15890];
	v9 =	vadd.f32 v8, v9  }
.Ltmp4:
0x18e: {  	v12 =	vld [tilespmem:s26+$0x158A0];
	v5 =	vadd.f32 v10, v5;
	(pc) =	sbr.rel @p0 .LBB2_11-.Ltmp4, $4  }
0x18f: {  	v11 =	vld [tilespmem:s26+$0x158B0];
	v3 =	vadd.f32 v13, v3  }
0x190: {  	v8 =	vld [tilespmem:s26+$0x158C0];
	v1 =	vadd.f32 v14, v1  }
0x191: {  	v6 =	vadd.f32 v15, v6;
	v10 =	vld [tilespmem:s26+$0x158D0]  }
0x192: {  	v4 =	vadd.f32 v16, v4;
	v13 =	vld [tilespmem:s26+$0x158E0];
	s26 =	sshra.s32 s28, $0x2;
	s28 =	sadd.s32 $0x200, s28  }
0x193: {  	v15 =	vld [tilespmem:s26+$0x15880]  }
0x194: {  	v16 =	vld [tilespmem:s26+$0x15890]  }
0x195: {  	v17 =	vld [tilespmem:s26+$0x158A0]  }
0x196: {  	v14 =	vld [tilespmem:s26+$0x158F0]  }
0x197: {  	v7 =	vadd.f32 v11, v7;
	v11 =	vld [tilespmem:s26+$0x158E0]  }
0x198: {  	v18 =	vld [tilespmem:s26+$0x158B0];
	v2 =	vadd.f32 v12, v2;
	v6 =	vadd.f32 v15, v6  }
0x199: {  	v19 =	vld [tilespmem:s26+$0x158C0];
	v4 =	vadd.f32 v16, v4  }
0x19a: {  	v12 =	vld [tilespmem:s26+$0x158D0];
	v3 =	vadd.f32 v13, v3;
	v2 =	vadd.f32 v17, v2;
	[tilespmem:s25+$0x1B900] =	vst v6  }
0x19b: {  	v1 =	vadd.f32 v14, v1;
	[tilespmem:s25+$0x1B910] =	vst v4  }
0x19c: {  	v8 =	vadd.f32 v8, v9;
	v3 =	vadd.f32 v11, v3;
	[tilespmem:s25+$0x1B920] =	vst v2  }
0x19d: {  	v5 =	vadd.f32 v10, v5;
	v6 =	vadd.f32 v18, v7;
	[tilespmem:s25+$0x1B970] =	vst v1  }
0x19e: {  	v4 =	vadd.f32 v19, v8;
	[tilespmem:s25+$0x1B960] =	vst v3  }
0x19f: {  	v2 =	vadd.f32 v12, v5;
	[tilespmem:s25+$0x1B930] =	vst v6  }
0x1a0: {  	[tilespmem:s25+$0x1B940] =	vst v4  }
0x1a1: {  	s29 =	simm.s32 $0x0;
	[tilespmem:s25+$0x1B950] =	vst v2  }
0x1a2: {  	v1 =	vld [tilespmem:s29+$0x178F0]  }
0x1a3: {  	v3 =	vld [tilespmem:s29+$0x17880]  }
0x1a4: {  	v4 =	vld [tilespmem:s29+$0x17890]  }
0x1a5: {  	v12 =	vld [tilespmem:s29+$0x178A0]  }
0x1a6: {  	v11 =	vld [tilespmem:s29+$0x178B0]  }
0x1a7: {  	v9 =	vimm.f32 $0.0e+00;
	v2 =	vimm.f32 $0.0e+00;
	v8 =	vld [tilespmem:s29+$0x178C0]  }
0x1a8: {  	v7 =	vimm.f32 $0.0e+00;
	v5 =	vimm.f32 $0.0e+00;
	v10 =	vld [tilespmem:s29+$0x178D0];
	v1 =	vadd.f32 v1, v2  }
0x1a9: {  	s28 =	simm.s32 $0x400;
	s26 =	simm.s32 $0x80;
	v13 =	vld [tilespmem:s29+$0x178E0];
	v6 =	vadd.f32 v3, v2;
	v4 =	vadd.f32 v4, v2;
	v3 =	vimm.f32 $0.0e+00  }
.LBB2_13:
0x1aa: {  	p0 =	sne.s32 s28, $0x7E00;
	v14 =	vld [tilespmem:s26+$0x178F0];
	v2 =	vadd.f32 v12, v2  }
0x1ab: {  	v15 =	vld [tilespmem:s26+$0x17880];
	v7 =	vadd.f32 v11, v7  }
0x1ac: {  	v16 =	vld [tilespmem:s26+$0x17890];
	v9 =	vadd.f32 v8, v9  }
.Ltmp5:
0x1ad: {  	v12 =	vld [tilespmem:s26+$0x178A0];
	v5 =	vadd.f32 v10, v5;
	(pc) =	sbr.rel @p0 .LBB2_13-.Ltmp5, $4  }
0x1ae: {  	v11 =	vld [tilespmem:s26+$0x178B0];
	v3 =	vadd.f32 v13, v3  }
0x1af: {  	v8 =	vld [tilespmem:s26+$0x178C0];
	v1 =	vadd.f32 v14, v1  }
0x1b0: {  	v6 =	vadd.f32 v15, v6;
	v10 =	vld [tilespmem:s26+$0x178D0]  }
0x1b1: {  	v4 =	vadd.f32 v16, v4;
	v13 =	vld [tilespmem:s26+$0x178E0];
	s26 =	sshra.s32 s28, $0x2;
	s28 =	sadd.s32 $0x200, s28  }
0x1b2: {  	v15 =	vld [tilespmem:s26+$0x17880]  }
0x1b3: {  	v16 =	vld [tilespmem:s26+$0x17890]  }
0x1b4: {  	v17 =	vld [tilespmem:s26+$0x178A0]  }
0x1b5: {  	v14 =	vld [tilespmem:s26+$0x178F0]  }
0x1b6: {  	v7 =	vadd.f32 v11, v7;
	v11 =	vld [tilespmem:s26+$0x178E0]  }
0x1b7: {  	v18 =	vld [tilespmem:s26+$0x178B0];
	v2 =	vadd.f32 v12, v2;
	v6 =	vadd.f32 v15, v6  }
0x1b8: {  	v19 =	vld [tilespmem:s26+$0x178C0];
	v4 =	vadd.f32 v16, v4  }
0x1b9: {  	v12 =	vld [tilespmem:s26+$0x178D0];
	v3 =	vadd.f32 v13, v3;
	v2 =	vadd.f32 v17, v2;
	[tilespmem:s25+$0x1B980] =	vst v6  }
0x1ba: {  	v1 =	vadd.f32 v14, v1;
	[tilespmem:s25+$0x1B990] =	vst v4  }
0x1bb: {  	v8 =	vadd.f32 v8, v9;
	v3 =	vadd.f32 v11, v3;
	[tilespmem:s25+$0x1B9A0] =	vst v2  }
0x1bc: {  	v5 =	vadd.f32 v10, v5;
	v6 =	vadd.f32 v18, v7;
	[tilespmem:s25+$0x1B9F0] =	vst v1  }
0x1bd: {  	v4 =	vadd.f32 v19, v8;
	[tilespmem:s25+$0x1B9E0] =	vst v3  }
0x1be: {  	v2 =	vadd.f32 v12, v5;
	[tilespmem:s25+$0x1B9B0] =	vst v6  }
0x1bf: {  	[tilespmem:s25+$0x1B9C0] =	vst v4  }
0x1c0: {  	s29 =	simm.s32 $0x0;
	[tilespmem:s25+$0x1B9D0] =	vst v2  }
0x1c1: {  	v1 =	vld [tilespmem:s29+$0x198F0]  }
0x1c2: {  	v3 =	vld [tilespmem:s29+$0x19880]  }
0x1c3: {  	v4 =	vld [tilespmem:s29+$0x19890]  }
0x1c4: {  	v12 =	vld [tilespmem:s29+$0x198A0]  }
0x1c5: {  	v11 =	vld [tilespmem:s29+$0x198B0]  }
0x1c6: {  	v9 =	vimm.f32 $0.0e+00;
	v2 =	vimm.f32 $0.0e+00;
	v8 =	vld [tilespmem:s29+$0x198C0]  }
0x1c7: {  	v7 =	vimm.f32 $0.0e+00;
	v5 =	vimm.f32 $0.0e+00;
	v10 =	vld [tilespmem:s29+$0x198D0];
	v1 =	vadd.f32 v1, v2  }
0x1c8: {  	s28 =	simm.s32 $0x400;
	s26 =	simm.s32 $0x80;
	v13 =	vld [tilespmem:s29+$0x198E0];
	v6 =	vadd.f32 v3, v2;
	v4 =	vadd.f32 v4, v2;
	v3 =	vimm.f32 $0.0e+00  }
.LBB2_15:
0x1c9: {  	p0 =	sne.s32 s28, $0x7E00;
	v14 =	vld [tilespmem:s26+$0x198F0];
	v2 =	vadd.f32 v12, v2  }
0x1ca: {  	v15 =	vld [tilespmem:s26+$0x19880];
	v7 =	vadd.f32 v11, v7  }
0x1cb: {  	v16 =	vld [tilespmem:s26+$0x19890];
	v9 =	vadd.f32 v8, v9  }
.Ltmp6:
0x1cc: {  	v12 =	vld [tilespmem:s26+$0x198A0];
	v5 =	vadd.f32 v10, v5;
	(pc) =	sbr.rel @p0 .LBB2_15-.Ltmp6, $4  }
0x1cd: {  	v11 =	vld [tilespmem:s26+$0x198B0];
	v3 =	vadd.f32 v13, v3  }
0x1ce: {  	v8 =	vld [tilespmem:s26+$0x198C0];
	v1 =	vadd.f32 v14, v1  }
0x1cf: {  	v6 =	vadd.f32 v15, v6;
	v10 =	vld [tilespmem:s26+$0x198D0]  }
0x1d0: {  	v4 =	vadd.f32 v16, v4;
	v13 =	vld [tilespmem:s26+$0x198E0];
	s26 =	sshra.s32 s28, $0x2;
	s28 =	sadd.s32 $0x200, s28  }
0x1d1: {  	v15 =	vld [tilespmem:s26+$0x19880]  }
0x1d2: {  	v16 =	vld [tilespmem:s26+$0x19890]  }
0x1d3: {  	v17 =	vld [tilespmem:s26+$0x198A0]  }
0x1d4: {  	v18 =	vld [tilespmem:s26+$0x198B0]  }
0x1d5: {  	v19 =	vld [tilespmem:s26+$0x198C0]  }
0x1d6: {  	v14 =	vld [tilespmem:s26+$0x198F0];
	v2 =	vadd.f32 v12, v2;
	v6 =	vadd.f32 v15, v6  }
0x1d7: {  	v61 =	vld [tilespmem:s26+$0x198E0];
	v7 =	vadd.f32 v11, v7;
	v4 =	vadd.f32 v16, v4  }
0x1d8: {  	v60 =	vld [tilespmem:s26+$0x198D0];
	v8 =	vadd.f32 v8, v9;
	v2 =	vadd.f32 v17, v2;
	[tilespmem:s25+$0x1BA00] =	vst v6  }
0x1d9: {  	s24 =	sadd.s32 $0x1, s24;
	v62 =	vadd.f32 v18, v7;
	[tilespmem:s25+$0x1BA10] =	vst v4  }
0x1da: {  	p0 =	sne.s32 s24, $0x8;
	v3 =	vadd.f32 v13, v3;
	v63 =	vadd.f32 v19, v8;
	[tilespmem:s25+$0x1BA20] =	vst v2  }
.Ltmp7:
0x1db: {  	v5 =	vadd.f32 v10, v5;
	v1 =	vadd.f32 v14, v1;
	[tilespmem:s25+$0x1BA30] =	vst v62;
	(pc) =	sbr.rel @p0 .LBB2_8-.Ltmp7, $4  }
0x1dc: {  	v3 =	vadd.f32 v61, v3;
	[tilespmem:s25+$0x1BA40] =	vst v63  }
0x1dd: {  	v2 =	vadd.f32 v60, v5;
	[tilespmem:s25+$0x1BA70] =	vst v1  }
0x1de: {  	[tilespmem:s25+$0x1BA60] =	vst v3  }
0x1df: {  	[tilespmem:s25+$0x1BA50] =	vst v2  }
0x1e0: {  	s23 =	sadd.s32 $0x1, s23  }
0x1e1: {  	p0 =	sne.s32 s23, s12  }
.Ltmp8:
0x1e2: {  	_ = 	snop;
	(pc) =	sbr.rel @p0 .LBB2_1-.Ltmp8, $4  }
0x1e3: {  	[hbm4b:s11+s3] =	stream.linear.scatter [tilespmem:s22], [sflag:$0x2], $0x1000, $0x38;
	[tilespmem:$0x1F500] =	vst v63  }
0x1e4: {  	_ =	swait.ge [sflag:s14], $0x1000  }
0x1e5: {  	[sflag:s14] =	ssyncset.done $0x0  }
0x1e6: {  	[sflag:s14] =	ssyncadd.s32 $0xFFFFF000  }
0x1e7: {  	_ =	sfence.sel $0x180000  }
0x1e8: {  	[bflag:$0x0] =	sbarrier.arrive $0xFFFF  }
0x1e9: {  	p0 =	sne.s32 s2, $0x0;
	_ =	strace $0x90000047  }
0x1ea: {  	s0 =	sadd.s32 @!p0 $0x100000, s0;
	[bflag:$0x2] =	sbarrier.arrive $0xFFFF  }
0x1eb: {  	[sflag:s0] =	ssyncadd.tile.s32 @!p0 $0x1;
	_ =	shalt  }
.Lfunc_end2:
_tile_overlayer_lowered:
.L_overlay_start_2:
0x1ec: {  	(tag) =	ssettag $0x2  }
0x1ed: {  	s0 =	rddreg [dreg:$0x0];
	s2 =	stileid.u32  }
0x1ee: {  	s1 =	rddreg [dreg:$0x1];
	p0 =	sne.s32 s2, $0x0  }
0x1ef: {  	s3 =	rddreg [dreg:$0x2];
	[bflag:$0x3] =	sbarrier.arrive $0xFFFF;
	s2 =	simm.s32 @!p0 $0x1C02  }
0x1f0: {  	[timem:s3], [sflag:s2] =	dma.local @!p0 [hbm:s0], s1  }
0x1f1: {  	s0 =	simm.s32 @!p0 $0x2  }
0x1f2: {  	_ =	swait.ge @!p0 [sflag:s0], s1  }
0x1f3: {  	s1 =	ssub.s32 @!p0 $0x0, s1;
	[sflag:s0] =	ssyncset.done @!p0 $0x0  }
0x1f4: {  	[sflag:s0] =	ssyncadd.s32 @!p0 s1  }
0x1f5: {  	[bflag:$0x3] =	sbarrier.arrive $0xFFFF  }
0x1f6: {  	_ =	shalt  }

</sc_bundles>
